<compile_context>
chip_gen: v7x
topology: tpu7x:2x2x1
jax: 0.10.2.dev20260603
libtpu: 0.0.44.dev20260713+nightly
codegen_flags: <defaults>
</compile_context>

<pallas_src>
import functools

import jax
import jax.numpy as jnp
from jax.experimental import pallas as pl
from jax.experimental.pallas import tpu as pltpu

_SUPPORT = 0.05
_NB = 4
_MB = 4
_SPACING = 2.0 / (_NB - 1)
_INV_PI = 1.0 / 3.14159265358979323846


def _hat(c, center):
    return jnp.maximum(0.0, 1.0 - jnp.abs(c - center) * (1.0 / _SPACING))


def _atan2(y, x):
    ax = jnp.abs(x)
    ay = jnp.abs(y)
    hi = jnp.maximum(ax, ay)
    lo = jnp.minimum(ax, ay)
    z = lo / hi
    t = z * z
    p = z * (0.99997726 + t * (-0.33262347 + t * (0.19354346 + t * (
        -0.11643287 + t * (0.05265332 + t * -0.01172120)))))
    p = jnp.where(ay > ax, 1.57079632679 - p, p)
    p = jnp.where(x < 0.0, 3.14159265359 - p, p)
    p = jnp.where(hi == 0.0, 0.0, p)
    yneg = jax.lax.bitcast_convert_type(y, jnp.int32) < 0
    return jnp.where(yneg, -p, p)


def _mm_body(x_ref, w_ref, out_ref, *, relu):
    r = jnp.dot(x_ref[...], w_ref[...], preferred_element_type=jnp.float32)
    if relu:
        r = jnp.maximum(r, 0.0)
    out_ref[...] = r


def _mm(x, w, relu=False):
    return pl.pallas_call(
        functools.partial(_mm_body, relu=relu),
        out_shape=jax.ShapeDtypeStruct((x.shape[0], w.shape[1]), jnp.float32),
    )(x, w)


def _conv_body(ptT_ref, ps_ref, hsT_ref, *rest, sign, self_mask, relu,
               has_add, Tb, Sb, oc, nsc):
    if has_add:
        add_ref, out_ref = rest
    else:
        (out_ref,) = rest
    ti = pl.program_id(0)

    ptT = ptT_ref[...]
    ty = ptT[1:2, :]
    tymin = jnp.min(ty)
    tymax = jnp.max(ty)

    def chunk(c, acc):
        symin = jnp.min(ps_ref[c, 0:1, 1:2])
        symax = jnp.min(ps_ref[c, Sb - 1:Sb, 1:2])
        ov = (symin <= tymax + _SUPPORT) & (tymin - _SUPPORT <= symax)

        def work():
            ps = ps_ref[c]
            dx = ps[:, 0:1] - ptT[0:1, :]
            dy = ps[:, 1:2] - ty
            d2 = dx * dx + dy * dy
            mask = d2 <= _SUPPORT * _SUPPORT
            if self_mask:
                gs = c * Sb + jax.lax.broadcasted_iota(jnp.int32, (Sb, Tb), 0)
                gt = ti * Tb + jax.lax.broadcasted_iota(jnp.int32, (Sb, Tb), 1)
                mask = mask & (gt != gs)
            evx = jnp.clip(sign * dx * (1.0 / _SUPPORT), -1.0, 1.0)
            evy = jnp.clip(sign * dy * (1.0 / _SUPPORT), -1.0, 1.0)
            r = jnp.clip(jnp.sqrt(evx * evx + evy * evy + 1e-12), 0.0, 1.0)
            c1 = 2.0 * r - 1.0
            c2 = _atan2(evy, evx) * _INV_PI
            fm = mask.astype(jnp.float32)

            inner = acc
            bys = [_hat(c2, -1.0 + _SPACING * m).astype(jnp.bfloat16)
                   for m in range(_MB)]
            for n in range(_NB):
                bxn = (_hat(c1, -1.0 + _SPACING * n) * fm).astype(jnp.bfloat16)
                for m in range(_MB):
                    a = bxn * bys[m]
                    inner = inner + jnp.dot(hsT_ref[c, n * _MB + m], a,
                                            preferred_element_type=jnp.float32)
            return inner

        return jax.lax.cond(ov, work, lambda: acc)

    res = jax.lax.fori_loop(0, nsc, chunk,
                            jnp.zeros((oc, Tb), jnp.float32))
    if has_add:
        res = res + add_ref[...]
    if relu:
        res = jnp.maximum(res, 0.0)
    out_ref[...] = res


def _conv(ptT, ps3, hsT, add=None, *, sign, self_mask, relu, Tb=256, Sb=256):
    T = ptT.shape[1]
    nsc = ps3.shape[0]
    oc = hsT.shape[2]
    grid = (T // Tb,)
    in_specs = [
        pl.BlockSpec((2, Tb), lambda t: (0, t)),
        pl.BlockSpec(ps3.shape, lambda t: (0, 0, 0)),
        pl.BlockSpec(hsT.shape, lambda t: (0, 0, 0, 0)),
    ]
    args = [ptT, ps3, hsT]
    if add is not None:
        in_specs.append(pl.BlockSpec((oc, Tb), lambda t: (0, t)))
        args.append(add)
    body = functools.partial(
        _conv_body, sign=sign, self_mask=self_mask, relu=relu,
        has_add=add is not None, Tb=Tb, Sb=Sb, oc=oc, nsc=nsc)
    return pl.pallas_call(
        body,
        grid=grid,
        in_specs=in_specs,
        out_specs=pl.BlockSpec((oc, Tb), lambda t: (0, t)),
        out_shape=jax.ShapeDtypeStruct((oc, T), jnp.float32),
        compiler_params=pltpu.CompilerParams(
            dimension_semantics=("parallel",)),
    )(*args)


def _wrT(W, oc_pad=None):
    n, m, ci, co = W.shape
    if oc_pad is not None and oc_pad != co:
        W = jnp.pad(W, ((0, 0), (0, 0), (0, 0), (0, oc_pad - co)))
        co = oc_pad
    return jnp.transpose(W, (0, 1, 3, 2)).reshape(n * m * co, ci)


def _hsT(hsT2, oc, Sb=256):
    S = hsT2.shape[1]
    h = hsT2.reshape(_NB * _MB, oc, S // Sb, Sb)
    return jnp.transpose(h, (2, 0, 1, 3)).astype(jnp.bfloat16)


def _ps3(p, Sb=256):
    return p.reshape(p.shape[0] // Sb, Sb, 2)


def kernel(fluidPositions, boundaryPositions, fluidFeatures, boundaryFeatures,
           W0, W1, W2, W3, Wfc0, Wfc1, Wfc2):
    forder = jnp.argsort(fluidPositions[:, 1])
    border = jnp.argsort(boundaryPositions[:, 1])
    fluidPositions = fluidPositions[forder]
    fluidFeatures = fluidFeatures[forder]
    boundaryPositions = boundaryPositions[border]
    boundaryFeatures = boundaryFeatures[border]

    pfT = jnp.transpose(fluidPositions)
    fT = jnp.transpose(fluidFeatures)
    bT = jnp.transpose(boundaryFeatures)

    linT = _mm(jnp.transpose(Wfc0), fT, relu=True)

    hsT1 = _hsT(_mm(_wrT(W1), bT), 32)
    bconvT = _conv(pfT, _ps3(boundaryPositions), hsT1,
                   sign=1.0, self_mask=False, relu=True)

    hsT0 = _hsT(_mm(_wrT(W0), fT), 32)
    fconvT = _conv(pfT, _ps3(fluidPositions), hsT0,
                   sign=-1.0, self_mask=True, relu=True)

    ansT = jnp.concatenate([linT, fconvT, bconvT], axis=0)

    fc1T = _mm(jnp.transpose(Wfc1), ansT)
    hsT2 = _hsT(_mm(_wrT(W2), ansT), 32)
    hiddenT = _conv(pfT, _ps3(fluidPositions), hsT2, add=fc1T,
                    sign=-1.0, self_mask=True, relu=True)

    fc2T = _mm(jnp.transpose(jnp.pad(Wfc2, ((0, 0), (0, 6)))), hiddenT)
    hsT3 = _hsT(_mm(_wrT(W3, oc_pad=8), hiddenT), 8)
    outT = _conv(pfT, _ps3(fluidPositions), hsT3, add=fc2T,
                 sign=-1.0, self_mask=True, relu=False)
    return jnp.transpose(outT[:2])[jnp.argsort(forder)]

# --- scband reference (transcript-rebuilt; emitter-appended) ---
"""Pipeline reference for scband-rbf-net-17523466568133 (READ-ONLY COPY).

The authoritative reference and input builder live on the scoring server;
editing this copy changes nothing except your own understanding.
"""

import jax, jax.numpy as jnp
import numpy as np

N_FLUID = 4096
N_BOUNDARY = 1024
SUPPORT = 0.05
D_IN = 32
BASIS_N = 4
BASIS_M = 4

def _hat_basis(x, k):
    # piecewise-linear 'linear' rbf basis: hat functions on k evenly spaced centers in [-1, 1]
    centers = jnp.linspace(-1.0, 1.0, k)
    spacing = 2.0 / (k - 1)
    return jnp.maximum(0.0, 1.0 - jnp.abs(x[:, None] - centers[None, :]) / spacing)

def _polar_map(e):
    # coordinateMapping='polar': map 2D normalized edge vector to (2r-1, theta/pi) in [-1,1]^2
    r = jnp.clip(jnp.sqrt((e ** 2).sum(-1) + 1e-12), 0.0, 1.0)
    theta = jnp.arctan2(e[:, 1], e[:, 0]) / jnp.pi
    return 2.0 * r - 1.0, theta

def _rbf_conv(src_feats, mask, edge_vec, W):
    # continuous convolution over the full (target, source) pair grid with a
    # fixed-shape adjacency mask; masked pairs contribute exact zeros
    in_ch, out_ch = W.shape[2], W.shape[3]
    Wf = W.reshape(-1, in_ch * out_ch)

    def _row(mr, evr):
        c1, c2 = _polar_map(evr)
        bx = _hat_basis(c1, W.shape[0])
        by = _hat_basis(c2, W.shape[1])
        basis = (bx[:, :, None] * by[:, None, :]).reshape(evr.shape[0], -1)
        edge_w = (basis @ Wf).reshape(-1, in_ch, out_ch)
        msg = jnp.einsum('ei,eio->eo', src_feats, edge_w)
        return jnp.where(mr[:, None], msg, jnp.zeros_like(msg)).sum(0)

    def _block(carry, blk):
        m, ev = blk
        return carry, jax.vmap(_row)(m, ev)

    T, S = mask.shape
    B = 16
    mb = mask.reshape(T // B, B, S)
    eb = edge_vec.reshape(T // B, B, S, 2)
    _, out = jax.lax.scan(_block, 0, (mb, eb))
    return out.reshape(T, out_ch).astype(src_feats.dtype)

def setup_inputs(seed: int = 0):
    key = jax.random.key(seed)
    ks = jax.random.split(key, 12)
    s = 0.1
    return {
        'fluidPositions': jax.random.uniform(ks[0], (N_FLUID, 2), jnp.float32),
        'boundaryPositions': jax.random.uniform(ks[1], (N_BOUNDARY, 2), jnp.float32),
        'fluidFeatures': jax.random.normal(ks[2], (N_FLUID, D_IN), jnp.float32),
        'boundaryFeatures': jax.random.normal(ks[3], (N_BOUNDARY, D_IN), jnp.float32),
        'W0': jax.random.normal(ks[4], (BASIS_N, BASIS_M, D_IN, 32), jnp.float32) * s,
        'W1': jax.random.normal(ks[5], (BASIS_N, BASIS_M, D_IN, 32), jnp.float32) * s,
        'W2': jax.random.normal(ks[6], (BASIS_N, BASIS_M, 96, 32), jnp.float32) * s,
        'W3': jax.random.normal(ks[7], (BASIS_N, BASIS_M, 32, 2), jnp.float32) * s,
        'Wfc0': jax.random.normal(ks[8], (D_IN, 32), jnp.float32) * s,
        'Wfc1': jax.random.normal(ks[9], (96, 32), jnp.float32) * s,
        'Wfc2': jax.random.normal(ks[10], (32, 2), jnp.float32) * s,
    }

def reference(fluidPositions, boundaryPositions, fluidFeatures, boundaryFeatures, W0, W1, W2, W3, Wfc0, Wfc1, Wfc2):
    # radius graphs (attributes['support'] = SUPPORT, batches = None), expressed as
    # fixed-shape dense adjacency masks over all (target, source) pairs
    d2_ff = ((fluidPositions[:, None, :] - fluidPositions[None, :, :]) ** 2).sum(-1)
    # centerIgnore: drop self loops in fluid-fluid graph
    idx = jnp.arange(fluidPositions.shape[0])
    mask_ff = (d2_ff <= SUPPORT * SUPPORT) & (idx[:, None] != idx[None, :])
    d2_bf = ((fluidPositions[:, None, :] - boundaryPositions[None, :, :]) ** 2).sum(-1)
    mask_bf = d2_bf <= SUPPORT * SUPPORT
    bnd_vec = jnp.clip((boundaryPositions[None, :, :] - fluidPositions[:, None, :]) / SUPPORT, -1.0, 1.0)
    fld_vec = jnp.clip(-(fluidPositions[None, :, :] - fluidPositions[:, None, :]) / SUPPORT, -1.0, 1.0)
    lin = jax.nn.relu(fluidFeatures @ Wfc0)
    bconv = jax.nn.relu(_rbf_conv(boundaryFeatures, mask_bf, bnd_vec, W1))
    fconv = jax.nn.relu(_rbf_conv(fluidFeatures, mask_ff, fld_vec, W0))
    ans = jnp.concatenate([lin, fconv, bconv], axis=1)
    # hidden layer (in=96, out=32): no residual since shapes differ
    ans = jax.nn.relu(_rbf_conv(ans, mask_ff, fld_vec, W2) + ans @ Wfc1)
    # output layer (in=32, out=2): no activation, no residual
    ans = _rbf_conv(ans, mask_ff, fld_vec, W3) + ans @ Wfc2
    return ans

if __name__ == "__main__":
    import jax
    _d = setup_inputs()
    print(jax.jit(kernel)(*tuple(_d.values())))

</pallas_src>

<mosaic_0001>
module attributes {stable_mosaic.version = 14 : i64} {
  func.func @_mm_body(%arg0: memref<512x32xf32, #tpu.memory_space<vmem>>, %arg1: memref<32x1024xf32, #tpu.memory_space<vmem>>, %arg2: memref<512x1024xf32, #tpu.memory_space<vmem>>) attributes {dimension_semantics = [], scalar_prefetch = 0 : i64, scratch_operands = 0 : i64, tpu.core_type = #tpu.core_type<tc>} {
    %get3A = arith.constant 0 : index
    %get3A_0 = arith.constant 0 : index
    %get3A_1 = vector.load %arg0[%get3A, %get3A_0] : memref<512x32xf32, #tpu.memory_space<vmem>>, vector<512x32xf32>
    %get3A_2 = arith.constant 0 : index
    %get3A_3 = arith.constant 0 : index
    %get3A_4 = vector.load %arg1[%get3A_2, %get3A_3] : memref<32x1024xf32, #tpu.memory_space<vmem>>, vector<32x1024xf32>
    %dot_general3A = arith.constant dense<0.000000e+00> : vector<512x1024xf32>
    %dot_general3A_5 = tpu.matmul %get3A_1, %get3A_4, %dot_general3A {dimension_numbers = #tpu.dot_dimension_numbers<[1], [0], [0], [1], [0, 0, 1, 1], [], []>, transpose_lhs_hint = false} : vector<512x32xf32>, vector<32x1024xf32>, vector<512x1024xf32> -> vector<512x1024xf32>
    %swap3A = arith.constant 0 : index
    %swap3A_6 = arith.constant 0 : index
    %swap3A_7 = vector.load %arg2[%swap3A, %swap3A_6] : memref<512x1024xf32, #tpu.memory_space<vmem>>, vector<512x1024xf32>
    tpu.vector_store %arg2[%swap3A, %swap3A_6], %dot_general3A_5 {strides = array<i32>} : memref<512x1024xf32, #tpu.memory_space<vmem>>, vector<512x1024xf32>,
    return
  }
}

module attributes {stable_mosaic.version = 14 : i64} {
  func.func @_conv_body(%arg0: i32, %arg1: memref<2x256xf32, #tpu.memory_space<vmem>>, %arg2: memref<4x256x2xf32, #tpu.memory_space<vmem>>, %arg3: memref<4x16x32x256xbf16, #tpu.memory_space<vmem>>, %arg4: memref<32x256xf32, #tpu.memory_space<vmem>>) attributes {dimension_semantics = [#tpu.dimension_semantics<parallel>], iteration_bounds = array<i64: 16>, scalar_prefetch = 0 : i64, scratch_operands = 0 : i64, tpu.core_type = #tpu.core_type<tc>, window_params = [{transform_indices = @transform_0, window_bounds = array<i64: 2, 256>}, {pipeline_mode = #tpu.pipeline_mode<synchronous>, transform_indices = @transform_1, window_bounds = array<i64: 4, 256, 2>}, {pipeline_mode = #tpu.pipeline_mode<synchronous>, transform_indices = @transform_2, window_bounds = array<i64: 4, 16, 32, 256>}, {transform_indices = @transform_3, window_bounds = array<i64: 32, 256>}]} {
    %get3A = arith.constant 0 : index
    %get3A_0 = arith.constant 0 : index
    %get3A_1 = vector.load %arg1[%get3A, %get3A_0] : memref<2x256xf32, #tpu.memory_space<vmem>>, vector<2x256xf32>
    %slice3A = vector.extract_strided_slice %get3A_1 {offsets = [1, 0], sizes = [1, 256], strides = [1, 1]} : vector<2x256xf32> to vector<1x256xf32>
    %reduce_min3A = vector.shape_cast %slice3A : vector<1x256xf32> to vector<1x1x256xf32>
    %reduce_min3A_2 = arith.constant dense<0x7F800000> : vector<1xf32>
    %reduce_min3A_3 = vector.multi_reduction <minimumf>, %reduce_min3A, %reduce_min3A_2 [1, 2] : vector<1x1x256xf32> to vector<1xf32>
    %reduce_min3A_4 = vector.shape_cast %reduce_min3A_3 : vector<1xf32> to vector<1x1x1xf32>
    %reduce_min3A_5 = vector.extract %reduce_min3A_4[0, 0, 0] : f32 from vector<1x1x1xf32>
    %reduce_max3A = vector.shape_cast %slice3A : vector<1x256xf32> to vector<1x1x256xf32>
    %reduce_max3A_6 = arith.constant dense<0xFF800000> : vector<1xf32>
    %reduce_max3A_7 = vector.multi_reduction <maximumf>, %reduce_max3A, %reduce_max3A_6 [1, 2] : vector<1x1x256xf32> to vector<1xf32>
    %reduce_max3A_8 = vector.shape_cast %reduce_max3A_7 : vector<1xf32> to vector<1x1x1xf32>
    %reduce_max3A_9 = vector.extract %reduce_max3A_8[0, 0, 0] : f32 from vector<1x1x1xf32>
    %broadcast_in_dim3A = arith.constant 0.000000e+00 : f32
    %broadcast_in_dim3A_10 = vector.broadcast %broadcast_in_dim3A : f32 to vector<32x256xf32>
    %scan3A = arith.constant 0 : i32
    %scan3A_11 = arith.constant 4 : i32
    %scan3A_12 = arith.addi %scan3A, %scan3A_11 : i32
    %scan3A_13 = arith.constant 1 : i32
    %scan3A_14 = scf.for %scan3A_20 = %scan3A to %scan3A_12 step %scan3A_13 iter_args(%scan3A_21 = %broadcast_in_dim3A_10) -> (vector<32x256xf32>)  : i32 {
      %get3A_22 = arith.index_cast %scan3A_20 : i32 to index
      %get3A_23 = arith.constant 0 : index
      %get3A_24 = arith.constant 1 : index
      %get3A_25 = vector.load %arg2[%get3A_22, %get3A_23, %get3A_24] : memref<4x256x2xf32, #tpu.memory_space<vmem>>, vector<1x1x1xf32>
      %get3A_26 = vector.shape_cast %get3A_25 : vector<1x1x1xf32> to vector<1x1xf32>
      %reduce_min3A_27 = vector.shape_cast %get3A_26 : vector<1x1xf32> to vector<1x1x1xf32>
      %reduce_min3A_28 = arith.constant dense<0x7F800000> : vector<1xf32>
      %reduce_min3A_29 = vector.multi_reduction <minimumf>, %reduce_min3A_27, %reduce_min3A_28 [1, 2] : vector<1x1x1xf32> to vector<1xf32>
      %reduce_min3A_30 = vector.shape_cast %reduce_min3A_29 : vector<1xf32> to vector<1x1x1xf32>
      %reduce_min3A_31 = vector.extract %reduce_min3A_30[0, 0, 0] : f32 from vector<1x1x1xf32>
      %get3A_32 = arith.index_cast %scan3A_20 : i32 to index
      %get3A_33 = arith.constant 255 : index
      %get3A_34 = arith.constant 1 : index
      %get3A_35 = vector.load %arg2[%get3A_32, %get3A_33, %get3A_34] : memref<4x256x2xf32, #tpu.memory_space<vmem>>, vector<1x1x1xf32>
      %get3A_36 = vector.shape_cast %get3A_35 : vector<1x1x1xf32> to vector<1x1xf32>
      %reduce_min3A_37 = vector.shape_cast %get3A_36 : vector<1x1xf32> to vector<1x1x1xf32>
      %reduce_min3A_38 = arith.constant dense<0x7F800000> : vector<1xf32>
      %reduce_min3A_39 = vector.multi_reduction <minimumf>, %reduce_min3A_37, %reduce_min3A_38 [1, 2] : vector<1x1x1xf32> to vector<1xf32>
      %reduce_min3A_40 = vector.shape_cast %reduce_min3A_39 : vector<1xf32> to vector<1x1x1xf32>
      %reduce_min3A_41 = vector.extract %reduce_min3A_40[0, 0, 0] : f32 from vector<1x1x1xf32>
      %add3A = arith.constant 5.000000e-02 : f32
      %add3A_42 = arith.addf %reduce_max3A_9, %add3A : f32
      %le3A = arith.cmpf ole, %reduce_min3A_31, %add3A_42 : f32
      %sub3A = arith.constant 5.000000e-02 : f32
      %sub3A_43 = arith.subf %reduce_min3A_5, %sub3A : f32
      %le3A_44 = arith.cmpf ole, %sub3A_43, %reduce_min3A_41 : f32
      %and3A = arith.andi %le3A, %le3A_44 : i1
      %convert_element_type3A = arith.extui %and3A : i1 to i32
      %cond3A = arith.constant 0 : i32
      %cond3A_45 = arith.cmpi ne, %convert_element_type3A, %cond3A : i32
      %cond3A_46 = scf.if %cond3A_45 -> (vector<32x256xf32>) {
        %get3A_47 = arith.index_cast %scan3A_20 : i32 to index
        %get3A_48 = arith.constant 0 : index
        %get3A_49 = arith.constant 0 : index
        %get3A_50 = vector.load %arg2[%get3A_47, %get3A_48, %get3A_49] : memref<4x256x2xf32, #tpu.memory_space<vmem>>, vector<1x256x2xf32>
        %get3A_51 = vector.shape_cast %get3A_50 : vector<1x256x2xf32> to vector<256x2xf32>
        %slice3A_52 = vector.extract_strided_slice %get3A_51 {offsets = [0, 0], sizes = [256, 1], strides = [1, 1]} : vector<256x2xf32> to vector<256x1xf32>
        %slice3A_53 = vector.extract_strided_slice %get3A_1 {offsets = [0, 0], sizes = [1, 256], strides = [1, 1]} : vector<2x256xf32> to vector<1x256xf32>
        %sub3A_54 = vector.broadcast %slice3A_52 : vector<256x1xf32> to vector<256x256xf32>
        %sub3A_55 = vector.broadcast %slice3A_53 : vector<1x256xf32> to vector<256x256xf32>
        %sub3A_56 = arith.subf %sub3A_54, %sub3A_55 : vector<256x256xf32>
        %slice3A_57 = vector.extract_strided_slice %get3A_51 {offsets = [0, 1], sizes = [256, 1], strides = [1, 1]} : vector<256x2xf32> to vector<256x1xf32>
        %sub3A_58 = vector.broadcast %slice3A_57 : vector<256x1xf32> to vector<256x256xf32>
        %sub3A_59 = vector.broadcast %slice3A : vector<1x256xf32> to vector<256x256xf32>
        %sub3A_60 = arith.subf %sub3A_58, %sub3A_59 : vector<256x256xf32>
        %mul3A = arith.mulf %sub3A_56, %sub3A_56 : vector<256x256xf32>
        %mul3A_61 = arith.mulf %sub3A_60, %sub3A_60 : vector<256x256xf32>
        %add3A_62 = arith.addf %mul3A, %mul3A_61 : vector<256x256xf32>
        %le3A_63 = arith.constant 2.500000e-03 : f32
        %le3A_64 = vector.broadcast %le3A_63 : f32 to vector<256x256xf32>
        %le3A_65 = arith.cmpf ole, %add3A_62, %le3A_64 : vector<256x256xf32>
        %mul3A_66 = arith.constant 1.000000e+00 : f32
        %mul3A_67 = vector.broadcast %mul3A_66 : f32 to vector<256x256xf32>
        %mul3A_68 = arith.mulf %mul3A_67, %sub3A_56 : vector<256x256xf32>
        %mul3A_69 = arith.constant 2.000000e+01 : f32
        %mul3A_70 = vector.broadcast %mul3A_69 : f32 to vector<256x256xf32>
        %mul3A_71 = arith.mulf %mul3A_68, %mul3A_70 : vector<256x256xf32>
        %jit3A = arith.constant -1.000000e+00 : f32
        %jit3A_72 = arith.constant 1.000000e+00 : f32
        %max3A_73 = vector.broadcast %jit3A : f32 to vector<256x256xf32>
        %max3A_74 = arith.maximumf %max3A_73, %mul3A_71 : vector<256x256xf32>
        %min3A = vector.broadcast %jit3A_72 : f32 to vector<256x256xf32>
        %min3A_75 = arith.minimumf %min3A, %max3A_74 : vector<256x256xf32>
        %mul3A_76 = arith.constant 1.000000e+00 : f32
        %mul3A_77 = vector.broadcast %mul3A_76 : f32 to vector<256x256xf32>
        %mul3A_78 = arith.mulf %mul3A_77, %sub3A_60 : vector<256x256xf32>
        %mul3A_79 = arith.constant 2.000000e+01 : f32
        %mul3A_80 = vector.broadcast %mul3A_79 : f32 to vector<256x256xf32>
        %mul3A_81 = arith.mulf %mul3A_78, %mul3A_80 : vector<256x256xf32>
        %jit3A_82 = arith.constant -1.000000e+00 : f32
        %jit3A_83 = arith.constant 1.000000e+00 : f32
        %max3A_84 = vector.broadcast %jit3A_82 : f32 to vector<256x256xf32>
        %max3A_85 = arith.maximumf %max3A_84, %mul3A_81 : vector<256x256xf32>
        %min3A_86 = vector.broadcast %jit3A_83 : f32 to vector<256x256xf32>
        %min3A_87 = arith.minimumf %min3A_86, %max3A_85 : vector<256x256xf32>
        %mul3A_88 = arith.mulf %min3A_75, %min3A_75 : vector<256x256xf32>
        %mul3A_89 = arith.mulf %min3A_87, %min3A_87 : vector<256x256xf32>
        %add3A_90 = arith.addf %mul3A_88, %mul3A_89 : vector<256x256xf32>
        %add3A_91 = arith.constant 9.99999996E-13 : f32
        %add3A_92 = vector.broadcast %add3A_91 : f32 to vector<256x256xf32>
        %add3A_93 = arith.addf %add3A_90, %add3A_92 : vector<256x256xf32>
        %sqrt3A = math.sqrt %add3A_93 : vector<256x256xf32>
        %jit3A_94 = arith.constant 0.000000e+00 : f32
        %jit3A_95 = arith.constant 1.000000e+00 : f32
        %max3A_96 = vector.broadcast %jit3A_94 : f32 to vector<256x256xf32>
        %max3A_97 = arith.maximumf %max3A_96, %sqrt3A : vector<256x256xf32>
        %min3A_98 = vector.broadcast %jit3A_95 : f32 to vector<256x256xf32>
        %min3A_99 = arith.minimumf %min3A_98, %max3A_97 : vector<256x256xf32>
        %mul3A_100 = arith.constant 2.000000e+00 : f32
        %mul3A_101 = vector.broadcast %mul3A_100 : f32 to vector<256x256xf32>
        %mul3A_102 = arith.mulf %mul3A_101, %min3A_99 : vector<256x256xf32>
        %sub3A_103 = arith.constant 1.000000e+00 : f32
        %sub3A_104 = vector.broadcast %sub3A_103 : f32 to vector<256x256xf32>
        %sub3A_105 = arith.subf %mul3A_102, %sub3A_104 : vector<256x256xf32>
        %abs3A = math.absf %min3A_75 : vector<256x256xf32>
        %abs3A_106 = math.absf %min3A_87 : vector<256x256xf32>
        %max3A_107 = arith.maximumf %abs3A, %abs3A_106 : vector<256x256xf32>
        %min3A_108 = arith.minimumf %abs3A, %abs3A_106 : vector<256x256xf32>
        %div3A = arith.divf %min3A_108, %max3A_107 : vector<256x256xf32>
        %mul3A_109 = arith.mulf %div3A, %div3A : vector<256x256xf32>
        %mul3A_110 = arith.constant -1.172120e-02 : f32
        %mul3A_111 = vector.broadcast %mul3A_110 : f32 to vector<256x256xf32>
        %mul3A_112 = arith.mulf %mul3A_109, %mul3A_111 : vector<256x256xf32>
        %add3A_113 = arith.constant 0.0526533201 : f32
        %add3A_114 = vector.broadcast %add3A_113 : f32 to vector<256x256xf32>
        %add3A_115 = arith.addf %add3A_114, %mul3A_112 : vector<256x256xf32>
        %mul3A_116 = arith.mulf %mul3A_109, %add3A_115 : vector<256x256xf32>
        %add3A_117 = arith.constant -0.116432868 : f32
        %add3A_118 = vector.broadcast %add3A_117 : f32 to vector<256x256xf32>
        %add3A_119 = arith.addf %add3A_118, %mul3A_116 : vector<256x256xf32>
        %mul3A_120 = arith.mulf %mul3A_109, %add3A_119 : vector<256x256xf32>
        %add3A_121 = arith.constant 0.193543464 : f32
        %add3A_122 = vector.broadcast %add3A_121 : f32 to vector<256x256xf32>
        %add3A_123 = arith.addf %add3A_122, %mul3A_120 : vector<256x256xf32>
        %mul3A_124 = arith.mulf %mul3A_109, %add3A_123 : vector<256x256xf32>
        %add3A_125 = arith.constant -0.332623482 : f32
        %add3A_126 = vector.broadcast %add3A_125 : f32 to vector<256x256xf32>
        %add3A_127 = arith.addf %add3A_126, %mul3A_124 : vector<256x256xf32>
        %mul3A_128 = arith.mulf %mul3A_109, %add3A_127 : vector<256x256xf32>
        %add3A_129 = arith.constant 0.999977231 : f32
        %add3A_130 = vector.broadcast %add3A_129 : f32 to vector<256x256xf32>
        %add3A_131 = arith.addf %add3A_130, %mul3A_128 : vector<256x256xf32>
        %mul3A_132 = arith.mulf %div3A, %add3A_131 : vector<256x256xf32>
        %gt3A = arith.cmpf ogt, %abs3A_106, %abs3A : vector<256x256xf32>
        %sub3A_133 = arith.constant 1.57079637 : f32
        %sub3A_134 = vector.broadcast %sub3A_133 : f32 to vector<256x256xf32>
        %sub3A_135 = arith.subf %sub3A_134, %mul3A_132 : vector<256x256xf32>
        %select_n3A = arith.select %gt3A, %sub3A_135, %mul3A_132 : vector<256x256xi1>, vector<256x256xf32>
        %lt3A = arith.constant 0.000000e+00 : f32
        %lt3A_136 = vector.broadcast %lt3A : f32 to vector<256x256xf32>
        %lt3A_137 = arith.cmpf olt, %min3A_75, %lt3A_136 : vector<256x256xf32>
        %sub3A_138 = arith.constant 3.14159274 : f32
        %sub3A_139 = vector.broadcast %sub3A_138 : f32 to vector<256x256xf32>
        %sub3A_140 = arith.subf %sub3A_139, %select_n3A : vector<256x256xf32>
        %select_n3A_141 = arith.select %lt3A_137, %sub3A_140, %select_n3A : vector<256x256xi1>, vector<256x256xf32>
        %eq3A = arith.constant 0.000000e+00 : f32
        %eq3A_142 = vector.broadcast %eq3A : f32 to vector<256x256xf32>
        %eq3A_143 = arith.cmpf oeq, %max3A_107, %eq3A_142 : vector<256x256xf32>
        %jit3A_144 = arith.constant 0.000000e+00 : f32
        %broadcast_in_dim3A_145 = vector.broadcast %jit3A_144 : f32 to vector<256x256xf32>
        %select_n3A_146 = arith.select %eq3A_143, %broadcast_in_dim3A_145, %select_n3A_141 : vector<256x256xi1>, vector<256x256xf32>
        %bitcast_convert_type3A = tpu.bitcast %min3A_87 : vector<256x256xf32> -> vector<256x256xi32>
        %lt3A_147 = arith.constant 0 : i32
        %lt3A_148 = vector.broadcast %lt3A_147 : i32 to vector<256x256xi32>
        %lt3A_149 = arith.cmpi slt, %bitcast_convert_type3A, %lt3A_148 : vector<256x256xi32>
        %neg3A = arith.constant 0.000000e+00 : f32
        %neg3A_150 = vector.broadcast %neg3A : f32 to vector<256x256xf32>
        %neg3A_151 = arith.subf %neg3A_150, %select_n3A_146 : vector<256x256xf32>
        %select_n3A_152 = arith.select %lt3A_149, %neg3A_151, %select_n3A_146 : vector<256x256xi1>, vector<256x256xf32>
        %mul3A_153 = arith.constant 0.318309873 : f32
        %mul3A_154 = vector.broadcast %mul3A_153 : f32 to vector<256x256xf32>
        %mul3A_155 = arith.mulf %select_n3A_152, %mul3A_154 : vector<256x256xf32>
        %convert_element_type3A_156 = arith.extui %le3A_65 : vector<256x256xi1> to vector<256x256xi32>
        %convert_element_type3A_157 = arith.sitofp %convert_element_type3A_156 : vector<256x256xi32> to vector<256x256xf32>
        %sub3A_158 = arith.constant -1.000000e+00 : f32
        %sub3A_159 = vector.broadcast %sub3A_158 : f32 to vector<256x256xf32>
        %sub3A_160 = arith.subf %mul3A_155, %sub3A_159 : vector<256x256xf32>
        %abs3A_161 = math.absf %sub3A_160 : vector<256x256xf32>
        %mul3A_162 = arith.constant 1.500000e+00 : f32
        %mul3A_163 = vector.broadcast %mul3A_162 : f32 to vector<256x256xf32>
        %mul3A_164 = arith.mulf %abs3A_161, %mul3A_163 : vector<256x256xf32>
        %sub3A_165 = arith.constant 1.000000e+00 : f32
        %sub3A_166 = vector.broadcast %sub3A_165 : f32 to vector<256x256xf32>
        %sub3A_167 = arith.subf %sub3A_166, %mul3A_164 : vector<256x256xf32>
        %max3A_168 = arith.constant 0.000000e+00 : f32
        %max3A_169 = vector.broadcast %max3A_168 : f32 to vector<256x256xf32>
        %max3A_170 = arith.maximumf %max3A_169, %sub3A_167 : vector<256x256xf32>
        %convert_element_type3A_171 = arith.truncf %max3A_170 : vector<256x256xf32> to vector<256x256xbf16>
        %sub3A_172 = arith.constant -0.333333343 : f32
        %sub3A_173 = vector.broadcast %sub3A_172 : f32 to vector<256x256xf32>
        %sub3A_174 = arith.subf %mul3A_155, %sub3A_173 : vector<256x256xf32>
        %abs3A_175 = math.absf %sub3A_174 : vector<256x256xf32>
        %mul3A_176 = arith.constant 1.500000e+00 : f32
        %mul3A_177 = vector.broadcast %mul3A_176 : f32 to vector<256x256xf32>
        %mul3A_178 = arith.mulf %abs3A_175, %mul3A_177 : vector<256x256xf32>
        %sub3A_179 = arith.constant 1.000000e+00 : f32
        %sub3A_180 = vector.broadcast %sub3A_179 : f32 to vector<256x256xf32>
        %sub3A_181 = arith.subf %sub3A_180, %mul3A_178 : vector<256x256xf32>
        %max3A_182 = arith.constant 0.000000e+00 : f32
        %max3A_183 = vector.broadcast %max3A_182 : f32 to vector<256x256xf32>
        %max3A_184 = arith.maximumf %max3A_183, %sub3A_181 : vector<256x256xf32>
        %convert_element_type3A_185 = arith.truncf %max3A_184 : vector<256x256xf32> to vector<256x256xbf16>
        %sub3A_186 = arith.constant 0.333333343 : f32
        %sub3A_187 = vector.broadcast %sub3A_186 : f32 to vector<256x256xf32>
        %sub3A_188 = arith.subf %mul3A_155, %sub3A_187 : vector<256x256xf32>
        %abs3A_189 = math.absf %sub3A_188 : vector<256x256xf32>
        %mul3A_190 = arith.constant 1.500000e+00 : f32
        %mul3A_191 = vector.broadcast %mul3A_190 : f32 to vector<256x256xf32>
        %mul3A_192 = arith.mulf %abs3A_189, %mul3A_191 : vector<256x256xf32>
        %sub3A_193 = arith.constant 1.000000e+00 : f32
        %sub3A_194 = vector.broadcast %sub3A_193 : f32 to vector<256x256xf32>
        %sub3A_195 = arith.subf %sub3A_194, %mul3A_192 : vector<256x256xf32>
        %max3A_196 = arith.constant 0.000000e+00 : f32
        %max3A_197 = vector.broadcast %max3A_196 : f32 to vector<256x256xf32>
        %max3A_198 = arith.maximumf %max3A_197, %sub3A_195 : vector<256x256xf32>
        %convert_element_type3A_199 = arith.truncf %max3A_198 : vector<256x256xf32> to vector<256x256xbf16>
        %sub3A_200 = arith.constant 1.000000e+00 : f32
        %sub3A_201 = vector.broadcast %sub3A_200 : f32 to vector<256x256xf32>
        %sub3A_202 = arith.subf %mul3A_155, %sub3A_201 : vector<256x256xf32>
        %abs3A_203 = math.absf %sub3A_202 : vector<256x256xf32>
        %mul3A_204 = arith.constant 1.500000e+00 : f32
        %mul3A_205 = vector.broadcast %mul3A_204 : f32 to vector<256x256xf32>
        %mul3A_206 = arith.mulf %abs3A_203, %mul3A_205 : vector<256x256xf32>
        %sub3A_207 = arith.constant 1.000000e+00 : f32
        %sub3A_208 = vector.broadcast %sub3A_207 : f32 to vector<256x256xf32>
        %sub3A_209 = arith.subf %sub3A_208, %mul3A_206 : vector<256x256xf32>
        %max3A_210 = arith.constant 0.000000e+00 : f32
        %max3A_211 = vector.broadcast %max3A_210 : f32 to vector<256x256xf32>
        %max3A_212 = arith.maximumf %max3A_211, %sub3A_209 : vector<256x256xf32>
        %convert_element_type3A_213 = arith.truncf %max3A_212 : vector<256x256xf32> to vector<256x256xbf16>
        %sub3A_214 = arith.constant -1.000000e+00 : f32
        %sub3A_215 = vector.broadcast %sub3A_214 : f32 to vector<256x256xf32>
        %sub3A_216 = arith.subf %sub3A_105, %sub3A_215 : vector<256x256xf32>
        %abs3A_217 = math.absf %sub3A_216 : vector<256x256xf32>
        %mul3A_218 = arith.constant 1.500000e+00 : f32
        %mul3A_219 = vector.broadcast %mul3A_218 : f32 to vector<256x256xf32>
        %mul3A_220 = arith.mulf %abs3A_217, %mul3A_219 : vector<256x256xf32>
        %sub3A_221 = arith.constant 1.000000e+00 : f32
        %sub3A_222 = vector.broadcast %sub3A_221 : f32 to vector<256x256xf32>
        %sub3A_223 = arith.subf %sub3A_222, %mul3A_220 : vector<256x256xf32>
        %max3A_224 = arith.constant 0.000000e+00 : f32
        %max3A_225 = vector.broadcast %max3A_224 : f32 to vector<256x256xf32>
        %max3A_226 = arith.maximumf %max3A_225, %sub3A_223 : vector<256x256xf32>
        %mul3A_227 = arith.mulf %max3A_226, %convert_element_type3A_157 : vector<256x256xf32>
        %convert_element_type3A_228 = arith.truncf %mul3A_227 : vector<256x256xf32> to vector<256x256xbf16>
        %mul3A_229 = arith.mulf %convert_element_type3A_228, %convert_element_type3A_171 : vector<256x256xbf16>
        %get3A_230 = arith.index_cast %scan3A_20 : i32 to index
        %get3A_231 = arith.constant 0 : index
        %get3A_232 = arith.constant 0 : index
        %get3A_233 = arith.constant 0 : index
        %get3A_234 = vector.load %arg3[%get3A_230, %get3A_231, %get3A_232, %get3A_233] : memref<4x16x32x256xbf16, #tpu.memory_space<vmem>>, vector<1x1x32x256xbf16>
        %get3A_235 = vector.shape_cast %get3A_234 : vector<1x1x32x256xbf16> to vector<32x256xbf16>
        %dot_general3A = arith.constant dense<0.000000e+00> : vector<32x256xf32>
        %dot_general3A_236 = tpu.matmul %get3A_235, %mul3A_229, %dot_general3A {dimension_numbers = #tpu.dot_dimension_numbers<[1], [0], [0], [1], [0, 0, 1, 1], [], []>, transpose_lhs_hint = false} : vector<32x256xbf16>, vector<256x256xbf16>, vector<32x256xf32> -> vector<32x256xf32>
        %add3A_237 = arith.addf %scan3A_21, %dot_general3A_236 : vector<32x256xf32>
        %mul3A_238 = arith.mulf %convert_element_type3A_228, %convert_element_type3A_185 : vector<256x256xbf16>
        %get3A_239 = arith.index_cast %scan3A_20 : i32 to index
        %get3A_240 = arith.constant 1 : index
        %get3A_241 = arith.constant 0 : index
        %get3A_242 = arith.constant 0 : index
        %get3A_243 = vector.load %arg3[%get3A_239, %get3A_240, %get3A_241, %get3A_242] : memref<4x16x32x256xbf16, #tpu.memory_space<vmem>>, vector<1x1x32x256xbf16>
        %get3A_244 = vector.shape_cast %get3A_243 : vector<1x1x32x256xbf16> to vector<32x256xbf16>
        %dot_general3A_245 = arith.constant dense<0.000000e+00> : vector<32x256xf32>
        %dot_general3A_246 = tpu.matmul %get3A_244, %mul3A_238, %dot_general3A_245 {dimension_numbers = #tpu.dot_dimension_numbers<[1], [0], [0], [1], [0, 0, 1, 1], [], []>, transpose_lhs_hint = false} : vector<32x256xbf16>, vector<256x256xbf16>, vector<32x256xf32> -> vector<32x256xf32>
        %add3A_247 = arith.addf %add3A_237, %dot_general3A_246 : vector<32x256xf32>
        %mul3A_248 = arith.mulf %convert_element_type3A_228, %convert_element_type3A_199 : vector<256x256xbf16>
        %get3A_249 = arith.index_cast %scan3A_20 : i32 to index
        %get3A_250 = arith.constant 2 : index
        %get3A_251 = arith.constant 0 : index
        %get3A_252 = arith.constant 0 : index
        %get3A_253 = vector.load %arg3[%get3A_249, %get3A_250, %get3A_251, %get3A_252] : memref<4x16x32x256xbf16, #tpu.memory_space<vmem>>, vector<1x1x32x256xbf16>
        %get3A_254 = vector.shape_cast %get3A_253 : vector<1x1x32x256xbf16> to vector<32x256xbf16>
        %dot_general3A_255 = arith.constant dense<0.000000e+00> : vector<32x256xf32>
        %dot_general3A_256 = tpu.matmul %get3A_254, %mul3A_248, %dot_general3A_255 {dimension_numbers = #tpu.dot_dimension_numbers<[1], [0], [0], [1], [0, 0, 1, 1], [], []>, transpose_lhs_hint = false} : vector<32x256xbf16>, vector<256x256xbf16>, vector<32x256xf32> -> vector<32x256xf32>
        %add3A_257 = arith.addf %add3A_247, %dot_general3A_256 : vector<32x256xf32>
        %mul3A_258 = arith.mulf %convert_element_type3A_228, %convert_element_type3A_213 : vector<256x256xbf16>
        %get3A_259 = arith.index_cast %scan3A_20 : i32 to index
        %get3A_260 = arith.constant 3 : index
        %get3A_261 = arith.constant 0 : index
        %get3A_262 = arith.constant 0 : index
        %get3A_263 = vector.load %arg3[%get3A_259, %get3A_260, %get3A_261, %get3A_262] : memref<4x16x32x256xbf16, #tpu.memory_space<vmem>>, vector<1x1x32x256xbf16>
        %get3A_264 = vector.shape_cast %get3A_263 : vector<1x1x32x256xbf16> to vector<32x256xbf16>
        %dot_general3A_265 = arith.constant dense<0.000000e+00> : vector<32x256xf32>
        %dot_general3A_266 = tpu.matmul %get3A_264, %mul3A_258, %dot_general3A_265 {dimension_numbers = #tpu.dot_dimension_numbers<[1], [0], [0], [1], [0, 0, 1, 1], [], []>, transpose_lhs_hint = false} : vector<32x256xbf16>, vector<256x256xbf16>, vector<32x256xf32> -> vector<32x256xf32>
        %add3A_267 = arith.addf %add3A_257, %dot_general3A_266 : vector<32x256xf32>
        %sub3A_268 = arith.constant -0.333333343 : f32
        %sub3A_269 = vector.broadcast %sub3A_268 : f32 to vector<256x256xf32>
        %sub3A_270 = arith.subf %sub3A_105, %sub3A_269 : vector<256x256xf32>
        %abs3A_271 = math.absf %sub3A_270 : vector<256x256xf32>
        %mul3A_272 = arith.constant 1.500000e+00 : f32
        %mul3A_273 = vector.broadcast %mul3A_272 : f32 to vector<256x256xf32>
        %mul3A_274 = arith.mulf %abs3A_271, %mul3A_273 : vector<256x256xf32>
        %sub3A_275 = arith.constant 1.000000e+00 : f32
        %sub3A_276 = vector.broadcast %sub3A_275 : f32 to vector<256x256xf32>
        %sub3A_277 = arith.subf %sub3A_276, %mul3A_274 : vector<256x256xf32>
        %max3A_278 = arith.constant 0.000000e+00 : f32
        %max3A_279 = vector.broadcast %max3A_278 : f32 to vector<256x256xf32>
        %max3A_280 = arith.maximumf %max3A_279, %sub3A_277 : vector<256x256xf32>
        %mul3A_281 = arith.mulf %max3A_280, %convert_element_type3A_157 : vector<256x256xf32>
        %convert_element_type3A_282 = arith.truncf %mul3A_281 : vector<256x256xf32> to vector<256x256xbf16>
        %mul3A_283 = arith.mulf %convert_element_type3A_282, %convert_element_type3A_171 : vector<256x256xbf16>
        %get3A_284 = arith.index_cast %scan3A_20 : i32 to index
        %get3A_285 = arith.constant 4 : index
        %get3A_286 = arith.constant 0 : index
        %get3A_287 = arith.constant 0 : index
        %get3A_288 = vector.load %arg3[%get3A_284, %get3A_285, %get3A_286, %get3A_287] : memref<4x16x32x256xbf16, #tpu.memory_space<vmem>>, vector<1x1x32x256xbf16>
        %get3A_289 = vector.shape_cast %get3A_288 : vector<1x1x32x256xbf16> to vector<32x256xbf16>
        %dot_general3A_290 = arith.constant dense<0.000000e+00> : vector<32x256xf32>
        %dot_general3A_291 = tpu.matmul %get3A_289, %mul3A_283, %dot_general3A_290 {dimension_numbers = #tpu.dot_dimension_numbers<[1], [0], [0], [1], [0, 0, 1, 1], [], []>, transpose_lhs_hint = false} : vector<32x256xbf16>, vector<256x256xbf16>, vector<32x256xf32> -> vector<32x256xf32>
        %add3A_292 = arith.addf %add3A_267, %dot_general3A_291 : vector<32x256xf32>
        %mul3A_293 = arith.mulf %convert_element_type3A_282, %convert_element_type3A_185 : vector<256x256xbf16>
        %get3A_294 = arith.index_cast %scan3A_20 : i32 to index
        %get3A_295 = arith.constant 5 : index
        %get3A_296 = arith.constant 0 : index
        %get3A_297 = arith.constant 0 : index
        %get3A_298 = vector.load %arg3[%get3A_294, %get3A_295, %get3A_296, %get3A_297] : memref<4x16x32x256xbf16, #tpu.memory_space<vmem>>, vector<1x1x32x256xbf16>
        %get3A_299 = vector.shape_cast %get3A_298 : vector<1x1x32x256xbf16> to vector<32x256xbf16>
        %dot_general3A_300 = arith.constant dense<0.000000e+00> : vector<32x256xf32>
        %dot_general3A_301 = tpu.matmul %get3A_299, %mul3A_293, %dot_general3A_300 {dimension_numbers = #tpu.dot_dimension_numbers<[1], [0], [0], [1], [0, 0, 1, 1], [], []>, transpose_lhs_hint = false} : vector<32x256xbf16>, vector<256x256xbf16>, vector<32x256xf32> -> vector<32x256xf32>
        %add3A_302 = arith.addf %add3A_292, %dot_general3A_301 : vector<32x256xf32>
        %mul3A_303 = arith.mulf %convert_element_type3A_282, %convert_element_type3A_199 : vector<256x256xbf16>
        %get3A_304 = arith.index_cast %scan3A_20 : i32 to index
        %get3A_305 = arith.constant 6 : index
        %get3A_306 = arith.constant 0 : index
        %get3A_307 = arith.constant 0 : index
        %get3A_308 = vector.load %arg3[%get3A_304, %get3A_305, %get3A_306, %get3A_307] : memref<4x16x32x256xbf16, #tpu.memory_space<vmem>>, vector<1x1x32x256xbf16>
        %get3A_309 = vector.shape_cast %get3A_308 : vector<1x1x32x256xbf16> to vector<32x256xbf16>
        %dot_general3A_310 = arith.constant dense<0.000000e+00> : vector<32x256xf32>
        %dot_general3A_311 = tpu.matmul %get3A_309, %mul3A_303, %dot_general3A_310 {dimension_numbers = #tpu.dot_dimension_numbers<[1], [0], [0], [1], [0, 0, 1, 1], [], []>, transpose_lhs_hint = false} : vector<32x256xbf16>, vector<256x256xbf16>, vector<32x256xf32> -> vector<32x256xf32>
        %add3A_312 = arith.addf %add3A_302, %dot_general3A_311 : vector<32x256xf32>
        %mul3A_313 = arith.mulf %convert_element_type3A_282, %convert_element_type3A_213 : vector<256x256xbf16>
        %get3A_314 = arith.index_cast %scan3A_20 : i32 to index
        %get3A_315 = arith.constant 7 : index
        %get3A_316 = arith.constant 0 : index
        %get3A_317 = arith.constant 0 : index
        %get3A_318 = vector.load %arg3[%get3A_314, %get3A_315, %get3A_316, %get3A_317] : memref<4x16x32x256xbf16, #tpu.memory_space<vmem>>, vector<1x1x32x256xbf16>
        %get3A_319 = vector.shape_cast %get3A_318 : vector<1x1x32x256xbf16> to vector<32x256xbf16>
        %dot_general3A_320 = arith.constant dense<0.000000e+00> : vector<32x256xf32>
        %dot_general3A_321 = tpu.matmul %get3A_319, %mul3A_313, %dot_general3A_320 {dimension_numbers = #tpu.dot_dimension_numbers<[1], [0], [0], [1], [0, 0, 1, 1], [], []>, transpose_lhs_hint = false} : vector<32x256xbf16>, vector<256x256xbf16>, vector<32x256xf32> -> vector<32x256xf32>
        %add3A_322 = arith.addf %add3A_312, %dot_general3A_321 : vector<32x256xf32>
        %sub3A_323 = arith.constant 0.333333343 : f32
        %sub3A_324 = vector.broadcast %sub3A_323 : f32 to vector<256x256xf32>
        %sub3A_325 = arith.subf %sub3A_105, %sub3A_324 : vector<256x256xf32>
        %abs3A_326 = math.absf %sub3A_325 : vector<256x256xf32>
        %mul3A_327 = arith.constant 1.500000e+00 : f32
        %mul3A_328 = vector.broadcast %mul3A_327 : f32 to vector<256x256xf32>
        %mul3A_329 = arith.mulf %abs3A_326, %mul3A_328 : vector<256x256xf32>
        %sub3A_330 = arith.constant 1.000000e+00 : f32
        %sub3A_331 = vector.broadcast %sub3A_330 : f32 to vector<256x256xf32>
        %sub3A_332 = arith.subf %sub3A_331, %mul3A_329 : vector<256x256xf32>
        %max3A_333 = arith.constant 0.000000e+00 : f32
        %max3A_334 = vector.broadcast %max3A_333 : f32 to vector<256x256xf32>
        %max3A_335 = arith.maximumf %max3A_334, %sub3A_332 : vector<256x256xf32>
        %mul3A_336 = arith.mulf %max3A_335, %convert_element_type3A_157 : vector<256x256xf32>
        %convert_element_type3A_337 = arith.truncf %mul3A_336 : vector<256x256xf32> to vector<256x256xbf16>
        %mul3A_338 = arith.mulf %convert_element_type3A_337, %convert_element_type3A_171 : vector<256x256xbf16>
        %get3A_339 = arith.index_cast %scan3A_20 : i32 to index
        %get3A_340 = arith.constant 8 : index
        %get3A_341 = arith.constant 0 : index
        %get3A_342 = arith.constant 0 : index
        %get3A_343 = vector.load %arg3[%get3A_339, %get3A_340, %get3A_341, %get3A_342] : memref<4x16x32x256xbf16, #tpu.memory_space<vmem>>, vector<1x1x32x256xbf16>
        %get3A_344 = vector.shape_cast %get3A_343 : vector<1x1x32x256xbf16> to vector<32x256xbf16>
        %dot_general3A_345 = arith.constant dense<0.000000e+00> : vector<32x256xf32>
        %dot_general3A_346 = tpu.matmul %get3A_344, %mul3A_338, %dot_general3A_345 {dimension_numbers = #tpu.dot_dimension_numbers<[1], [0], [0], [1], [0, 0, 1, 1], [], []>, transpose_lhs_hint = false} : vector<32x256xbf16>, vector<256x256xbf16>, vector<32x256xf32> -> vector<32x256xf32>
        %add3A_347 = arith.addf %add3A_322, %dot_general3A_346 : vector<32x256xf32>
        %mul3A_348 = arith.mulf %convert_element_type3A_337, %convert_element_type3A_185 : vector<256x256xbf16>
        %get3A_349 = arith.index_cast %scan3A_20 : i32 to index
        %get3A_350 = arith.constant 9 : index
        %get3A_351 = arith.constant 0 : index
        %get3A_352 = arith.constant 0 : index
        %get3A_353 = vector.load %arg3[%get3A_349, %get3A_350, %get3A_351, %get3A_352] : memref<4x16x32x256xbf16, #tpu.memory_space<vmem>>, vector<1x1x32x256xbf16>
        %get3A_354 = vector.shape_cast %get3A_353 : vector<1x1x32x256xbf16> to vector<32x256xbf16>
        %dot_general3A_355 = arith.constant dense<0.000000e+00> : vector<32x256xf32>
        %dot_general3A_356 = tpu.matmul %get3A_354, %mul3A_348, %dot_general3A_355 {dimension_numbers = #tpu.dot_dimension_numbers<[1], [0], [0], [1], [0, 0, 1, 1], [], []>, transpose_lhs_hint = false} : vector<32x256xbf16>, vector<256x256xbf16>, vector<32x256xf32> -> vector<32x256xf32>
        %add3A_357 = arith.addf %add3A_347, %dot_general3A_356 : vector<32x256xf32>
        %mul3A_358 = arith.mulf %convert_element_type3A_337, %convert_element_type3A_199 : vector<256x256xbf16>
        %get3A_359 = arith.index_cast %scan3A_20 : i32 to index
        %get3A_360 = arith.constant 10 : index
        %get3A_361 = arith.constant 0 : index
        %get3A_362 = arith.constant 0 : index
        %get3A_363 = vector.load %arg3[%get3A_359, %get3A_360, %get3A_361, %get3A_362] : memref<4x16x32x256xbf16, #tpu.memory_space<vmem>>, vector<1x1x32x256xbf16>
        %get3A_364 = vector.shape_cast %get3A_363 : vector<1x1x32x256xbf16> to vector<32x256xbf16>
        %dot_general3A_365 = arith.constant dense<0.000000e+00> : vector<32x256xf32>
        %dot_general3A_366 = tpu.matmul %get3A_364, %mul3A_358, %dot_general3A_365 {dimension_numbers = #tpu.dot_dimension_numbers<[1], [0], [0], [1], [0, 0, 1, 1], [], []>, transpose_lhs_hint = false} : vector<32x256xbf16>, vector<256x256xbf16>, vector<32x256xf32> -> vector<32x256xf32>
        %add3A_367 = arith.addf %add3A_357, %dot_general3A_366 : vector<32x256xf32>
        %mul3A_368 = arith.mulf %convert_element_type3A_337, %convert_element_type3A_213 : vector<256x256xbf16>
        %get3A_369 = arith.index_cast %scan3A_20 : i32 to index
        %get3A_370 = arith.constant 11 : index
        %get3A_371 = arith.constant 0 : index
        %get3A_372 = arith.constant 0 : index
        %get3A_373 = vector.load %arg3[%get3A_369, %get3A_370, %get3A_371, %get3A_372] : memref<4x16x32x256xbf16, #tpu.memory_space<vmem>>, vector<1x1x32x256xbf16>
        %get3A_374 = vector.shape_cast %get3A_373 : vector<1x1x32x256xbf16> to vector<32x256xbf16>
        %dot_general3A_375 = arith.constant dense<0.000000e+00> : vector<32x256xf32>
        %dot_general3A_376 = tpu.matmul %get3A_374, %mul3A_368, %dot_general3A_375 {dimension_numbers = #tpu.dot_dimension_numbers<[1], [0], [0], [1], [0, 0, 1, 1], [], []>, transpose_lhs_hint = false} : vector<32x256xbf16>, vector<256x256xbf16>, vector<32x256xf32> -> vector<32x256xf32>
        %add3A_377 = arith.addf %add3A_367, %dot_general3A_376 : vector<32x256xf32>
        %sub3A_378 = arith.constant 1.000000e+00 : f32
        %sub3A_379 = vector.broadcast %sub3A_378 : f32 to vector<256x256xf32>
        %sub3A_380 = arith.subf %sub3A_105, %sub3A_379 : vector<256x256xf32>
        %abs3A_381 = math.absf %sub3A_380 : vector<256x256xf32>
        %mul3A_382 = arith.constant 1.500000e+00 : f32
        %mul3A_383 = vector.broadcast %mul3A_382 : f32 to vector<256x256xf32>
        %mul3A_384 = arith.mulf %abs3A_381, %mul3A_383 : vector<256x256xf32>
        %sub3A_385 = arith.constant 1.000000e+00 : f32
        %sub3A_386 = vector.broadcast %sub3A_385 : f32 to vector<256x256xf32>
        %sub3A_387 = arith.subf %sub3A_386, %mul3A_384 : vector<256x256xf32>
        %max3A_388 = arith.constant 0.000000e+00 : f32
        %max3A_389 = vector.broadcast %max3A_388 : f32 to vector<256x256xf32>
        %max3A_390 = arith.maximumf %max3A_389, %sub3A_387 : vector<256x256xf32>
        %mul3A_391 = arith.mulf %max3A_390, %convert_element_type3A_157 : vector<256x256xf32>
        %convert_element_type3A_392 = arith.truncf %mul3A_391 : vector<256x256xf32> to vector<256x256xbf16>
        %mul3A_393 = arith.mulf %convert_element_type3A_392, %convert_element_type3A_171 : vector<256x256xbf16>
        %get3A_394 = arith.index_cast %scan3A_20 : i32 to index
        %get3A_395 = arith.constant 12 : index
        %get3A_396 = arith.constant 0 : index
        %get3A_397 = arith.constant 0 : index
        %get3A_398 = vector.load %arg3[%get3A_394, %get3A_395, %get3A_396, %get3A_397] : memref<4x16x32x256xbf16, #tpu.memory_space<vmem>>, vector<1x1x32x256xbf16>
        %get3A_399 = vector.shape_cast %get3A_398 : vector<1x1x32x256xbf16> to vector<32x256xbf16>
        %dot_general3A_400 = arith.constant dense<0.000000e+00> : vector<32x256xf32>
        %dot_general3A_401 = tpu.matmul %get3A_399, %mul3A_393, %dot_general3A_400 {dimension_numbers = #tpu.dot_dimension_numbers<[1], [0], [0], [1], [0, 0, 1, 1], [], []>, transpose_lhs_hint = false} : vector<32x256xbf16>, vector<256x256xbf16>, vector<32x256xf32> -> vector<32x256xf32>
        %add3A_402 = arith.addf %add3A_377, %dot_general3A_401 : vector<32x256xf32>
        %mul3A_403 = arith.mulf %convert_element_type3A_392, %convert_element_type3A_185 : vector<256x256xbf16>
        %get3A_404 = arith.index_cast %scan3A_20 : i32 to index
        %get3A_405 = arith.constant 13 : index
        %get3A_406 = arith.constant 0 : index
        %get3A_407 = arith.constant 0 : index
        %get3A_408 = vector.load %arg3[%get3A_404, %get3A_405, %get3A_406, %get3A_407] : memref<4x16x32x256xbf16, #tpu.memory_space<vmem>>, vector<1x1x32x256xbf16>
        %get3A_409 = vector.shape_cast %get3A_408 : vector<1x1x32x256xbf16> to vector<32x256xbf16>
        %dot_general3A_410 = arith.constant dense<0.000000e+00> : vector<32x256xf32>
        %dot_general3A_411 = tpu.matmul %get3A_409, %mul3A_403, %dot_general3A_410 {dimension_numbers = #tpu.dot_dimension_numbers<[1], [0], [0], [1], [0, 0, 1, 1], [], []>, transpose_lhs_hint = false} : vector<32x256xbf16>, vector<256x256xbf16>, vector<32x256xf32> -> vector<32x256xf32>
        %add3A_412 = arith.addf %add3A_402, %dot_general3A_411 : vector<32x256xf32>
        %mul3A_413 = arith.mulf %convert_element_type3A_392, %convert_element_type3A_199 : vector<256x256xbf16>
        %get3A_414 = arith.index_cast %scan3A_20 : i32 to index
        %get3A_415 = arith.constant 14 : index
        %get3A_416 = arith.constant 0 : index
        %get3A_417 = arith.constant 0 : index
        %get3A_418 = vector.load %arg3[%get3A_414, %get3A_415, %get3A_416, %get3A_417] : memref<4x16x32x256xbf16, #tpu.memory_space<vmem>>, vector<1x1x32x256xbf16>
        %get3A_419 = vector.shape_cast %get3A_418 : vector<1x1x32x256xbf16> to vector<32x256xbf16>
        %dot_general3A_420 = arith.constant dense<0.000000e+00> : vector<32x256xf32>
        %dot_general3A_421 = tpu.matmul %get3A_419, %mul3A_413, %dot_general3A_420 {dimension_numbers = #tpu.dot_dimension_numbers<[1], [0], [0], [1], [0, 0, 1, 1], [], []>, transpose_lhs_hint = false} : vector<32x256xbf16>, vector<256x256xbf16>, vector<32x256xf32> -> vector<32x256xf32>
        %add3A_422 = arith.addf %add3A_412, %dot_general3A_421 : vector<32x256xf32>
        %mul3A_423 = arith.mulf %convert_element_type3A_392, %convert_element_type3A_213 : vector<256x256xbf16>
        %get3A_424 = arith.index_cast %scan3A_20 : i32 to index
        %get3A_425 = arith.constant 15 : index
        %get3A_426 = arith.constant 0 : index
        %get3A_427 = arith.constant 0 : index
        %get3A_428 = vector.load %arg3[%get3A_424, %get3A_425, %get3A_426, %get3A_427] : memref<4x16x32x256xbf16, #tpu.memory_space<vmem>>, vector<1x1x32x256xbf16>
        %get3A_429 = vector.shape_cast %get3A_428 : vector<1x1x32x256xbf16> to vector<32x256xbf16>
        %dot_general3A_430 = arith.constant dense<0.000000e+00> : vector<32x256xf32>
        %dot_general3A_431 = tpu.matmul %get3A_429, %mul3A_423, %dot_general3A_430 {dimension_numbers = #tpu.dot_dimension_numbers<[1], [0], [0], [1], [0, 0, 1, 1], [], []>, transpose_lhs_hint = false} : vector<32x256xbf16>, vector<256x256xbf16>, vector<32x256xf32> -> vector<32x256xf32>
        %add3A_432 = arith.addf %add3A_422, %dot_general3A_431 : vector<32x256xf32>
        scf.yield %add3A_432 : vector<32x256xf32>
      } else {
        scf.yield %scan3A_21 : vector<32x256xf32>
      }
      scf.yield %cond3A_46 : vector<32x256xf32>
    }
    %scan3A_15 = arith.constant 4 : i32
    %max3A = arith.constant 0.000000e+00 : f32
    %max3A_16 = vector.broadcast %max3A : f32 to vector<32x256xf32>
    %max3A_17 = arith.maximumf %scan3A_14, %max3A_16 : vector<32x256xf32>
    %swap3A = arith.constant 0 : index
    %swap3A_18 = arith.constant 0 : index
    %swap3A_19 = vector.load %arg4[%swap3A, %swap3A_18] : memref<32x256xf32, #tpu.memory_space<vmem>>, vector<32x256xf32>
    tpu.vector_store %arg4[%swap3A, %swap3A_18], %max3A_17 {strides = array<i32>} : memref<32x256xf32, #tpu.memory_space<vmem>>, vector<32x256xf32>,
    return
  }
  func.func @transform_0(%arg0: i32) -> (i32, i32) {
    %c0_i32 = arith.constant 0 : i32
    %c0_i32_0 = arith.constant 0 : i32
    return %c0_i32, %arg0 : i32, i32
  }
  func.func @transform_1(%arg0: i32) -> (i32, i32, i32) {
    %c0_i32 = arith.constant 0 : i32
    %c0_i32_0 = arith.constant 0 : i32
    %c0_i32_1 = arith.constant 0 : i32
    %c0_i32_2 = arith.constant 0 : i32
    return %c0_i32, %c0_i32_0, %c0_i32_1 : i32, i32, i32
  }
  func.func @transform_2(%arg0: i32) -> (i32, i32, i32, i32) {
    %c0_i32 = arith.constant 0 : i32
    %c0_i32_0 = arith.constant 0 : i32
    %c0_i32_1 = arith.constant 0 : i32
    %c0_i32_2 = arith.constant 0 : i32
    %c0_i32_3 = arith.constant 0 : i32
    return %c0_i32, %c0_i32_0, %c0_i32_1, %c0_i32_2 : i32, i32, i32, i32
  }
  func.func @transform_3(%arg0: i32) -> (i32, i32) {
    %c0_i32 = arith.constant 0 : i32
    %c0_i32_0 = arith.constant 0 : i32
    return %c0_i32, %arg0 : i32, i32
  }
}

module attributes {stable_mosaic.version = 14 : i64} {
  func.func @_mm_body(%arg0: memref<32x32xf32, #tpu.memory_space<vmem>>, %arg1: memref<32x4096xf32, #tpu.memory_space<vmem>>, %arg2: memref<32x4096xf32, #tpu.memory_space<vmem>>) attributes {dimension_semantics = [], scalar_prefetch = 0 : i64, scratch_operands = 0 : i64, tpu.core_type = #tpu.core_type<tc>} {
    %get3A = arith.constant 0 : index
    %get3A_0 = arith.constant 0 : index
    %get3A_1 = vector.load %arg0[%get3A, %get3A_0] : memref<32x32xf32, #tpu.memory_space<vmem>>, vector<32x32xf32>
    %get3A_2 = arith.constant 0 : index
    %get3A_3 = arith.constant 0 : index
    %get3A_4 = vector.load %arg1[%get3A_2, %get3A_3] : memref<32x4096xf32, #tpu.memory_space<vmem>>, vector<32x4096xf32>
    %dot_general3A = arith.constant dense<0.000000e+00> : vector<32x4096xf32>
    %dot_general3A_5 = tpu.matmul %get3A_1, %get3A_4, %dot_general3A {dimension_numbers = #tpu.dot_dimension_numbers<[1], [0], [0], [1], [0, 0, 1, 1], [], []>, transpose_lhs_hint = false} : vector<32x32xf32>, vector<32x4096xf32>, vector<32x4096xf32> -> vector<32x4096xf32>
    %max3A = arith.constant 0.000000e+00 : f32
    %max3A_6 = vector.broadcast %max3A : f32 to vector<32x4096xf32>
    %max3A_7 = arith.maximumf %dot_general3A_5, %max3A_6 : vector<32x4096xf32>
    %swap3A = arith.constant 0 : index
    %swap3A_8 = arith.constant 0 : index
    %swap3A_9 = vector.load %arg2[%swap3A, %swap3A_8] : memref<32x4096xf32, #tpu.memory_space<vmem>>, vector<32x4096xf32>
    tpu.vector_store %arg2[%swap3A, %swap3A_8], %max3A_7 {strides = array<i32>} : memref<32x4096xf32, #tpu.memory_space<vmem>>, vector<32x4096xf32>,
    return
  }
}

module attributes {stable_mosaic.version = 14 : i64} {
  func.func @_mm_body(%arg0: memref<512x32xf32, #tpu.memory_space<vmem>>, %arg1: memref<32x4096xf32, #tpu.memory_space<vmem>>, %arg2: memref<512x4096xf32, #tpu.memory_space<vmem>>) attributes {dimension_semantics = [], scalar_prefetch = 0 : i64, scratch_operands = 0 : i64, tpu.core_type = #tpu.core_type<tc>} {
    %get3A = arith.constant 0 : index
    %get3A_0 = arith.constant 0 : index
    %get3A_1 = vector.load %arg0[%get3A, %get3A_0] : memref<512x32xf32, #tpu.memory_space<vmem>>, vector<512x32xf32>
    %get3A_2 = arith.constant 0 : index
    %get3A_3 = arith.constant 0 : index
    %get3A_4 = vector.load %arg1[%get3A_2, %get3A_3] : memref<32x4096xf32, #tpu.memory_space<vmem>>, vector<32x4096xf32>
    %dot_general3A = arith.constant dense<0.000000e+00> : vector<512x4096xf32>
    %dot_general3A_5 = tpu.matmul %get3A_1, %get3A_4, %dot_general3A {dimension_numbers = #tpu.dot_dimension_numbers<[1], [0], [0], [1], [0, 0, 1, 1], [], []>, transpose_lhs_hint = false} : vector<512x32xf32>, vector<32x4096xf32>, vector<512x4096xf32> -> vector<512x4096xf32>
    %swap3A = arith.constant 0 : index
    %swap3A_6 = arith.constant 0 : index
    %swap3A_7 = vector.load %arg2[%swap3A, %swap3A_6] : memref<512x4096xf32, #tpu.memory_space<vmem>>, vector<512x4096xf32>
    tpu.vector_store %arg2[%swap3A, %swap3A_6], %dot_general3A_5 {strides = array<i32>} : memref<512x4096xf32, #tpu.memory_space<vmem>>, vector<512x4096xf32>,
    return
  }
}

module attributes {stable_mosaic.version = 14 : i64} {
  func.func @_conv_body(%arg0: i32, %arg1: memref<2x256xf32, #tpu.memory_space<vmem>>, %arg2: memref<16x256x2xf32, #tpu.memory_space<vmem>>, %arg3: memref<16x16x32x256xbf16, #tpu.memory_space<vmem>>, %arg4: memref<32x256xf32, #tpu.memory_space<vmem>>) attributes {dimension_semantics = [#tpu.dimension_semantics<parallel>], iteration_bounds = array<i64: 16>, scalar_prefetch = 0 : i64, scratch_operands = 0 : i64, tpu.core_type = #tpu.core_type<tc>, window_params = [{transform_indices = @transform_0, window_bounds = array<i64: 2, 256>}, {pipeline_mode = #tpu.pipeline_mode<synchronous>, transform_indices = @transform_1, window_bounds = array<i64: 16, 256, 2>}, {pipeline_mode = #tpu.pipeline_mode<synchronous>, transform_indices = @transform_2, window_bounds = array<i64: 16, 16, 32, 256>}, {transform_indices = @transform_3, window_bounds = array<i64: 32, 256>}]} {
    %get3A = arith.constant 0 : index
    %get3A_0 = arith.constant 0 : index
    %get3A_1 = vector.load %arg1[%get3A, %get3A_0] : memref<2x256xf32, #tpu.memory_space<vmem>>, vector<2x256xf32>
    %slice3A = vector.extract_strided_slice %get3A_1 {offsets = [1, 0], sizes = [1, 256], strides = [1, 1]} : vector<2x256xf32> to vector<1x256xf32>
    %reduce_min3A = vector.shape_cast %slice3A : vector<1x256xf32> to vector<1x1x256xf32>
    %reduce_min3A_2 = arith.constant dense<0x7F800000> : vector<1xf32>
    %reduce_min3A_3 = vector.multi_reduction <minimumf>, %reduce_min3A, %reduce_min3A_2 [1, 2] : vector<1x1x256xf32> to vector<1xf32>
    %reduce_min3A_4 = vector.shape_cast %reduce_min3A_3 : vector<1xf32> to vector<1x1x1xf32>
    %reduce_min3A_5 = vector.extract %reduce_min3A_4[0, 0, 0] : f32 from vector<1x1x1xf32>
    %reduce_max3A = vector.shape_cast %slice3A : vector<1x256xf32> to vector<1x1x256xf32>
    %reduce_max3A_6 = arith.constant dense<0xFF800000> : vector<1xf32>
    %reduce_max3A_7 = vector.multi_reduction <maximumf>, %reduce_max3A, %reduce_max3A_6 [1, 2] : vector<1x1x256xf32> to vector<1xf32>
    %reduce_max3A_8 = vector.shape_cast %reduce_max3A_7 : vector<1xf32> to vector<1x1x1xf32>
    %reduce_max3A_9 = vector.extract %reduce_max3A_8[0, 0, 0] : f32 from vector<1x1x1xf32>
    %broadcast_in_dim3A = arith.constant 0.000000e+00 : f32
    %broadcast_in_dim3A_10 = vector.broadcast %broadcast_in_dim3A : f32 to vector<32x256xf32>
    %scan3A = arith.constant 0 : i32
    %scan3A_11 = arith.constant 16 : i32
    %scan3A_12 = arith.addi %scan3A, %scan3A_11 : i32
    %scan3A_13 = arith.constant 1 : i32
    %scan3A_14 = scf.for %scan3A_20 = %scan3A to %scan3A_12 step %scan3A_13 iter_args(%scan3A_21 = %broadcast_in_dim3A_10) -> (vector<32x256xf32>)  : i32 {
      %get3A_22 = arith.index_cast %scan3A_20 : i32 to index
      %get3A_23 = arith.constant 0 : index
      %get3A_24 = arith.constant 1 : index
      %get3A_25 = vector.load %arg2[%get3A_22, %get3A_23, %get3A_24] : memref<16x256x2xf32, #tpu.memory_space<vmem>>, vector<1x1x1xf32>
      %get3A_26 = vector.shape_cast %get3A_25 : vector<1x1x1xf32> to vector<1x1xf32>
      %reduce_min3A_27 = vector.shape_cast %get3A_26 : vector<1x1xf32> to vector<1x1x1xf32>
      %reduce_min3A_28 = arith.constant dense<0x7F800000> : vector<1xf32>
      %reduce_min3A_29 = vector.multi_reduction <minimumf>, %reduce_min3A_27, %reduce_min3A_28 [1, 2] : vector<1x1x1xf32> to vector<1xf32>
      %reduce_min3A_30 = vector.shape_cast %reduce_min3A_29 : vector<1xf32> to vector<1x1x1xf32>
      %reduce_min3A_31 = vector.extract %reduce_min3A_30[0, 0, 0] : f32 from vector<1x1x1xf32>
      %get3A_32 = arith.index_cast %scan3A_20 : i32 to index
      %get3A_33 = arith.constant 255 : index
      %get3A_34 = arith.constant 1 : index
      %get3A_35 = vector.load %arg2[%get3A_32, %get3A_33, %get3A_34] : memref<16x256x2xf32, #tpu.memory_space<vmem>>, vector<1x1x1xf32>
      %get3A_36 = vector.shape_cast %get3A_35 : vector<1x1x1xf32> to vector<1x1xf32>
      %reduce_min3A_37 = vector.shape_cast %get3A_36 : vector<1x1xf32> to vector<1x1x1xf32>
      %reduce_min3A_38 = arith.constant dense<0x7F800000> : vector<1xf32>
      %reduce_min3A_39 = vector.multi_reduction <minimumf>, %reduce_min3A_37, %reduce_min3A_38 [1, 2] : vector<1x1x1xf32> to vector<1xf32>
      %reduce_min3A_40 = vector.shape_cast %reduce_min3A_39 : vector<1xf32> to vector<1x1x1xf32>
      %reduce_min3A_41 = vector.extract %reduce_min3A_40[0, 0, 0] : f32 from vector<1x1x1xf32>
      %add3A = arith.constant 5.000000e-02 : f32
      %add3A_42 = arith.addf %reduce_max3A_9, %add3A : f32
      %le3A = arith.cmpf ole, %reduce_min3A_31, %add3A_42 : f32
      %sub3A = arith.constant 5.000000e-02 : f32
      %sub3A_43 = arith.subf %reduce_min3A_5, %sub3A : f32
      %le3A_44 = arith.cmpf ole, %sub3A_43, %reduce_min3A_41 : f32
      %and3A = arith.andi %le3A, %le3A_44 : i1
      %convert_element_type3A = arith.extui %and3A : i1 to i32
      %cond3A = arith.constant 0 : i32
      %cond3A_45 = arith.cmpi ne, %convert_element_type3A, %cond3A : i32
      %cond3A_46 = scf.if %cond3A_45 -> (vector<32x256xf32>) {
        %get3A_47 = arith.index_cast %scan3A_20 : i32 to index
        %get3A_48 = arith.constant 0 : index
        %get3A_49 = arith.constant 0 : index
        %get3A_50 = vector.load %arg2[%get3A_47, %get3A_48, %get3A_49] : memref<16x256x2xf32, #tpu.memory_space<vmem>>, vector<1x256x2xf32>
        %get3A_51 = vector.shape_cast %get3A_50 : vector<1x256x2xf32> to vector<256x2xf32>
        %slice3A_52 = vector.extract_strided_slice %get3A_51 {offsets = [0, 0], sizes = [256, 1], strides = [1, 1]} : vector<256x2xf32> to vector<256x1xf32>
        %slice3A_53 = vector.extract_strided_slice %get3A_1 {offsets = [0, 0], sizes = [1, 256], strides = [1, 1]} : vector<2x256xf32> to vector<1x256xf32>
        %sub3A_54 = vector.broadcast %slice3A_52 : vector<256x1xf32> to vector<256x256xf32>
        %sub3A_55 = vector.broadcast %slice3A_53 : vector<1x256xf32> to vector<256x256xf32>
        %sub3A_56 = arith.subf %sub3A_54, %sub3A_55 : vector<256x256xf32>
        %slice3A_57 = vector.extract_strided_slice %get3A_51 {offsets = [0, 1], sizes = [256, 1], strides = [1, 1]} : vector<256x2xf32> to vector<256x1xf32>
        %sub3A_58 = vector.broadcast %slice3A_57 : vector<256x1xf32> to vector<256x256xf32>
        %sub3A_59 = vector.broadcast %slice3A : vector<1x256xf32> to vector<256x256xf32>
        %sub3A_60 = arith.subf %sub3A_58, %sub3A_59 : vector<256x256xf32>
        %mul3A = arith.mulf %sub3A_56, %sub3A_56 : vector<256x256xf32>
        %mul3A_61 = arith.mulf %sub3A_60, %sub3A_60 : vector<256x256xf32>
        %add3A_62 = arith.addf %mul3A, %mul3A_61 : vector<256x256xf32>
        %le3A_63 = arith.constant 2.500000e-03 : f32
        %le3A_64 = vector.broadcast %le3A_63 : f32 to vector<256x256xf32>
        %le3A_65 = arith.cmpf ole, %add3A_62, %le3A_64 : vector<256x256xf32>
        %mul3A_66 = arith.constant 256 : i32
        %mul3A_67 = arith.muli %scan3A_20, %mul3A_66 : i32
        %iota3A = tpu.iota {dimensions = array<i32: 0>} : vector<256x256xi32>
        %add3A_68 = vector.broadcast %mul3A_67 : i32 to vector<256x256xi32>
        %add3A_69 = arith.addi %add3A_68, %iota3A : vector<256x256xi32>
        %mul3A_70 = arith.constant 256 : i32
        %mul3A_71 = arith.muli %arg0, %mul3A_70 : i32
        %iota3A_72 = tpu.iota {dimensions = array<i32: 1>} : vector<256x256xi32>
        %add3A_73 = vector.broadcast %mul3A_71 : i32 to vector<256x256xi32>
        %add3A_74 = arith.addi %add3A_73, %iota3A_72 : vector<256x256xi32>
        %ne3A = arith.cmpi ne, %add3A_74, %add3A_69 : vector<256x256xi32>
        %and3A_75 = arith.andi %le3A_65, %ne3A : vector<256x256xi1>
        %mul3A_76 = arith.constant -1.000000e+00 : f32
        %mul3A_77 = vector.broadcast %mul3A_76 : f32 to vector<256x256xf32>
        %mul3A_78 = arith.mulf %mul3A_77, %sub3A_56 : vector<256x256xf32>
        %mul3A_79 = arith.constant 2.000000e+01 : f32
        %mul3A_80 = vector.broadcast %mul3A_79 : f32 to vector<256x256xf32>
        %mul3A_81 = arith.mulf %mul3A_78, %mul3A_80 : vector<256x256xf32>
        %jit3A = arith.constant -1.000000e+00 : f32
        %jit3A_82 = arith.constant 1.000000e+00 : f32
        %max3A_83 = vector.broadcast %jit3A : f32 to vector<256x256xf32>
        %max3A_84 = arith.maximumf %max3A_83, %mul3A_81 : vector<256x256xf32>
        %min3A = vector.broadcast %jit3A_82 : f32 to vector<256x256xf32>
        %min3A_85 = arith.minimumf %min3A, %max3A_84 : vector<256x256xf32>
        %mul3A_86 = arith.constant -1.000000e+00 : f32
        %mul3A_87 = vector.broadcast %mul3A_86 : f32 to vector<256x256xf32>
        %mul3A_88 = arith.mulf %mul3A_87, %sub3A_60 : vector<256x256xf32>
        %mul3A_89 = arith.constant 2.000000e+01 : f32
        %mul3A_90 = vector.broadcast %mul3A_89 : f32 to vector<256x256xf32>
        %mul3A_91 = arith.mulf %mul3A_88, %mul3A_90 : vector<256x256xf32>
        %jit3A_92 = arith.constant -1.000000e+00 : f32
        %jit3A_93 = arith.constant 1.000000e+00 : f32
        %max3A_94 = vector.broadcast %jit3A_92 : f32 to vector<256x256xf32>
        %max3A_95 = arith.maximumf %max3A_94, %mul3A_91 : vector<256x256xf32>
        %min3A_96 = vector.broadcast %jit3A_93 : f32 to vector<256x256xf32>
        %min3A_97 = arith.minimumf %min3A_96, %max3A_95 : vector<256x256xf32>
        %mul3A_98 = arith.mulf %min3A_85, %min3A_85 : vector<256x256xf32>
        %mul3A_99 = arith.mulf %min3A_97, %min3A_97 : vector<256x256xf32>
        %add3A_100 = arith.addf %mul3A_98, %mul3A_99 : vector<256x256xf32>
        %add3A_101 = arith.constant 9.99999996E-13 : f32
        %add3A_102 = vector.broadcast %add3A_101 : f32 to vector<256x256xf32>
        %add3A_103 = arith.addf %add3A_100, %add3A_102 : vector<256x256xf32>
        %sqrt3A = math.sqrt %add3A_103 : vector<256x256xf32>
        %jit3A_104 = arith.constant 0.000000e+00 : f32
        %jit3A_105 = arith.constant 1.000000e+00 : f32
        %max3A_106 = vector.broadcast %jit3A_104 : f32 to vector<256x256xf32>
        %max3A_107 = arith.maximumf %max3A_106, %sqrt3A : vector<256x256xf32>
        %min3A_108 = vector.broadcast %jit3A_105 : f32 to vector<256x256xf32>
        %min3A_109 = arith.minimumf %min3A_108, %max3A_107 : vector<256x256xf32>
        %mul3A_110 = arith.constant 2.000000e+00 : f32
        %mul3A_111 = vector.broadcast %mul3A_110 : f32 to vector<256x256xf32>
        %mul3A_112 = arith.mulf %mul3A_111, %min3A_109 : vector<256x256xf32>
        %sub3A_113 = arith.constant 1.000000e+00 : f32
        %sub3A_114 = vector.broadcast %sub3A_113 : f32 to vector<256x256xf32>
        %sub3A_115 = arith.subf %mul3A_112, %sub3A_114 : vector<256x256xf32>
        %abs3A = math.absf %min3A_85 : vector<256x256xf32>
        %abs3A_116 = math.absf %min3A_97 : vector<256x256xf32>
        %max3A_117 = arith.maximumf %abs3A, %abs3A_116 : vector<256x256xf32>
        %min3A_118 = arith.minimumf %abs3A, %abs3A_116 : vector<256x256xf32>
        %div3A = arith.divf %min3A_118, %max3A_117 : vector<256x256xf32>
        %mul3A_119 = arith.mulf %div3A, %div3A : vector<256x256xf32>
        %mul3A_120 = arith.constant -1.172120e-02 : f32
        %mul3A_121 = vector.broadcast %mul3A_120 : f32 to vector<256x256xf32>
        %mul3A_122 = arith.mulf %mul3A_119, %mul3A_121 : vector<256x256xf32>
        %add3A_123 = arith.constant 0.0526533201 : f32
        %add3A_124 = vector.broadcast %add3A_123 : f32 to vector<256x256xf32>
        %add3A_125 = arith.addf %add3A_124, %mul3A_122 : vector<256x256xf32>
        %mul3A_126 = arith.mulf %mul3A_119, %add3A_125 : vector<256x256xf32>
        %add3A_127 = arith.constant -0.116432868 : f32
        %add3A_128 = vector.broadcast %add3A_127 : f32 to vector<256x256xf32>
        %add3A_129 = arith.addf %add3A_128, %mul3A_126 : vector<256x256xf32>
        %mul3A_130 = arith.mulf %mul3A_119, %add3A_129 : vector<256x256xf32>
        %add3A_131 = arith.constant 0.193543464 : f32
        %add3A_132 = vector.broadcast %add3A_131 : f32 to vector<256x256xf32>
        %add3A_133 = arith.addf %add3A_132, %mul3A_130 : vector<256x256xf32>
        %mul3A_134 = arith.mulf %mul3A_119, %add3A_133 : vector<256x256xf32>
        %add3A_135 = arith.constant -0.332623482 : f32
        %add3A_136 = vector.broadcast %add3A_135 : f32 to vector<256x256xf32>
        %add3A_137 = arith.addf %add3A_136, %mul3A_134 : vector<256x256xf32>
        %mul3A_138 = arith.mulf %mul3A_119, %add3A_137 : vector<256x256xf32>
        %add3A_139 = arith.constant 0.999977231 : f32
        %add3A_140 = vector.broadcast %add3A_139 : f32 to vector<256x256xf32>
        %add3A_141 = arith.addf %add3A_140, %mul3A_138 : vector<256x256xf32>
        %mul3A_142 = arith.mulf %div3A, %add3A_141 : vector<256x256xf32>
        %gt3A = arith.cmpf ogt, %abs3A_116, %abs3A : vector<256x256xf32>
        %sub3A_143 = arith.constant 1.57079637 : f32
        %sub3A_144 = vector.broadcast %sub3A_143 : f32 to vector<256x256xf32>
        %sub3A_145 = arith.subf %sub3A_144, %mul3A_142 : vector<256x256xf32>
        %select_n3A = arith.select %gt3A, %sub3A_145, %mul3A_142 : vector<256x256xi1>, vector<256x256xf32>
        %lt3A = arith.constant 0.000000e+00 : f32
        %lt3A_146 = vector.broadcast %lt3A : f32 to vector<256x256xf32>
        %lt3A_147 = arith.cmpf olt, %min3A_85, %lt3A_146 : vector<256x256xf32>
        %sub3A_148 = arith.constant 3.14159274 : f32
        %sub3A_149 = vector.broadcast %sub3A_148 : f32 to vector<256x256xf32>
        %sub3A_150 = arith.subf %sub3A_149, %select_n3A : vector<256x256xf32>
        %select_n3A_151 = arith.select %lt3A_147, %sub3A_150, %select_n3A : vector<256x256xi1>, vector<256x256xf32>
        %eq3A = arith.constant 0.000000e+00 : f32
        %eq3A_152 = vector.broadcast %eq3A : f32 to vector<256x256xf32>
        %eq3A_153 = arith.cmpf oeq, %max3A_117, %eq3A_152 : vector<256x256xf32>
        %jit3A_154 = arith.constant 0.000000e+00 : f32
        %broadcast_in_dim3A_155 = vector.broadcast %jit3A_154 : f32 to vector<256x256xf32>
        %select_n3A_156 = arith.select %eq3A_153, %broadcast_in_dim3A_155, %select_n3A_151 : vector<256x256xi1>, vector<256x256xf32>
        %bitcast_convert_type3A = tpu.bitcast %min3A_97 : vector<256x256xf32> -> vector<256x256xi32>
        %lt3A_157 = arith.constant 0 : i32
        %lt3A_158 = vector.broadcast %lt3A_157 : i32 to vector<256x256xi32>
        %lt3A_159 = arith.cmpi slt, %bitcast_convert_type3A, %lt3A_158 : vector<256x256xi32>
        %neg3A = arith.constant 0.000000e+00 : f32
        %neg3A_160 = vector.broadcast %neg3A : f32 to vector<256x256xf32>
        %neg3A_161 = arith.subf %neg3A_160, %select_n3A_156 : vector<256x256xf32>
        %select_n3A_162 = arith.select %lt3A_159, %neg3A_161, %select_n3A_156 : vector<256x256xi1>, vector<256x256xf32>
        %mul3A_163 = arith.constant 0.318309873 : f32
        %mul3A_164 = vector.broadcast %mul3A_163 : f32 to vector<256x256xf32>
        %mul3A_165 = arith.mulf %select_n3A_162, %mul3A_164 : vector<256x256xf32>
        %convert_element_type3A_166 = arith.extui %and3A_75 : vector<256x256xi1> to vector<256x256xi32>
        %convert_element_type3A_167 = arith.sitofp %convert_element_type3A_166 : vector<256x256xi32> to vector<256x256xf32>
        %sub3A_168 = arith.constant -1.000000e+00 : f32
        %sub3A_169 = vector.broadcast %sub3A_168 : f32 to vector<256x256xf32>
        %sub3A_170 = arith.subf %mul3A_165, %sub3A_169 : vector<256x256xf32>
        %abs3A_171 = math.absf %sub3A_170 : vector<256x256xf32>
        %mul3A_172 = arith.constant 1.500000e+00 : f32
        %mul3A_173 = vector.broadcast %mul3A_172 : f32 to vector<256x256xf32>
        %mul3A_174 = arith.mulf %abs3A_171, %mul3A_173 : vector<256x256xf32>
        %sub3A_175 = arith.constant 1.000000e+00 : f32
        %sub3A_176 = vector.broadcast %sub3A_175 : f32 to vector<256x256xf32>
        %sub3A_177 = arith.subf %sub3A_176, %mul3A_174 : vector<256x256xf32>
        %max3A_178 = arith.constant 0.000000e+00 : f32
        %max3A_179 = vector.broadcast %max3A_178 : f32 to vector<256x256xf32>
        %max3A_180 = arith.maximumf %max3A_179, %sub3A_177 : vector<256x256xf32>
        %convert_element_type3A_181 = arith.truncf %max3A_180 : vector<256x256xf32> to vector<256x256xbf16>
        %sub3A_182 = arith.constant -0.333333343 : f32
        %sub3A_183 = vector.broadcast %sub3A_182 : f32 to vector<256x256xf32>
        %sub3A_184 = arith.subf %mul3A_165, %sub3A_183 : vector<256x256xf32>
        %abs3A_185 = math.absf %sub3A_184 : vector<256x256xf32>
        %mul3A_186 = arith.constant 1.500000e+00 : f32
        %mul3A_187 = vector.broadcast %mul3A_186 : f32 to vector<256x256xf32>
        %mul3A_188 = arith.mulf %abs3A_185, %mul3A_187 : vector<256x256xf32>
        %sub3A_189 = arith.constant 1.000000e+00 : f32
        %sub3A_190 = vector.broadcast %sub3A_189 : f32 to vector<256x256xf32>
        %sub3A_191 = arith.subf %sub3A_190, %mul3A_188 : vector<256x256xf32>
        %max3A_192 = arith.constant 0.000000e+00 : f32
        %max3A_193 = vector.broadcast %max3A_192 : f32 to vector<256x256xf32>
        %max3A_194 = arith.maximumf %max3A_193, %sub3A_191 : vector<256x256xf32>
        %convert_element_type3A_195 = arith.truncf %max3A_194 : vector<256x256xf32> to vector<256x256xbf16>
        %sub3A_196 = arith.constant 0.333333343 : f32
        %sub3A_197 = vector.broadcast %sub3A_196 : f32 to vector<256x256xf32>
        %sub3A_198 = arith.subf %mul3A_165, %sub3A_197 : vector<256x256xf32>
        %abs3A_199 = math.absf %sub3A_198 : vector<256x256xf32>
        %mul3A_200 = arith.constant 1.500000e+00 : f32
        %mul3A_201 = vector.broadcast %mul3A_200 : f32 to vector<256x256xf32>
        %mul3A_202 = arith.mulf %abs3A_199, %mul3A_201 : vector<256x256xf32>
        %sub3A_203 = arith.constant 1.000000e+00 : f32
        %sub3A_204 = vector.broadcast %sub3A_203 : f32 to vector<256x256xf32>
        %sub3A_205 = arith.subf %sub3A_204, %mul3A_202 : vector<256x256xf32>
        %max3A_206 = arith.constant 0.000000e+00 : f32
        %max3A_207 = vector.broadcast %max3A_206 : f32 to vector<256x256xf32>
        %max3A_208 = arith.maximumf %max3A_207, %sub3A_205 : vector<256x256xf32>
        %convert_element_type3A_209 = arith.truncf %max3A_208 : vector<256x256xf32> to vector<256x256xbf16>
        %sub3A_210 = arith.constant 1.000000e+00 : f32
        %sub3A_211 = vector.broadcast %sub3A_210 : f32 to vector<256x256xf32>
        %sub3A_212 = arith.subf %mul3A_165, %sub3A_211 : vector<256x256xf32>
        %abs3A_213 = math.absf %sub3A_212 : vector<256x256xf32>
        %mul3A_214 = arith.constant 1.500000e+00 : f32
        %mul3A_215 = vector.broadcast %mul3A_214 : f32 to vector<256x256xf32>
        %mul3A_216 = arith.mulf %abs3A_213, %mul3A_215 : vector<256x256xf32>
        %sub3A_217 = arith.constant 1.000000e+00 : f32
        %sub3A_218 = vector.broadcast %sub3A_217 : f32 to vector<256x256xf32>
        %sub3A_219 = arith.subf %sub3A_218, %mul3A_216 : vector<256x256xf32>
        %max3A_220 = arith.constant 0.000000e+00 : f32
        %max3A_221 = vector.broadcast %max3A_220 : f32 to vector<256x256xf32>
        %max3A_222 = arith.maximumf %max3A_221, %sub3A_219 : vector<256x256xf32>
        %convert_element_type3A_223 = arith.truncf %max3A_222 : vector<256x256xf32> to vector<256x256xbf16>
        %sub3A_224 = arith.constant -1.000000e+00 : f32
        %sub3A_225 = vector.broadcast %sub3A_224 : f32 to vector<256x256xf32>
        %sub3A_226 = arith.subf %sub3A_115, %sub3A_225 : vector<256x256xf32>
        %abs3A_227 = math.absf %sub3A_226 : vector<256x256xf32>
        %mul3A_228 = arith.constant 1.500000e+00 : f32
        %mul3A_229 = vector.broadcast %mul3A_228 : f32 to vector<256x256xf32>
        %mul3A_230 = arith.mulf %abs3A_227, %mul3A_229 : vector<256x256xf32>
        %sub3A_231 = arith.constant 1.000000e+00 : f32
        %sub3A_232 = vector.broadcast %sub3A_231 : f32 to vector<256x256xf32>
        %sub3A_233 = arith.subf %sub3A_232, %mul3A_230 : vector<256x256xf32>
        %max3A_234 = arith.constant 0.000000e+00 : f32
        %max3A_235 = vector.broadcast %max3A_234 : f32 to vector<256x256xf32>
        %max3A_236 = arith.maximumf %max3A_235, %sub3A_233 : vector<256x256xf32>
        %mul3A_237 = arith.mulf %max3A_236, %convert_element_type3A_167 : vector<256x256xf32>
        %convert_element_type3A_238 = arith.truncf %mul3A_237 : vector<256x256xf32> to vector<256x256xbf16>
        %mul3A_239 = arith.mulf %convert_element_type3A_238, %convert_element_type3A_181 : vector<256x256xbf16>
        %get3A_240 = arith.index_cast %scan3A_20 : i32 to index
        %get3A_241 = arith.constant 0 : index
        %get3A_242 = arith.constant 0 : index
        %get3A_243 = arith.constant 0 : index
        %get3A_244 = vector.load %arg3[%get3A_240, %get3A_241, %get3A_242, %get3A_243] : memref<16x16x32x256xbf16, #tpu.memory_space<vmem>>, vector<1x1x32x256xbf16>
        %get3A_245 = vector.shape_cast %get3A_244 : vector<1x1x32x256xbf16> to vector<32x256xbf16>
        %dot_general3A = arith.constant dense<0.000000e+00> : vector<32x256xf32>
        %dot_general3A_246 = tpu.matmul %get3A_245, %mul3A_239, %dot_general3A {dimension_numbers = #tpu.dot_dimension_numbers<[1], [0], [0], [1], [0, 0, 1, 1], [], []>, transpose_lhs_hint = false} : vector<32x256xbf16>, vector<256x256xbf16>, vector<32x256xf32> -> vector<32x256xf32>
        %add3A_247 = arith.addf %scan3A_21, %dot_general3A_246 : vector<32x256xf32>
        %mul3A_248 = arith.mulf %convert_element_type3A_238, %convert_element_type3A_195 : vector<256x256xbf16>
        %get3A_249 = arith.index_cast %scan3A_20 : i32 to index
        %get3A_250 = arith.constant 1 : index
        %get3A_251 = arith.constant 0 : index
        %get3A_252 = arith.constant 0 : index
        %get3A_253 = vector.load %arg3[%get3A_249, %get3A_250, %get3A_251, %get3A_252] : memref<16x16x32x256xbf16, #tpu.memory_space<vmem>>, vector<1x1x32x256xbf16>
        %get3A_254 = vector.shape_cast %get3A_253 : vector<1x1x32x256xbf16> to vector<32x256xbf16>
        %dot_general3A_255 = arith.constant dense<0.000000e+00> : vector<32x256xf32>
        %dot_general3A_256 = tpu.matmul %get3A_254, %mul3A_248, %dot_general3A_255 {dimension_numbers = #tpu.dot_dimension_numbers<[1], [0], [0], [1], [0, 0, 1, 1], [], []>, transpose_lhs_hint = false} : vector<32x256xbf16>, vector<256x256xbf16>, vector<32x256xf32> -> vector<32x256xf32>
        %add3A_257 = arith.addf %add3A_247, %dot_general3A_256 : vector<32x256xf32>
        %mul3A_258 = arith.mulf %convert_element_type3A_238, %convert_element_type3A_209 : vector<256x256xbf16>
        %get3A_259 = arith.index_cast %scan3A_20 : i32 to index
        %get3A_260 = arith.constant 2 : index
        %get3A_261 = arith.constant 0 : index
        %get3A_262 = arith.constant 0 : index
        %get3A_263 = vector.load %arg3[%get3A_259, %get3A_260, %get3A_261, %get3A_262] : memref<16x16x32x256xbf16, #tpu.memory_space<vmem>>, vector<1x1x32x256xbf16>
        %get3A_264 = vector.shape_cast %get3A_263 : vector<1x1x32x256xbf16> to vector<32x256xbf16>
        %dot_general3A_265 = arith.constant dense<0.000000e+00> : vector<32x256xf32>
        %dot_general3A_266 = tpu.matmul %get3A_264, %mul3A_258, %dot_general3A_265 {dimension_numbers = #tpu.dot_dimension_numbers<[1], [0], [0], [1], [0, 0, 1, 1], [], []>, transpose_lhs_hint = false} : vector<32x256xbf16>, vector<256x256xbf16>, vector<32x256xf32> -> vector<32x256xf32>
        %add3A_267 = arith.addf %add3A_257, %dot_general3A_266 : vector<32x256xf32>
        %mul3A_268 = arith.mulf %convert_element_type3A_238, %convert_element_type3A_223 : vector<256x256xbf16>
        %get3A_269 = arith.index_cast %scan3A_20 : i32 to index
        %get3A_270 = arith.constant 3 : index
        %get3A_271 = arith.constant 0 : index
        %get3A_272 = arith.constant 0 : index
        %get3A_273 = vector.load %arg3[%get3A_269, %get3A_270, %get3A_271, %get3A_272] : memref<16x16x32x256xbf16, #tpu.memory_space<vmem>>, vector<1x1x32x256xbf16>
        %get3A_274 = vector.shape_cast %get3A_273 : vector<1x1x32x256xbf16> to vector<32x256xbf16>
        %dot_general3A_275 = arith.constant dense<0.000000e+00> : vector<32x256xf32>
        %dot_general3A_276 = tpu.matmul %get3A_274, %mul3A_268, %dot_general3A_275 {dimension_numbers = #tpu.dot_dimension_numbers<[1], [0], [0], [1], [0, 0, 1, 1], [], []>, transpose_lhs_hint = false} : vector<32x256xbf16>, vector<256x256xbf16>, vector<32x256xf32> -> vector<32x256xf32>
        %add3A_277 = arith.addf %add3A_267, %dot_general3A_276 : vector<32x256xf32>
        %sub3A_278 = arith.constant -0.333333343 : f32
        %sub3A_279 = vector.broadcast %sub3A_278 : f32 to vector<256x256xf32>
        %sub3A_280 = arith.subf %sub3A_115, %sub3A_279 : vector<256x256xf32>
        %abs3A_281 = math.absf %sub3A_280 : vector<256x256xf32>
        %mul3A_282 = arith.constant 1.500000e+00 : f32
        %mul3A_283 = vector.broadcast %mul3A_282 : f32 to vector<256x256xf32>
        %mul3A_284 = arith.mulf %abs3A_281, %mul3A_283 : vector<256x256xf32>
        %sub3A_285 = arith.constant 1.000000e+00 : f32
        %sub3A_286 = vector.broadcast %sub3A_285 : f32 to vector<256x256xf32>
        %sub3A_287 = arith.subf %sub3A_286, %mul3A_284 : vector<256x256xf32>
        %max3A_288 = arith.constant 0.000000e+00 : f32
        %max3A_289 = vector.broadcast %max3A_288 : f32 to vector<256x256xf32>
        %max3A_290 = arith.maximumf %max3A_289, %sub3A_287 : vector<256x256xf32>
        %mul3A_291 = arith.mulf %max3A_290, %convert_element_type3A_167 : vector<256x256xf32>
        %convert_element_type3A_292 = arith.truncf %mul3A_291 : vector<256x256xf32> to vector<256x256xbf16>
        %mul3A_293 = arith.mulf %convert_element_type3A_292, %convert_element_type3A_181 : vector<256x256xbf16>
        %get3A_294 = arith.index_cast %scan3A_20 : i32 to index
        %get3A_295 = arith.constant 4 : index
        %get3A_296 = arith.constant 0 : index
        %get3A_297 = arith.constant 0 : index
        %get3A_298 = vector.load %arg3[%get3A_294, %get3A_295, %get3A_296, %get3A_297] : memref<16x16x32x256xbf16, #tpu.memory_space<vmem>>, vector<1x1x32x256xbf16>
        %get3A_299 = vector.shape_cast %get3A_298 : vector<1x1x32x256xbf16> to vector<32x256xbf16>
        %dot_general3A_300 = arith.constant dense<0.000000e+00> : vector<32x256xf32>
        %dot_general3A_301 = tpu.matmul %get3A_299, %mul3A_293, %dot_general3A_300 {dimension_numbers = #tpu.dot_dimension_numbers<[1], [0], [0], [1], [0, 0, 1, 1], [], []>, transpose_lhs_hint = false} : vector<32x256xbf16>, vector<256x256xbf16>, vector<32x256xf32> -> vector<32x256xf32>
        %add3A_302 = arith.addf %add3A_277, %dot_general3A_301 : vector<32x256xf32>
        %mul3A_303 = arith.mulf %convert_element_type3A_292, %convert_element_type3A_195 : vector<256x256xbf16>
        %get3A_304 = arith.index_cast %scan3A_20 : i32 to index
        %get3A_305 = arith.constant 5 : index
        %get3A_306 = arith.constant 0 : index
        %get3A_307 = arith.constant 0 : index
        %get3A_308 = vector.load %arg3[%get3A_304, %get3A_305, %get3A_306, %get3A_307] : memref<16x16x32x256xbf16, #tpu.memory_space<vmem>>, vector<1x1x32x256xbf16>
        %get3A_309 = vector.shape_cast %get3A_308 : vector<1x1x32x256xbf16> to vector<32x256xbf16>
        %dot_general3A_310 = arith.constant dense<0.000000e+00> : vector<32x256xf32>
        %dot_general3A_311 = tpu.matmul %get3A_309, %mul3A_303, %dot_general3A_310 {dimension_numbers = #tpu.dot_dimension_numbers<[1], [0], [0], [1], [0, 0, 1, 1], [], []>, transpose_lhs_hint = false} : vector<32x256xbf16>, vector<256x256xbf16>, vector<32x256xf32> -> vector<32x256xf32>
        %add3A_312 = arith.addf %add3A_302, %dot_general3A_311 : vector<32x256xf32>
        %mul3A_313 = arith.mulf %convert_element_type3A_292, %convert_element_type3A_209 : vector<256x256xbf16>
        %get3A_314 = arith.index_cast %scan3A_20 : i32 to index
        %get3A_315 = arith.constant 6 : index
        %get3A_316 = arith.constant 0 : index
        %get3A_317 = arith.constant 0 : index
        %get3A_318 = vector.load %arg3[%get3A_314, %get3A_315, %get3A_316, %get3A_317] : memref<16x16x32x256xbf16, #tpu.memory_space<vmem>>, vector<1x1x32x256xbf16>
        %get3A_319 = vector.shape_cast %get3A_318 : vector<1x1x32x256xbf16> to vector<32x256xbf16>
        %dot_general3A_320 = arith.constant dense<0.000000e+00> : vector<32x256xf32>
        %dot_general3A_321 = tpu.matmul %get3A_319, %mul3A_313, %dot_general3A_320 {dimension_numbers = #tpu.dot_dimension_numbers<[1], [0], [0], [1], [0, 0, 1, 1], [], []>, transpose_lhs_hint = false} : vector<32x256xbf16>, vector<256x256xbf16>, vector<32x256xf32> -> vector<32x256xf32>
        %add3A_322 = arith.addf %add3A_312, %dot_general3A_321 : vector<32x256xf32>
        %mul3A_323 = arith.mulf %convert_element_type3A_292, %convert_element_type3A_223 : vector<256x256xbf16>
        %get3A_324 = arith.index_cast %scan3A_20 : i32 to index
        %get3A_325 = arith.constant 7 : index
        %get3A_326 = arith.constant 0 : index
        %get3A_327 = arith.constant 0 : index
        %get3A_328 = vector.load %arg3[%get3A_324, %get3A_325, %get3A_326, %get3A_327] : memref<16x16x32x256xbf16, #tpu.memory_space<vmem>>, vector<1x1x32x256xbf16>
        %get3A_329 = vector.shape_cast %get3A_328 : vector<1x1x32x256xbf16> to vector<32x256xbf16>
        %dot_general3A_330 = arith.constant dense<0.000000e+00> : vector<32x256xf32>
        %dot_general3A_331 = tpu.matmul %get3A_329, %mul3A_323, %dot_general3A_330 {dimension_numbers = #tpu.dot_dimension_numbers<[1], [0], [0], [1], [0, 0, 1, 1], [], []>, transpose_lhs_hint = false} : vector<32x256xbf16>, vector<256x256xbf16>, vector<32x256xf32> -> vector<32x256xf32>
        %add3A_332 = arith.addf %add3A_322, %dot_general3A_331 : vector<32x256xf32>
        %sub3A_333 = arith.constant 0.333333343 : f32
        %sub3A_334 = vector.broadcast %sub3A_333 : f32 to vector<256x256xf32>
        %sub3A_335 = arith.subf %sub3A_115, %sub3A_334 : vector<256x256xf32>
        %abs3A_336 = math.absf %sub3A_335 : vector<256x256xf32>
        %mul3A_337 = arith.constant 1.500000e+00 : f32
        %mul3A_338 = vector.broadcast %mul3A_337 : f32 to vector<256x256xf32>
        %mul3A_339 = arith.mulf %abs3A_336, %mul3A_338 : vector<256x256xf32>
        %sub3A_340 = arith.constant 1.000000e+00 : f32
        %sub3A_341 = vector.broadcast %sub3A_340 : f32 to vector<256x256xf32>
        %sub3A_342 = arith.subf %sub3A_341, %mul3A_339 : vector<256x256xf32>
        %max3A_343 = arith.constant 0.000000e+00 : f32
        %max3A_344 = vector.broadcast %max3A_343 : f32 to vector<256x256xf32>
        %max3A_345 = arith.maximumf %max3A_344, %sub3A_342 : vector<256x256xf32>
        %mul3A_346 = arith.mulf %max3A_345, %convert_element_type3A_167 : vector<256x256xf32>
        %convert_element_type3A_347 = arith.truncf %mul3A_346 : vector<256x256xf32> to vector<256x256xbf16>
        %mul3A_348 = arith.mulf %convert_element_type3A_347, %convert_element_type3A_181 : vector<256x256xbf16>
        %get3A_349 = arith.index_cast %scan3A_20 : i32 to index
        %get3A_350 = arith.constant 8 : index
        %get3A_351 = arith.constant 0 : index
        %get3A_352 = arith.constant 0 : index
        %get3A_353 = vector.load %arg3[%get3A_349, %get3A_350, %get3A_351, %get3A_352] : memref<16x16x32x256xbf16, #tpu.memory_space<vmem>>, vector<1x1x32x256xbf16>
        %get3A_354 = vector.shape_cast %get3A_353 : vector<1x1x32x256xbf16> to vector<32x256xbf16>
        %dot_general3A_355 = arith.constant dense<0.000000e+00> : vector<32x256xf32>
        %dot_general3A_356 = tpu.matmul %get3A_354, %mul3A_348, %dot_general3A_355 {dimension_numbers = #tpu.dot_dimension_numbers<[1], [0], [0], [1], [0, 0, 1, 1], [], []>, transpose_lhs_hint = false} : vector<32x256xbf16>, vector<256x256xbf16>, vector<32x256xf32> -> vector<32x256xf32>
        %add3A_357 = arith.addf %add3A_332, %dot_general3A_356 : vector<32x256xf32>
        %mul3A_358 = arith.mulf %convert_element_type3A_347, %convert_element_type3A_195 : vector<256x256xbf16>
        %get3A_359 = arith.index_cast %scan3A_20 : i32 to index
        %get3A_360 = arith.constant 9 : index
        %get3A_361 = arith.constant 0 : index
        %get3A_362 = arith.constant 0 : index
        %get3A_363 = vector.load %arg3[%get3A_359, %get3A_360, %get3A_361, %get3A_362] : memref<16x16x32x256xbf16, #tpu.memory_space<vmem>>, vector<1x1x32x256xbf16>
        %get3A_364 = vector.shape_cast %get3A_363 : vector<1x1x32x256xbf16> to vector<32x256xbf16>
        %dot_general3A_365 = arith.constant dense<0.000000e+00> : vector<32x256xf32>
        %dot_general3A_366 = tpu.matmul %get3A_364, %mul3A_358, %dot_general3A_365 {dimension_numbers = #tpu.dot_dimension_numbers<[1], [0], [0], [1], [0, 0, 1, 1], [], []>, transpose_lhs_hint = false} : vector<32x256xbf16>, vector<256x256xbf16>, vector<32x256xf32> -> vector<32x256xf32>
        %add3A_367 = arith.addf %add3A_357, %dot_general3A_366 : vector<32x256xf32>
        %mul3A_368 = arith.mulf %convert_element_type3A_347, %convert_element_type3A_209 : vector<256x256xbf16>
        %get3A_369 = arith.index_cast %scan3A_20 : i32 to index
        %get3A_370 = arith.constant 10 : index
        %get3A_371 = arith.constant 0 : index
        %get3A_372 = arith.constant 0 : index
        %get3A_373 = vector.load %arg3[%get3A_369, %get3A_370, %get3A_371, %get3A_372] : memref<16x16x32x256xbf16, #tpu.memory_space<vmem>>, vector<1x1x32x256xbf16>
        %get3A_374 = vector.shape_cast %get3A_373 : vector<1x1x32x256xbf16> to vector<32x256xbf16>
        %dot_general3A_375 = arith.constant dense<0.000000e+00> : vector<32x256xf32>
        %dot_general3A_376 = tpu.matmul %get3A_374, %mul3A_368, %dot_general3A_375 {dimension_numbers = #tpu.dot_dimension_numbers<[1], [0], [0], [1], [0, 0, 1, 1], [], []>, transpose_lhs_hint = false} : vector<32x256xbf16>, vector<256x256xbf16>, vector<32x256xf32> -> vector<32x256xf32>
        %add3A_377 = arith.addf %add3A_367, %dot_general3A_376 : vector<32x256xf32>
        %mul3A_378 = arith.mulf %convert_element_type3A_347, %convert_element_type3A_223 : vector<256x256xbf16>
        %get3A_379 = arith.index_cast %scan3A_20 : i32 to index
        %get3A_380 = arith.constant 11 : index
        %get3A_381 = arith.constant 0 : index
        %get3A_382 = arith.constant 0 : index
        %get3A_383 = vector.load %arg3[%get3A_379, %get3A_380, %get3A_381, %get3A_382] : memref<16x16x32x256xbf16, #tpu.memory_space<vmem>>, vector<1x1x32x256xbf16>
        %get3A_384 = vector.shape_cast %get3A_383 : vector<1x1x32x256xbf16> to vector<32x256xbf16>
        %dot_general3A_385 = arith.constant dense<0.000000e+00> : vector<32x256xf32>
        %dot_general3A_386 = tpu.matmul %get3A_384, %mul3A_378, %dot_general3A_385 {dimension_numbers = #tpu.dot_dimension_numbers<[1], [0], [0], [1], [0, 0, 1, 1], [], []>, transpose_lhs_hint = false} : vector<32x256xbf16>, vector<256x256xbf16>, vector<32x256xf32> -> vector<32x256xf32>
        %add3A_387 = arith.addf %add3A_377, %dot_general3A_386 : vector<32x256xf32>
        %sub3A_388 = arith.constant 1.000000e+00 : f32
        %sub3A_389 = vector.broadcast %sub3A_388 : f32 to vector<256x256xf32>
        %sub3A_390 = arith.subf %sub3A_115, %sub3A_389 : vector<256x256xf32>
        %abs3A_391 = math.absf %sub3A_390 : vector<256x256xf32>
        %mul3A_392 = arith.constant 1.500000e+00 : f32
        %mul3A_393 = vector.broadcast %mul3A_392 : f32 to vector<256x256xf32>
        %mul3A_394 = arith.mulf %abs3A_391, %mul3A_393 : vector<256x256xf32>
        %sub3A_395 = arith.constant 1.000000e+00 : f32
        %sub3A_396 = vector.broadcast %sub3A_395 : f32 to vector<256x256xf32>
        %sub3A_397 = arith.subf %sub3A_396, %mul3A_394 : vector<256x256xf32>
        %max3A_398 = arith.constant 0.000000e+00 : f32
        %max3A_399 = vector.broadcast %max3A_398 : f32 to vector<256x256xf32>
        %max3A_400 = arith.maximumf %max3A_399, %sub3A_397 : vector<256x256xf32>
        %mul3A_401 = arith.mulf %max3A_400, %convert_element_type3A_167 : vector<256x256xf32>
        %convert_element_type3A_402 = arith.truncf %mul3A_401 : vector<256x256xf32> to vector<256x256xbf16>
        %mul3A_403 = arith.mulf %convert_element_type3A_402, %convert_element_type3A_181 : vector<256x256xbf16>
        %get3A_404 = arith.index_cast %scan3A_20 : i32 to index
        %get3A_405 = arith.constant 12 : index
        %get3A_406 = arith.constant 0 : index
        %get3A_407 = arith.constant 0 : index
        %get3A_408 = vector.load %arg3[%get3A_404, %get3A_405, %get3A_406, %get3A_407] : memref<16x16x32x256xbf16, #tpu.memory_space<vmem>>, vector<1x1x32x256xbf16>
        %get3A_409 = vector.shape_cast %get3A_408 : vector<1x1x32x256xbf16> to vector<32x256xbf16>
        %dot_general3A_410 = arith.constant dense<0.000000e+00> : vector<32x256xf32>
        %dot_general3A_411 = tpu.matmul %get3A_409, %mul3A_403, %dot_general3A_410 {dimension_numbers = #tpu.dot_dimension_numbers<[1], [0], [0], [1], [0, 0, 1, 1], [], []>, transpose_lhs_hint = false} : vector<32x256xbf16>, vector<256x256xbf16>, vector<32x256xf32> -> vector<32x256xf32>
        %add3A_412 = arith.addf %add3A_387, %dot_general3A_411 : vector<32x256xf32>
        %mul3A_413 = arith.mulf %convert_element_type3A_402, %convert_element_type3A_195 : vector<256x256xbf16>
        %get3A_414 = arith.index_cast %scan3A_20 : i32 to index
        %get3A_415 = arith.constant 13 : index
        %get3A_416 = arith.constant 0 : index
        %get3A_417 = arith.constant 0 : index
        %get3A_418 = vector.load %arg3[%get3A_414, %get3A_415, %get3A_416, %get3A_417] : memref<16x16x32x256xbf16, #tpu.memory_space<vmem>>, vector<1x1x32x256xbf16>
        %get3A_419 = vector.shape_cast %get3A_418 : vector<1x1x32x256xbf16> to vector<32x256xbf16>
        %dot_general3A_420 = arith.constant dense<0.000000e+00> : vector<32x256xf32>
        %dot_general3A_421 = tpu.matmul %get3A_419, %mul3A_413, %dot_general3A_420 {dimension_numbers = #tpu.dot_dimension_numbers<[1], [0], [0], [1], [0, 0, 1, 1], [], []>, transpose_lhs_hint = false} : vector<32x256xbf16>, vector<256x256xbf16>, vector<32x256xf32> -> vector<32x256xf32>
        %add3A_422 = arith.addf %add3A_412, %dot_general3A_421 : vector<32x256xf32>
        %mul3A_423 = arith.mulf %convert_element_type3A_402, %convert_element_type3A_209 : vector<256x256xbf16>
        %get3A_424 = arith.index_cast %scan3A_20 : i32 to index
        %get3A_425 = arith.constant 14 : index
        %get3A_426 = arith.constant 0 : index
        %get3A_427 = arith.constant 0 : index
        %get3A_428 = vector.load %arg3[%get3A_424, %get3A_425, %get3A_426, %get3A_427] : memref<16x16x32x256xbf16, #tpu.memory_space<vmem>>, vector<1x1x32x256xbf16>
        %get3A_429 = vector.shape_cast %get3A_428 : vector<1x1x32x256xbf16> to vector<32x256xbf16>
        %dot_general3A_430 = arith.constant dense<0.000000e+00> : vector<32x256xf32>
        %dot_general3A_431 = tpu.matmul %get3A_429, %mul3A_423, %dot_general3A_430 {dimension_numbers = #tpu.dot_dimension_numbers<[1], [0], [0], [1], [0, 0, 1, 1], [], []>, transpose_lhs_hint = false} : vector<32x256xbf16>, vector<256x256xbf16>, vector<32x256xf32> -> vector<32x256xf32>
        %add3A_432 = arith.addf %add3A_422, %dot_general3A_431 : vector<32x256xf32>
        %mul3A_433 = arith.mulf %convert_element_type3A_402, %convert_element_type3A_223 : vector<256x256xbf16>
        %get3A_434 = arith.index_cast %scan3A_20 : i32 to index
        %get3A_435 = arith.constant 15 : index
        %get3A_436 = arith.constant 0 : index
        %get3A_437 = arith.constant 0 : index
        %get3A_438 = vector.load %arg3[%get3A_434, %get3A_435, %get3A_436, %get3A_437] : memref<16x16x32x256xbf16, #tpu.memory_space<vmem>>, vector<1x1x32x256xbf16>
        %get3A_439 = vector.shape_cast %get3A_438 : vector<1x1x32x256xbf16> to vector<32x256xbf16>
        %dot_general3A_440 = arith.constant dense<0.000000e+00> : vector<32x256xf32>
        %dot_general3A_441 = tpu.matmul %get3A_439, %mul3A_433, %dot_general3A_440 {dimension_numbers = #tpu.dot_dimension_numbers<[1], [0], [0], [1], [0, 0, 1, 1], [], []>, transpose_lhs_hint = false} : vector<32x256xbf16>, vector<256x256xbf16>, vector<32x256xf32> -> vector<32x256xf32>
        %add3A_442 = arith.addf %add3A_432, %dot_general3A_441 : vector<32x256xf32>
        scf.yield %add3A_442 : vector<32x256xf32>
      } else {
        scf.yield %scan3A_21 : vector<32x256xf32>
      }
      scf.yield %cond3A_46 : vector<32x256xf32>
    }
    %scan3A_15 = arith.constant 16 : i32
    %max3A = arith.constant 0.000000e+00 : f32
    %max3A_16 = vector.broadcast %max3A : f32 to vector<32x256xf32>
    %max3A_17 = arith.maximumf %scan3A_14, %max3A_16 : vector<32x256xf32>
    %swap3A = arith.constant 0 : index
    %swap3A_18 = arith.constant 0 : index
    %swap3A_19 = vector.load %arg4[%swap3A, %swap3A_18] : memref<32x256xf32, #tpu.memory_space<vmem>>, vector<32x256xf32>
    tpu.vector_store %arg4[%swap3A, %swap3A_18], %max3A_17 {strides = array<i32>} : memref<32x256xf32, #tpu.memory_space<vmem>>, vector<32x256xf32>,
    return
  }
  func.func @transform_0(%arg0: i32) -> (i32, i32) {
    %c0_i32 = arith.constant 0 : i32
    %c0_i32_0 = arith.constant 0 : i32
    return %c0_i32, %arg0 : i32, i32
  }
  func.func @transform_1(%arg0: i32) -> (i32, i32, i32) {
    %c0_i32 = arith.constant 0 : i32
    %c0_i32_0 = arith.constant 0 : i32
    %c0_i32_1 = arith.constant 0 : i32
    %c0_i32_2 = arith.constant 0 : i32
    return %c0_i32, %c0_i32_0, %c0_i32_1 : i32, i32, i32
  }
  func.func @transform_2(%arg0: i32) -> (i32, i32, i32, i32) {
    %c0_i32 = arith.constant 0 : i32
    %c0_i32_0 = arith.constant 0 : i32
    %c0_i32_1 = arith.constant 0 : i32
    %c0_i32_2 = arith.constant 0 : i32
    %c0_i32_3 = arith.constant 0 : i32
    return %c0_i32, %c0_i32_0, %c0_i32_1, %c0_i32_2 : i32, i32, i32, i32
  }
  func.func @transform_3(%arg0: i32) -> (i32, i32) {
    %c0_i32 = arith.constant 0 : i32
    %c0_i32_0 = arith.constant 0 : i32
    return %c0_i32, %arg0 : i32, i32
  }
}

module attributes {stable_mosaic.version = 14 : i64} {
  func.func @_mm_body(%arg0: memref<32x96xf32, #tpu.memory_space<vmem>>, %arg1: memref<96x4096xf32, #tpu.memory_space<vmem>>, %arg2: memref<32x4096xf32, #tpu.memory_space<vmem>>) attributes {dimension_semantics = [], scalar_prefetch = 0 : i64, scratch_operands = 0 : i64, tpu.core_type = #tpu.core_type<tc>} {
    %get3A = arith.constant 0 : index
    %get3A_0 = arith.constant 0 : index
    %get3A_1 = vector.load %arg0[%get3A, %get3A_0] : memref<32x96xf32, #tpu.memory_space<vmem>>, vector<32x96xf32>
    %get3A_2 = arith.constant 0 : index
    %get3A_3 = arith.constant 0 : index
    %get3A_4 = vector.load %arg1[%get3A_2, %get3A_3] : memref<96x4096xf32, #tpu.memory_space<vmem>>, vector<96x4096xf32>
    %dot_general3A = arith.constant dense<0.000000e+00> : vector<32x4096xf32>
    %dot_general3A_5 = tpu.matmul %get3A_1, %get3A_4, %dot_general3A {dimension_numbers = #tpu.dot_dimension_numbers<[1], [0], [0], [1], [0, 0, 1, 1], [], []>, transpose_lhs_hint = false} : vector<32x96xf32>, vector<96x4096xf32>, vector<32x4096xf32> -> vector<32x4096xf32>
    %swap3A = arith.constant 0 : index
    %swap3A_6 = arith.constant 0 : index
    %swap3A_7 = vector.load %arg2[%swap3A, %swap3A_6] : memref<32x4096xf32, #tpu.memory_space<vmem>>, vector<32x4096xf32>
    tpu.vector_store %arg2[%swap3A, %swap3A_6], %dot_general3A_5 {strides = array<i32>} : memref<32x4096xf32, #tpu.memory_space<vmem>>, vector<32x4096xf32>,
    return
  }
}

module attributes {stable_mosaic.version = 14 : i64} {
  func.func @_mm_body(%arg0: memref<512x96xf32, #tpu.memory_space<vmem>>, %arg1: memref<96x4096xf32, #tpu.memory_space<vmem>>, %arg2: memref<512x4096xf32, #tpu.memory_space<vmem>>) attributes {dimension_semantics = [], scalar_prefetch = 0 : i64, scratch_operands = 0 : i64, tpu.core_type = #tpu.core_type<tc>} {
    %get3A = arith.constant 0 : index
    %get3A_0 = arith.constant 0 : index
    %get3A_1 = vector.load %arg0[%get3A, %get3A_0] : memref<512x96xf32, #tpu.memory_space<vmem>>, vector<512x96xf32>
    %get3A_2 = arith.constant 0 : index
    %get3A_3 = arith.constant 0 : index
    %get3A_4 = vector.load %arg1[%get3A_2, %get3A_3] : memref<96x4096xf32, #tpu.memory_space<vmem>>, vector<96x4096xf32>
    %dot_general3A = arith.constant dense<0.000000e+00> : vector<512x4096xf32>
    %dot_general3A_5 = tpu.matmul %get3A_1, %get3A_4, %dot_general3A {dimension_numbers = #tpu.dot_dimension_numbers<[1], [0], [0], [1], [0, 0, 1, 1], [], []>, transpose_lhs_hint = false} : vector<512x96xf32>, vector<96x4096xf32>, vector<512x4096xf32> -> vector<512x4096xf32>
    %swap3A = arith.constant 0 : index
    %swap3A_6 = arith.constant 0 : index
    %swap3A_7 = vector.load %arg2[%swap3A, %swap3A_6] : memref<512x4096xf32, #tpu.memory_space<vmem>>, vector<512x4096xf32>
    tpu.vector_store %arg2[%swap3A, %swap3A_6], %dot_general3A_5 {strides = array<i32>} : memref<512x4096xf32, #tpu.memory_space<vmem>>, vector<512x4096xf32>,
    return
  }
}

module attributes {stable_mosaic.version = 14 : i64} {
  func.func @_conv_body(%arg0: i32, %arg1: memref<2x256xf32, #tpu.memory_space<vmem>>, %arg2: memref<16x256x2xf32, #tpu.memory_space<vmem>>, %arg3: memref<16x16x32x256xbf16, #tpu.memory_space<vmem>>, %arg4: memref<32x256xf32, #tpu.memory_space<vmem>>, %arg5: memref<32x256xf32, #tpu.memory_space<vmem>>) attributes {dimension_semantics = [#tpu.dimension_semantics<parallel>], iteration_bounds = array<i64: 16>, scalar_prefetch = 0 : i64, scratch_operands = 0 : i64, tpu.core_type = #tpu.core_type<tc>, window_params = [{transform_indices = @transform_0, window_bounds = array<i64: 2, 256>}, {pipeline_mode = #tpu.pipeline_mode<synchronous>, transform_indices = @transform_1, window_bounds = array<i64: 16, 256, 2>}, {pipeline_mode = #tpu.pipeline_mode<synchronous>, transform_indices = @transform_2, window_bounds = array<i64: 16, 16, 32, 256>}, {transform_indices = @transform_3, window_bounds = array<i64: 32, 256>}, {transform_indices = @transform_4, window_bounds = array<i64: 32, 256>}]} {
    %get3A = arith.constant 0 : index
    %get3A_0 = arith.constant 0 : index
    %get3A_1 = vector.load %arg1[%get3A, %get3A_0] : memref<2x256xf32, #tpu.memory_space<vmem>>, vector<2x256xf32>
    %slice3A = vector.extract_strided_slice %get3A_1 {offsets = [1, 0], sizes = [1, 256], strides = [1, 1]} : vector<2x256xf32> to vector<1x256xf32>
    %reduce_min3A = vector.shape_cast %slice3A : vector<1x256xf32> to vector<1x1x256xf32>
    %reduce_min3A_2 = arith.constant dense<0x7F800000> : vector<1xf32>
    %reduce_min3A_3 = vector.multi_reduction <minimumf>, %reduce_min3A, %reduce_min3A_2 [1, 2] : vector<1x1x256xf32> to vector<1xf32>
    %reduce_min3A_4 = vector.shape_cast %reduce_min3A_3 : vector<1xf32> to vector<1x1x1xf32>
    %reduce_min3A_5 = vector.extract %reduce_min3A_4[0, 0, 0] : f32 from vector<1x1x1xf32>
    %reduce_max3A = vector.shape_cast %slice3A : vector<1x256xf32> to vector<1x1x256xf32>
    %reduce_max3A_6 = arith.constant dense<0xFF800000> : vector<1xf32>
    %reduce_max3A_7 = vector.multi_reduction <maximumf>, %reduce_max3A, %reduce_max3A_6 [1, 2] : vector<1x1x256xf32> to vector<1xf32>
    %reduce_max3A_8 = vector.shape_cast %reduce_max3A_7 : vector<1xf32> to vector<1x1x1xf32>
    %reduce_max3A_9 = vector.extract %reduce_max3A_8[0, 0, 0] : f32 from vector<1x1x1xf32>
    %broadcast_in_dim3A = arith.constant 0.000000e+00 : f32
    %broadcast_in_dim3A_10 = vector.broadcast %broadcast_in_dim3A : f32 to vector<32x256xf32>
    %scan3A = arith.constant 0 : i32
    %scan3A_11 = arith.constant 16 : i32
    %scan3A_12 = arith.addi %scan3A, %scan3A_11 : i32
    %scan3A_13 = arith.constant 1 : i32
    %scan3A_14 = scf.for %scan3A_23 = %scan3A to %scan3A_12 step %scan3A_13 iter_args(%scan3A_24 = %broadcast_in_dim3A_10) -> (vector<32x256xf32>)  : i32 {
      %get3A_25 = arith.index_cast %scan3A_23 : i32 to index
      %get3A_26 = arith.constant 0 : index
      %get3A_27 = arith.constant 1 : index
      %get3A_28 = vector.load %arg2[%get3A_25, %get3A_26, %get3A_27] : memref<16x256x2xf32, #tpu.memory_space<vmem>>, vector<1x1x1xf32>
      %get3A_29 = vector.shape_cast %get3A_28 : vector<1x1x1xf32> to vector<1x1xf32>
      %reduce_min3A_30 = vector.shape_cast %get3A_29 : vector<1x1xf32> to vector<1x1x1xf32>
      %reduce_min3A_31 = arith.constant dense<0x7F800000> : vector<1xf32>
      %reduce_min3A_32 = vector.multi_reduction <minimumf>, %reduce_min3A_30, %reduce_min3A_31 [1, 2] : vector<1x1x1xf32> to vector<1xf32>
      %reduce_min3A_33 = vector.shape_cast %reduce_min3A_32 : vector<1xf32> to vector<1x1x1xf32>
      %reduce_min3A_34 = vector.extract %reduce_min3A_33[0, 0, 0] : f32 from vector<1x1x1xf32>
      %get3A_35 = arith.index_cast %scan3A_23 : i32 to index
      %get3A_36 = arith.constant 255 : index
      %get3A_37 = arith.constant 1 : index
      %get3A_38 = vector.load %arg2[%get3A_35, %get3A_36, %get3A_37] : memref<16x256x2xf32, #tpu.memory_space<vmem>>, vector<1x1x1xf32>
      %get3A_39 = vector.shape_cast %get3A_38 : vector<1x1x1xf32> to vector<1x1xf32>
      %reduce_min3A_40 = vector.shape_cast %get3A_39 : vector<1x1xf32> to vector<1x1x1xf32>
      %reduce_min3A_41 = arith.constant dense<0x7F800000> : vector<1xf32>
      %reduce_min3A_42 = vector.multi_reduction <minimumf>, %reduce_min3A_40, %reduce_min3A_41 [1, 2] : vector<1x1x1xf32> to vector<1xf32>
      %reduce_min3A_43 = vector.shape_cast %reduce_min3A_42 : vector<1xf32> to vector<1x1x1xf32>
      %reduce_min3A_44 = vector.extract %reduce_min3A_43[0, 0, 0] : f32 from vector<1x1x1xf32>
      %add3A_45 = arith.constant 5.000000e-02 : f32
      %add3A_46 = arith.addf %reduce_max3A_9, %add3A_45 : f32
      %le3A = arith.cmpf ole, %reduce_min3A_34, %add3A_46 : f32
      %sub3A = arith.constant 5.000000e-02 : f32
      %sub3A_47 = arith.subf %reduce_min3A_5, %sub3A : f32
      %le3A_48 = arith.cmpf ole, %sub3A_47, %reduce_min3A_44 : f32
      %and3A = arith.andi %le3A, %le3A_48 : i1
      %convert_element_type3A = arith.extui %and3A : i1 to i32
      %cond3A = arith.constant 0 : i32
      %cond3A_49 = arith.cmpi ne, %convert_element_type3A, %cond3A : i32
      %cond3A_50 = scf.if %cond3A_49 -> (vector<32x256xf32>) {
        %get3A_51 = arith.index_cast %scan3A_23 : i32 to index
        %get3A_52 = arith.constant 0 : index
        %get3A_53 = arith.constant 0 : index
        %get3A_54 = vector.load %arg2[%get3A_51, %get3A_52, %get3A_53] : memref<16x256x2xf32, #tpu.memory_space<vmem>>, vector<1x256x2xf32>
        %get3A_55 = vector.shape_cast %get3A_54 : vector<1x256x2xf32> to vector<256x2xf32>
        %slice3A_56 = vector.extract_strided_slice %get3A_55 {offsets = [0, 0], sizes = [256, 1], strides = [1, 1]} : vector<256x2xf32> to vector<256x1xf32>
        %slice3A_57 = vector.extract_strided_slice %get3A_1 {offsets = [0, 0], sizes = [1, 256], strides = [1, 1]} : vector<2x256xf32> to vector<1x256xf32>
        %sub3A_58 = vector.broadcast %slice3A_56 : vector<256x1xf32> to vector<256x256xf32>
        %sub3A_59 = vector.broadcast %slice3A_57 : vector<1x256xf32> to vector<256x256xf32>
        %sub3A_60 = arith.subf %sub3A_58, %sub3A_59 : vector<256x256xf32>
        %slice3A_61 = vector.extract_strided_slice %get3A_55 {offsets = [0, 1], sizes = [256, 1], strides = [1, 1]} : vector<256x2xf32> to vector<256x1xf32>
        %sub3A_62 = vector.broadcast %slice3A_61 : vector<256x1xf32> to vector<256x256xf32>
        %sub3A_63 = vector.broadcast %slice3A : vector<1x256xf32> to vector<256x256xf32>
        %sub3A_64 = arith.subf %sub3A_62, %sub3A_63 : vector<256x256xf32>
        %mul3A = arith.mulf %sub3A_60, %sub3A_60 : vector<256x256xf32>
        %mul3A_65 = arith.mulf %sub3A_64, %sub3A_64 : vector<256x256xf32>
        %add3A_66 = arith.addf %mul3A, %mul3A_65 : vector<256x256xf32>
        %le3A_67 = arith.constant 2.500000e-03 : f32
        %le3A_68 = vector.broadcast %le3A_67 : f32 to vector<256x256xf32>
        %le3A_69 = arith.cmpf ole, %add3A_66, %le3A_68 : vector<256x256xf32>
        %mul3A_70 = arith.constant 256 : i32
        %mul3A_71 = arith.muli %scan3A_23, %mul3A_70 : i32
        %iota3A = tpu.iota {dimensions = array<i32: 0>} : vector<256x256xi32>
        %add3A_72 = vector.broadcast %mul3A_71 : i32 to vector<256x256xi32>
        %add3A_73 = arith.addi %add3A_72, %iota3A : vector<256x256xi32>
        %mul3A_74 = arith.constant 256 : i32
        %mul3A_75 = arith.muli %arg0, %mul3A_74 : i32
        %iota3A_76 = tpu.iota {dimensions = array<i32: 1>} : vector<256x256xi32>
        %add3A_77 = vector.broadcast %mul3A_75 : i32 to vector<256x256xi32>
        %add3A_78 = arith.addi %add3A_77, %iota3A_76 : vector<256x256xi32>
        %ne3A = arith.cmpi ne, %add3A_78, %add3A_73 : vector<256x256xi32>
        %and3A_79 = arith.andi %le3A_69, %ne3A : vector<256x256xi1>
        %mul3A_80 = arith.constant -1.000000e+00 : f32
        %mul3A_81 = vector.broadcast %mul3A_80 : f32 to vector<256x256xf32>
        %mul3A_82 = arith.mulf %mul3A_81, %sub3A_60 : vector<256x256xf32>
        %mul3A_83 = arith.constant 2.000000e+01 : f32
        %mul3A_84 = vector.broadcast %mul3A_83 : f32 to vector<256x256xf32>
        %mul3A_85 = arith.mulf %mul3A_82, %mul3A_84 : vector<256x256xf32>
        %jit3A = arith.constant -1.000000e+00 : f32
        %jit3A_86 = arith.constant 1.000000e+00 : f32
        %max3A_87 = vector.broadcast %jit3A : f32 to vector<256x256xf32>
        %max3A_88 = arith.maximumf %max3A_87, %mul3A_85 : vector<256x256xf32>
        %min3A = vector.broadcast %jit3A_86 : f32 to vector<256x256xf32>
        %min3A_89 = arith.minimumf %min3A, %max3A_88 : vector<256x256xf32>
        %mul3A_90 = arith.constant -1.000000e+00 : f32
        %mul3A_91 = vector.broadcast %mul3A_90 : f32 to vector<256x256xf32>
        %mul3A_92 = arith.mulf %mul3A_91, %sub3A_64 : vector<256x256xf32>
        %mul3A_93 = arith.constant 2.000000e+01 : f32
        %mul3A_94 = vector.broadcast %mul3A_93 : f32 to vector<256x256xf32>
        %mul3A_95 = arith.mulf %mul3A_92, %mul3A_94 : vector<256x256xf32>
        %jit3A_96 = arith.constant -1.000000e+00 : f32
        %jit3A_97 = arith.constant 1.000000e+00 : f32
        %max3A_98 = vector.broadcast %jit3A_96 : f32 to vector<256x256xf32>
        %max3A_99 = arith.maximumf %max3A_98, %mul3A_95 : vector<256x256xf32>
        %min3A_100 = vector.broadcast %jit3A_97 : f32 to vector<256x256xf32>
        %min3A_101 = arith.minimumf %min3A_100, %max3A_99 : vector<256x256xf32>
        %mul3A_102 = arith.mulf %min3A_89, %min3A_89 : vector<256x256xf32>
        %mul3A_103 = arith.mulf %min3A_101, %min3A_101 : vector<256x256xf32>
        %add3A_104 = arith.addf %mul3A_102, %mul3A_103 : vector<256x256xf32>
        %add3A_105 = arith.constant 9.99999996E-13 : f32
        %add3A_106 = vector.broadcast %add3A_105 : f32 to vector<256x256xf32>
        %add3A_107 = arith.addf %add3A_104, %add3A_106 : vector<256x256xf32>
        %sqrt3A = math.sqrt %add3A_107 : vector<256x256xf32>
        %jit3A_108 = arith.constant 0.000000e+00 : f32
        %jit3A_109 = arith.constant 1.000000e+00 : f32
        %max3A_110 = vector.broadcast %jit3A_108 : f32 to vector<256x256xf32>
        %max3A_111 = arith.maximumf %max3A_110, %sqrt3A : vector<256x256xf32>
        %min3A_112 = vector.broadcast %jit3A_109 : f32 to vector<256x256xf32>
        %min3A_113 = arith.minimumf %min3A_112, %max3A_111 : vector<256x256xf32>
        %mul3A_114 = arith.constant 2.000000e+00 : f32
        %mul3A_115 = vector.broadcast %mul3A_114 : f32 to vector<256x256xf32>
        %mul3A_116 = arith.mulf %mul3A_115, %min3A_113 : vector<256x256xf32>
        %sub3A_117 = arith.constant 1.000000e+00 : f32
        %sub3A_118 = vector.broadcast %sub3A_117 : f32 to vector<256x256xf32>
        %sub3A_119 = arith.subf %mul3A_116, %sub3A_118 : vector<256x256xf32>
        %abs3A = math.absf %min3A_89 : vector<256x256xf32>
        %abs3A_120 = math.absf %min3A_101 : vector<256x256xf32>
        %max3A_121 = arith.maximumf %abs3A, %abs3A_120 : vector<256x256xf32>
        %min3A_122 = arith.minimumf %abs3A, %abs3A_120 : vector<256x256xf32>
        %div3A = arith.divf %min3A_122, %max3A_121 : vector<256x256xf32>
        %mul3A_123 = arith.mulf %div3A, %div3A : vector<256x256xf32>
        %mul3A_124 = arith.constant -1.172120e-02 : f32
        %mul3A_125 = vector.broadcast %mul3A_124 : f32 to vector<256x256xf32>
        %mul3A_126 = arith.mulf %mul3A_123, %mul3A_125 : vector<256x256xf32>
        %add3A_127 = arith.constant 0.0526533201 : f32
        %add3A_128 = vector.broadcast %add3A_127 : f32 to vector<256x256xf32>
        %add3A_129 = arith.addf %add3A_128, %mul3A_126 : vector<256x256xf32>
        %mul3A_130 = arith.mulf %mul3A_123, %add3A_129 : vector<256x256xf32>
        %add3A_131 = arith.constant -0.116432868 : f32
        %add3A_132 = vector.broadcast %add3A_131 : f32 to vector<256x256xf32>
        %add3A_133 = arith.addf %add3A_132, %mul3A_130 : vector<256x256xf32>
        %mul3A_134 = arith.mulf %mul3A_123, %add3A_133 : vector<256x256xf32>
        %add3A_135 = arith.constant 0.193543464 : f32
        %add3A_136 = vector.broadcast %add3A_135 : f32 to vector<256x256xf32>
        %add3A_137 = arith.addf %add3A_136, %mul3A_134 : vector<256x256xf32>
        %mul3A_138 = arith.mulf %mul3A_123, %add3A_137 : vector<256x256xf32>
        %add3A_139 = arith.constant -0.332623482 : f32
        %add3A_140 = vector.broadcast %add3A_139 : f32 to vector<256x256xf32>
        %add3A_141 = arith.addf %add3A_140, %mul3A_138 : vector<256x256xf32>
        %mul3A_142 = arith.mulf %mul3A_123, %add3A_141 : vector<256x256xf32>
        %add3A_143 = arith.constant 0.999977231 : f32
        %add3A_144 = vector.broadcast %add3A_143 : f32 to vector<256x256xf32>
        %add3A_145 = arith.addf %add3A_144, %mul3A_142 : vector<256x256xf32>
        %mul3A_146 = arith.mulf %div3A, %add3A_145 : vector<256x256xf32>
        %gt3A = arith.cmpf ogt, %abs3A_120, %abs3A : vector<256x256xf32>
        %sub3A_147 = arith.constant 1.57079637 : f32
        %sub3A_148 = vector.broadcast %sub3A_147 : f32 to vector<256x256xf32>
        %sub3A_149 = arith.subf %sub3A_148, %mul3A_146 : vector<256x256xf32>
        %select_n3A = arith.select %gt3A, %sub3A_149, %mul3A_146 : vector<256x256xi1>, vector<256x256xf32>
        %lt3A = arith.constant 0.000000e+00 : f32
        %lt3A_150 = vector.broadcast %lt3A : f32 to vector<256x256xf32>
        %lt3A_151 = arith.cmpf olt, %min3A_89, %lt3A_150 : vector<256x256xf32>
        %sub3A_152 = arith.constant 3.14159274 : f32
        %sub3A_153 = vector.broadcast %sub3A_152 : f32 to vector<256x256xf32>
        %sub3A_154 = arith.subf %sub3A_153, %select_n3A : vector<256x256xf32>
        %select_n3A_155 = arith.select %lt3A_151, %sub3A_154, %select_n3A : vector<256x256xi1>, vector<256x256xf32>
        %eq3A = arith.constant 0.000000e+00 : f32
        %eq3A_156 = vector.broadcast %eq3A : f32 to vector<256x256xf32>
        %eq3A_157 = arith.cmpf oeq, %max3A_121, %eq3A_156 : vector<256x256xf32>
        %jit3A_158 = arith.constant 0.000000e+00 : f32
        %broadcast_in_dim3A_159 = vector.broadcast %jit3A_158 : f32 to vector<256x256xf32>
        %select_n3A_160 = arith.select %eq3A_157, %broadcast_in_dim3A_159, %select_n3A_155 : vector<256x256xi1>, vector<256x256xf32>
        %bitcast_convert_type3A = tpu.bitcast %min3A_101 : vector<256x256xf32> -> vector<256x256xi32>
        %lt3A_161 = arith.constant 0 : i32
        %lt3A_162 = vector.broadcast %lt3A_161 : i32 to vector<256x256xi32>
        %lt3A_163 = arith.cmpi slt, %bitcast_convert_type3A, %lt3A_162 : vector<256x256xi32>
        %neg3A = arith.constant 0.000000e+00 : f32
        %neg3A_164 = vector.broadcast %neg3A : f32 to vector<256x256xf32>
        %neg3A_165 = arith.subf %neg3A_164, %select_n3A_160 : vector<256x256xf32>
        %select_n3A_166 = arith.select %lt3A_163, %neg3A_165, %select_n3A_160 : vector<256x256xi1>, vector<256x256xf32>
        %mul3A_167 = arith.constant 0.318309873 : f32
        %mul3A_168 = vector.broadcast %mul3A_167 : f32 to vector<256x256xf32>
        %mul3A_169 = arith.mulf %select_n3A_166, %mul3A_168 : vector<256x256xf32>
        %convert_element_type3A_170 = arith.extui %and3A_79 : vector<256x256xi1> to vector<256x256xi32>
        %convert_element_type3A_171 = arith.sitofp %convert_element_type3A_170 : vector<256x256xi32> to vector<256x256xf32>
        %sub3A_172 = arith.constant -1.000000e+00 : f32
        %sub3A_173 = vector.broadcast %sub3A_172 : f32 to vector<256x256xf32>
        %sub3A_174 = arith.subf %mul3A_169, %sub3A_173 : vector<256x256xf32>
        %abs3A_175 = math.absf %sub3A_174 : vector<256x256xf32>
        %mul3A_176 = arith.constant 1.500000e+00 : f32
        %mul3A_177 = vector.broadcast %mul3A_176 : f32 to vector<256x256xf32>
        %mul3A_178 = arith.mulf %abs3A_175, %mul3A_177 : vector<256x256xf32>
        %sub3A_179 = arith.constant 1.000000e+00 : f32
        %sub3A_180 = vector.broadcast %sub3A_179 : f32 to vector<256x256xf32>
        %sub3A_181 = arith.subf %sub3A_180, %mul3A_178 : vector<256x256xf32>
        %max3A_182 = arith.constant 0.000000e+00 : f32
        %max3A_183 = vector.broadcast %max3A_182 : f32 to vector<256x256xf32>
        %max3A_184 = arith.maximumf %max3A_183, %sub3A_181 : vector<256x256xf32>
        %convert_element_type3A_185 = arith.truncf %max3A_184 : vector<256x256xf32> to vector<256x256xbf16>
        %sub3A_186 = arith.constant -0.333333343 : f32
        %sub3A_187 = vector.broadcast %sub3A_186 : f32 to vector<256x256xf32>
        %sub3A_188 = arith.subf %mul3A_169, %sub3A_187 : vector<256x256xf32>
        %abs3A_189 = math.absf %sub3A_188 : vector<256x256xf32>
        %mul3A_190 = arith.constant 1.500000e+00 : f32
        %mul3A_191 = vector.broadcast %mul3A_190 : f32 to vector<256x256xf32>
        %mul3A_192 = arith.mulf %abs3A_189, %mul3A_191 : vector<256x256xf32>
        %sub3A_193 = arith.constant 1.000000e+00 : f32
        %sub3A_194 = vector.broadcast %sub3A_193 : f32 to vector<256x256xf32>
        %sub3A_195 = arith.subf %sub3A_194, %mul3A_192 : vector<256x256xf32>
        %max3A_196 = arith.constant 0.000000e+00 : f32
        %max3A_197 = vector.broadcast %max3A_196 : f32 to vector<256x256xf32>
        %max3A_198 = arith.maximumf %max3A_197, %sub3A_195 : vector<256x256xf32>
        %convert_element_type3A_199 = arith.truncf %max3A_198 : vector<256x256xf32> to vector<256x256xbf16>
        %sub3A_200 = arith.constant 0.333333343 : f32
        %sub3A_201 = vector.broadcast %sub3A_200 : f32 to vector<256x256xf32>
        %sub3A_202 = arith.subf %mul3A_169, %sub3A_201 : vector<256x256xf32>
        %abs3A_203 = math.absf %sub3A_202 : vector<256x256xf32>
        %mul3A_204 = arith.constant 1.500000e+00 : f32
        %mul3A_205 = vector.broadcast %mul3A_204 : f32 to vector<256x256xf32>
        %mul3A_206 = arith.mulf %abs3A_203, %mul3A_205 : vector<256x256xf32>
        %sub3A_207 = arith.constant 1.000000e+00 : f32
        %sub3A_208 = vector.broadcast %sub3A_207 : f32 to vector<256x256xf32>
        %sub3A_209 = arith.subf %sub3A_208, %mul3A_206 : vector<256x256xf32>
        %max3A_210 = arith.constant 0.000000e+00 : f32
        %max3A_211 = vector.broadcast %max3A_210 : f32 to vector<256x256xf32>
        %max3A_212 = arith.maximumf %max3A_211, %sub3A_209 : vector<256x256xf32>
        %convert_element_type3A_213 = arith.truncf %max3A_212 : vector<256x256xf32> to vector<256x256xbf16>
        %sub3A_214 = arith.constant 1.000000e+00 : f32
        %sub3A_215 = vector.broadcast %sub3A_214 : f32 to vector<256x256xf32>
        %sub3A_216 = arith.subf %mul3A_169, %sub3A_215 : vector<256x256xf32>
        %abs3A_217 = math.absf %sub3A_216 : vector<256x256xf32>
        %mul3A_218 = arith.constant 1.500000e+00 : f32
        %mul3A_219 = vector.broadcast %mul3A_218 : f32 to vector<256x256xf32>
        %mul3A_220 = arith.mulf %abs3A_217, %mul3A_219 : vector<256x256xf32>
        %sub3A_221 = arith.constant 1.000000e+00 : f32
        %sub3A_222 = vector.broadcast %sub3A_221 : f32 to vector<256x256xf32>
        %sub3A_223 = arith.subf %sub3A_222, %mul3A_220 : vector<256x256xf32>
        %max3A_224 = arith.constant 0.000000e+00 : f32
        %max3A_225 = vector.broadcast %max3A_224 : f32 to vector<256x256xf32>
        %max3A_226 = arith.maximumf %max3A_225, %sub3A_223 : vector<256x256xf32>
        %convert_element_type3A_227 = arith.truncf %max3A_226 : vector<256x256xf32> to vector<256x256xbf16>
        %sub3A_228 = arith.constant -1.000000e+00 : f32
        %sub3A_229 = vector.broadcast %sub3A_228 : f32 to vector<256x256xf32>
        %sub3A_230 = arith.subf %sub3A_119, %sub3A_229 : vector<256x256xf32>
        %abs3A_231 = math.absf %sub3A_230 : vector<256x256xf32>
        %mul3A_232 = arith.constant 1.500000e+00 : f32
        %mul3A_233 = vector.broadcast %mul3A_232 : f32 to vector<256x256xf32>
        %mul3A_234 = arith.mulf %abs3A_231, %mul3A_233 : vector<256x256xf32>
        %sub3A_235 = arith.constant 1.000000e+00 : f32
        %sub3A_236 = vector.broadcast %sub3A_235 : f32 to vector<256x256xf32>
        %sub3A_237 = arith.subf %sub3A_236, %mul3A_234 : vector<256x256xf32>
        %max3A_238 = arith.constant 0.000000e+00 : f32
        %max3A_239 = vector.broadcast %max3A_238 : f32 to vector<256x256xf32>
        %max3A_240 = arith.maximumf %max3A_239, %sub3A_237 : vector<256x256xf32>
        %mul3A_241 = arith.mulf %max3A_240, %convert_element_type3A_171 : vector<256x256xf32>
        %convert_element_type3A_242 = arith.truncf %mul3A_241 : vector<256x256xf32> to vector<256x256xbf16>
        %mul3A_243 = arith.mulf %convert_element_type3A_242, %convert_element_type3A_185 : vector<256x256xbf16>
        %get3A_244 = arith.index_cast %scan3A_23 : i32 to index
        %get3A_245 = arith.constant 0 : index
        %get3A_246 = arith.constant 0 : index
        %get3A_247 = arith.constant 0 : index
        %get3A_248 = vector.load %arg3[%get3A_244, %get3A_245, %get3A_246, %get3A_247] : memref<16x16x32x256xbf16, #tpu.memory_space<vmem>>, vector<1x1x32x256xbf16>
        %get3A_249 = vector.shape_cast %get3A_248 : vector<1x1x32x256xbf16> to vector<32x256xbf16>
        %dot_general3A = arith.constant dense<0.000000e+00> : vector<32x256xf32>
        %dot_general3A_250 = tpu.matmul %get3A_249, %mul3A_243, %dot_general3A {dimension_numbers = #tpu.dot_dimension_numbers<[1], [0], [0], [1], [0, 0, 1, 1], [], []>, transpose_lhs_hint = false} : vector<32x256xbf16>, vector<256x256xbf16>, vector<32x256xf32> -> vector<32x256xf32>
        %add3A_251 = arith.addf %scan3A_24, %dot_general3A_250 : vector<32x256xf32>
        %mul3A_252 = arith.mulf %convert_element_type3A_242, %convert_element_type3A_199 : vector<256x256xbf16>
        %get3A_253 = arith.index_cast %scan3A_23 : i32 to index
        %get3A_254 = arith.constant 1 : index
        %get3A_255 = arith.constant 0 : index
        %get3A_256 = arith.constant 0 : index
        %get3A_257 = vector.load %arg3[%get3A_253, %get3A_254, %get3A_255, %get3A_256] : memref<16x16x32x256xbf16, #tpu.memory_space<vmem>>, vector<1x1x32x256xbf16>
        %get3A_258 = vector.shape_cast %get3A_257 : vector<1x1x32x256xbf16> to vector<32x256xbf16>
        %dot_general3A_259 = arith.constant dense<0.000000e+00> : vector<32x256xf32>
        %dot_general3A_260 = tpu.matmul %get3A_258, %mul3A_252, %dot_general3A_259 {dimension_numbers = #tpu.dot_dimension_numbers<[1], [0], [0], [1], [0, 0, 1, 1], [], []>, transpose_lhs_hint = false} : vector<32x256xbf16>, vector<256x256xbf16>, vector<32x256xf32> -> vector<32x256xf32>
        %add3A_261 = arith.addf %add3A_251, %dot_general3A_260 : vector<32x256xf32>
        %mul3A_262 = arith.mulf %convert_element_type3A_242, %convert_element_type3A_213 : vector<256x256xbf16>
        %get3A_263 = arith.index_cast %scan3A_23 : i32 to index
        %get3A_264 = arith.constant 2 : index
        %get3A_265 = arith.constant 0 : index
        %get3A_266 = arith.constant 0 : index
        %get3A_267 = vector.load %arg3[%get3A_263, %get3A_264, %get3A_265, %get3A_266] : memref<16x16x32x256xbf16, #tpu.memory_space<vmem>>, vector<1x1x32x256xbf16>
        %get3A_268 = vector.shape_cast %get3A_267 : vector<1x1x32x256xbf16> to vector<32x256xbf16>
        %dot_general3A_269 = arith.constant dense<0.000000e+00> : vector<32x256xf32>
        %dot_general3A_270 = tpu.matmul %get3A_268, %mul3A_262, %dot_general3A_269 {dimension_numbers = #tpu.dot_dimension_numbers<[1], [0], [0], [1], [0, 0, 1, 1], [], []>, transpose_lhs_hint = false} : vector<32x256xbf16>, vector<256x256xbf16>, vector<32x256xf32> -> vector<32x256xf32>
        %add3A_271 = arith.addf %add3A_261, %dot_general3A_270 : vector<32x256xf32>
        %mul3A_272 = arith.mulf %convert_element_type3A_242, %convert_element_type3A_227 : vector<256x256xbf16>
        %get3A_273 = arith.index_cast %scan3A_23 : i32 to index
        %get3A_274 = arith.constant 3 : index
        %get3A_275 = arith.constant 0 : index
        %get3A_276 = arith.constant 0 : index
        %get3A_277 = vector.load %arg3[%get3A_273, %get3A_274, %get3A_275, %get3A_276] : memref<16x16x32x256xbf16, #tpu.memory_space<vmem>>, vector<1x1x32x256xbf16>
        %get3A_278 = vector.shape_cast %get3A_277 : vector<1x1x32x256xbf16> to vector<32x256xbf16>
        %dot_general3A_279 = arith.constant dense<0.000000e+00> : vector<32x256xf32>
        %dot_general3A_280 = tpu.matmul %get3A_278, %mul3A_272, %dot_general3A_279 {dimension_numbers = #tpu.dot_dimension_numbers<[1], [0], [0], [1], [0, 0, 1, 1], [], []>, transpose_lhs_hint = false} : vector<32x256xbf16>, vector<256x256xbf16>, vector<32x256xf32> -> vector<32x256xf32>
        %add3A_281 = arith.addf %add3A_271, %dot_general3A_280 : vector<32x256xf32>
        %sub3A_282 = arith.constant -0.333333343 : f32
        %sub3A_283 = vector.broadcast %sub3A_282 : f32 to vector<256x256xf32>
        %sub3A_284 = arith.subf %sub3A_119, %sub3A_283 : vector<256x256xf32>
        %abs3A_285 = math.absf %sub3A_284 : vector<256x256xf32>
        %mul3A_286 = arith.constant 1.500000e+00 : f32
        %mul3A_287 = vector.broadcast %mul3A_286 : f32 to vector<256x256xf32>
        %mul3A_288 = arith.mulf %abs3A_285, %mul3A_287 : vector<256x256xf32>
        %sub3A_289 = arith.constant 1.000000e+00 : f32
        %sub3A_290 = vector.broadcast %sub3A_289 : f32 to vector<256x256xf32>
        %sub3A_291 = arith.subf %sub3A_290, %mul3A_288 : vector<256x256xf32>
        %max3A_292 = arith.constant 0.000000e+00 : f32
        %max3A_293 = vector.broadcast %max3A_292 : f32 to vector<256x256xf32>
        %max3A_294 = arith.maximumf %max3A_293, %sub3A_291 : vector<256x256xf32>
        %mul3A_295 = arith.mulf %max3A_294, %convert_element_type3A_171 : vector<256x256xf32>
        %convert_element_type3A_296 = arith.truncf %mul3A_295 : vector<256x256xf32> to vector<256x256xbf16>
        %mul3A_297 = arith.mulf %convert_element_type3A_296, %convert_element_type3A_185 : vector<256x256xbf16>
        %get3A_298 = arith.index_cast %scan3A_23 : i32 to index
        %get3A_299 = arith.constant 4 : index
        %get3A_300 = arith.constant 0 : index
        %get3A_301 = arith.constant 0 : index
        %get3A_302 = vector.load %arg3[%get3A_298, %get3A_299, %get3A_300, %get3A_301] : memref<16x16x32x256xbf16, #tpu.memory_space<vmem>>, vector<1x1x32x256xbf16>
        %get3A_303 = vector.shape_cast %get3A_302 : vector<1x1x32x256xbf16> to vector<32x256xbf16>
        %dot_general3A_304 = arith.constant dense<0.000000e+00> : vector<32x256xf32>
        %dot_general3A_305 = tpu.matmul %get3A_303, %mul3A_297, %dot_general3A_304 {dimension_numbers = #tpu.dot_dimension_numbers<[1], [0], [0], [1], [0, 0, 1, 1], [], []>, transpose_lhs_hint = false} : vector<32x256xbf16>, vector<256x256xbf16>, vector<32x256xf32> -> vector<32x256xf32>
        %add3A_306 = arith.addf %add3A_281, %dot_general3A_305 : vector<32x256xf32>
        %mul3A_307 = arith.mulf %convert_element_type3A_296, %convert_element_type3A_199 : vector<256x256xbf16>
        %get3A_308 = arith.index_cast %scan3A_23 : i32 to index
        %get3A_309 = arith.constant 5 : index
        %get3A_310 = arith.constant 0 : index
        %get3A_311 = arith.constant 0 : index
        %get3A_312 = vector.load %arg3[%get3A_308, %get3A_309, %get3A_310, %get3A_311] : memref<16x16x32x256xbf16, #tpu.memory_space<vmem>>, vector<1x1x32x256xbf16>
        %get3A_313 = vector.shape_cast %get3A_312 : vector<1x1x32x256xbf16> to vector<32x256xbf16>
        %dot_general3A_314 = arith.constant dense<0.000000e+00> : vector<32x256xf32>
        %dot_general3A_315 = tpu.matmul %get3A_313, %mul3A_307, %dot_general3A_314 {dimension_numbers = #tpu.dot_dimension_numbers<[1], [0], [0], [1], [0, 0, 1, 1], [], []>, transpose_lhs_hint = false} : vector<32x256xbf16>, vector<256x256xbf16>, vector<32x256xf32> -> vector<32x256xf32>
        %add3A_316 = arith.addf %add3A_306, %dot_general3A_315 : vector<32x256xf32>
        %mul3A_317 = arith.mulf %convert_element_type3A_296, %convert_element_type3A_213 : vector<256x256xbf16>
        %get3A_318 = arith.index_cast %scan3A_23 : i32 to index
        %get3A_319 = arith.constant 6 : index
        %get3A_320 = arith.constant 0 : index
        %get3A_321 = arith.constant 0 : index
        %get3A_322 = vector.load %arg3[%get3A_318, %get3A_319, %get3A_320, %get3A_321] : memref<16x16x32x256xbf16, #tpu.memory_space<vmem>>, vector<1x1x32x256xbf16>
        %get3A_323 = vector.shape_cast %get3A_322 : vector<1x1x32x256xbf16> to vector<32x256xbf16>
        %dot_general3A_324 = arith.constant dense<0.000000e+00> : vector<32x256xf32>
        %dot_general3A_325 = tpu.matmul %get3A_323, %mul3A_317, %dot_general3A_324 {dimension_numbers = #tpu.dot_dimension_numbers<[1], [0], [0], [1], [0, 0, 1, 1], [], []>, transpose_lhs_hint = false} : vector<32x256xbf16>, vector<256x256xbf16>, vector<32x256xf32> -> vector<32x256xf32>
        %add3A_326 = arith.addf %add3A_316, %dot_general3A_325 : vector<32x256xf32>
        %mul3A_327 = arith.mulf %convert_element_type3A_296, %convert_element_type3A_227 : vector<256x256xbf16>
        %get3A_328 = arith.index_cast %scan3A_23 : i32 to index
        %get3A_329 = arith.constant 7 : index
        %get3A_330 = arith.constant 0 : index
        %get3A_331 = arith.constant 0 : index
        %get3A_332 = vector.load %arg3[%get3A_328, %get3A_329, %get3A_330, %get3A_331] : memref<16x16x32x256xbf16, #tpu.memory_space<vmem>>, vector<1x1x32x256xbf16>
        %get3A_333 = vector.shape_cast %get3A_332 : vector<1x1x32x256xbf16> to vector<32x256xbf16>
        %dot_general3A_334 = arith.constant dense<0.000000e+00> : vector<32x256xf32>
        %dot_general3A_335 = tpu.matmul %get3A_333, %mul3A_327, %dot_general3A_334 {dimension_numbers = #tpu.dot_dimension_numbers<[1], [0], [0], [1], [0, 0, 1, 1], [], []>, transpose_lhs_hint = false} : vector<32x256xbf16>, vector<256x256xbf16>, vector<32x256xf32> -> vector<32x256xf32>
        %add3A_336 = arith.addf %add3A_326, %dot_general3A_335 : vector<32x256xf32>
        %sub3A_337 = arith.constant 0.333333343 : f32
        %sub3A_338 = vector.broadcast %sub3A_337 : f32 to vector<256x256xf32>
        %sub3A_339 = arith.subf %sub3A_119, %sub3A_338 : vector<256x256xf32>
        %abs3A_340 = math.absf %sub3A_339 : vector<256x256xf32>
        %mul3A_341 = arith.constant 1.500000e+00 : f32
        %mul3A_342 = vector.broadcast %mul3A_341 : f32 to vector<256x256xf32>
        %mul3A_343 = arith.mulf %abs3A_340, %mul3A_342 : vector<256x256xf32>
        %sub3A_344 = arith.constant 1.000000e+00 : f32
        %sub3A_345 = vector.broadcast %sub3A_344 : f32 to vector<256x256xf32>
        %sub3A_346 = arith.subf %sub3A_345, %mul3A_343 : vector<256x256xf32>
        %max3A_347 = arith.constant 0.000000e+00 : f32
        %max3A_348 = vector.broadcast %max3A_347 : f32 to vector<256x256xf32>
        %max3A_349 = arith.maximumf %max3A_348, %sub3A_346 : vector<256x256xf32>
        %mul3A_350 = arith.mulf %max3A_349, %convert_element_type3A_171 : vector<256x256xf32>
        %convert_element_type3A_351 = arith.truncf %mul3A_350 : vector<256x256xf32> to vector<256x256xbf16>
        %mul3A_352 = arith.mulf %convert_element_type3A_351, %convert_element_type3A_185 : vector<256x256xbf16>
        %get3A_353 = arith.index_cast %scan3A_23 : i32 to index
        %get3A_354 = arith.constant 8 : index
        %get3A_355 = arith.constant 0 : index
        %get3A_356 = arith.constant 0 : index
        %get3A_357 = vector.load %arg3[%get3A_353, %get3A_354, %get3A_355, %get3A_356] : memref<16x16x32x256xbf16, #tpu.memory_space<vmem>>, vector<1x1x32x256xbf16>
        %get3A_358 = vector.shape_cast %get3A_357 : vector<1x1x32x256xbf16> to vector<32x256xbf16>
        %dot_general3A_359 = arith.constant dense<0.000000e+00> : vector<32x256xf32>
        %dot_general3A_360 = tpu.matmul %get3A_358, %mul3A_352, %dot_general3A_359 {dimension_numbers = #tpu.dot_dimension_numbers<[1], [0], [0], [1], [0, 0, 1, 1], [], []>, transpose_lhs_hint = false} : vector<32x256xbf16>, vector<256x256xbf16>, vector<32x256xf32> -> vector<32x256xf32>
        %add3A_361 = arith.addf %add3A_336, %dot_general3A_360 : vector<32x256xf32>
        %mul3A_362 = arith.mulf %convert_element_type3A_351, %convert_element_type3A_199 : vector<256x256xbf16>
        %get3A_363 = arith.index_cast %scan3A_23 : i32 to index
        %get3A_364 = arith.constant 9 : index
        %get3A_365 = arith.constant 0 : index
        %get3A_366 = arith.constant 0 : index
        %get3A_367 = vector.load %arg3[%get3A_363, %get3A_364, %get3A_365, %get3A_366] : memref<16x16x32x256xbf16, #tpu.memory_space<vmem>>, vector<1x1x32x256xbf16>
        %get3A_368 = vector.shape_cast %get3A_367 : vector<1x1x32x256xbf16> to vector<32x256xbf16>
        %dot_general3A_369 = arith.constant dense<0.000000e+00> : vector<32x256xf32>
        %dot_general3A_370 = tpu.matmul %get3A_368, %mul3A_362, %dot_general3A_369 {dimension_numbers = #tpu.dot_dimension_numbers<[1], [0], [0], [1], [0, 0, 1, 1], [], []>, transpose_lhs_hint = false} : vector<32x256xbf16>, vector<256x256xbf16>, vector<32x256xf32> -> vector<32x256xf32>
        %add3A_371 = arith.addf %add3A_361, %dot_general3A_370 : vector<32x256xf32>
        %mul3A_372 = arith.mulf %convert_element_type3A_351, %convert_element_type3A_213 : vector<256x256xbf16>
        %get3A_373 = arith.index_cast %scan3A_23 : i32 to index
        %get3A_374 = arith.constant 10 : index
        %get3A_375 = arith.constant 0 : index
        %get3A_376 = arith.constant 0 : index
        %get3A_377 = vector.load %arg3[%get3A_373, %get3A_374, %get3A_375, %get3A_376] : memref<16x16x32x256xbf16, #tpu.memory_space<vmem>>, vector<1x1x32x256xbf16>
        %get3A_378 = vector.shape_cast %get3A_377 : vector<1x1x32x256xbf16> to vector<32x256xbf16>
        %dot_general3A_379 = arith.constant dense<0.000000e+00> : vector<32x256xf32>
        %dot_general3A_380 = tpu.matmul %get3A_378, %mul3A_372, %dot_general3A_379 {dimension_numbers = #tpu.dot_dimension_numbers<[1], [0], [0], [1], [0, 0, 1, 1], [], []>, transpose_lhs_hint = false} : vector<32x256xbf16>, vector<256x256xbf16>, vector<32x256xf32> -> vector<32x256xf32>
        %add3A_381 = arith.addf %add3A_371, %dot_general3A_380 : vector<32x256xf32>
        %mul3A_382 = arith.mulf %convert_element_type3A_351, %convert_element_type3A_227 : vector<256x256xbf16>
        %get3A_383 = arith.index_cast %scan3A_23 : i32 to index
        %get3A_384 = arith.constant 11 : index
        %get3A_385 = arith.constant 0 : index
        %get3A_386 = arith.constant 0 : index
        %get3A_387 = vector.load %arg3[%get3A_383, %get3A_384, %get3A_385, %get3A_386] : memref<16x16x32x256xbf16, #tpu.memory_space<vmem>>, vector<1x1x32x256xbf16>
        %get3A_388 = vector.shape_cast %get3A_387 : vector<1x1x32x256xbf16> to vector<32x256xbf16>
        %dot_general3A_389 = arith.constant dense<0.000000e+00> : vector<32x256xf32>
        %dot_general3A_390 = tpu.matmul %get3A_388, %mul3A_382, %dot_general3A_389 {dimension_numbers = #tpu.dot_dimension_numbers<[1], [0], [0], [1], [0, 0, 1, 1], [], []>, transpose_lhs_hint = false} : vector<32x256xbf16>, vector<256x256xbf16>, vector<32x256xf32> -> vector<32x256xf32>
        %add3A_391 = arith.addf %add3A_381, %dot_general3A_390 : vector<32x256xf32>
        %sub3A_392 = arith.constant 1.000000e+00 : f32
        %sub3A_393 = vector.broadcast %sub3A_392 : f32 to vector<256x256xf32>
        %sub3A_394 = arith.subf %sub3A_119, %sub3A_393 : vector<256x256xf32>
        %abs3A_395 = math.absf %sub3A_394 : vector<256x256xf32>
        %mul3A_396 = arith.constant 1.500000e+00 : f32
        %mul3A_397 = vector.broadcast %mul3A_396 : f32 to vector<256x256xf32>
        %mul3A_398 = arith.mulf %abs3A_395, %mul3A_397 : vector<256x256xf32>
        %sub3A_399 = arith.constant 1.000000e+00 : f32
        %sub3A_400 = vector.broadcast %sub3A_399 : f32 to vector<256x256xf32>
        %sub3A_401 = arith.subf %sub3A_400, %mul3A_398 : vector<256x256xf32>
        %max3A_402 = arith.constant 0.000000e+00 : f32
        %max3A_403 = vector.broadcast %max3A_402 : f32 to vector<256x256xf32>
        %max3A_404 = arith.maximumf %max3A_403, %sub3A_401 : vector<256x256xf32>
        %mul3A_405 = arith.mulf %max3A_404, %convert_element_type3A_171 : vector<256x256xf32>
        %convert_element_type3A_406 = arith.truncf %mul3A_405 : vector<256x256xf32> to vector<256x256xbf16>
        %mul3A_407 = arith.mulf %convert_element_type3A_406, %convert_element_type3A_185 : vector<256x256xbf16>
        %get3A_408 = arith.index_cast %scan3A_23 : i32 to index
        %get3A_409 = arith.constant 12 : index
        %get3A_410 = arith.constant 0 : index
        %get3A_411 = arith.constant 0 : index
        %get3A_412 = vector.load %arg3[%get3A_408, %get3A_409, %get3A_410, %get3A_411] : memref<16x16x32x256xbf16, #tpu.memory_space<vmem>>, vector<1x1x32x256xbf16>
        %get3A_413 = vector.shape_cast %get3A_412 : vector<1x1x32x256xbf16> to vector<32x256xbf16>
        %dot_general3A_414 = arith.constant dense<0.000000e+00> : vector<32x256xf32>
        %dot_general3A_415 = tpu.matmul %get3A_413, %mul3A_407, %dot_general3A_414 {dimension_numbers = #tpu.dot_dimension_numbers<[1], [0], [0], [1], [0, 0, 1, 1], [], []>, transpose_lhs_hint = false} : vector<32x256xbf16>, vector<256x256xbf16>, vector<32x256xf32> -> vector<32x256xf32>
        %add3A_416 = arith.addf %add3A_391, %dot_general3A_415 : vector<32x256xf32>
        %mul3A_417 = arith.mulf %convert_element_type3A_406, %convert_element_type3A_199 : vector<256x256xbf16>
        %get3A_418 = arith.index_cast %scan3A_23 : i32 to index
        %get3A_419 = arith.constant 13 : index
        %get3A_420 = arith.constant 0 : index
        %get3A_421 = arith.constant 0 : index
        %get3A_422 = vector.load %arg3[%get3A_418, %get3A_419, %get3A_420, %get3A_421] : memref<16x16x32x256xbf16, #tpu.memory_space<vmem>>, vector<1x1x32x256xbf16>
        %get3A_423 = vector.shape_cast %get3A_422 : vector<1x1x32x256xbf16> to vector<32x256xbf16>
        %dot_general3A_424 = arith.constant dense<0.000000e+00> : vector<32x256xf32>
        %dot_general3A_425 = tpu.matmul %get3A_423, %mul3A_417, %dot_general3A_424 {dimension_numbers = #tpu.dot_dimension_numbers<[1], [0], [0], [1], [0, 0, 1, 1], [], []>, transpose_lhs_hint = false} : vector<32x256xbf16>, vector<256x256xbf16>, vector<32x256xf32> -> vector<32x256xf32>
        %add3A_426 = arith.addf %add3A_416, %dot_general3A_425 : vector<32x256xf32>
        %mul3A_427 = arith.mulf %convert_element_type3A_406, %convert_element_type3A_213 : vector<256x256xbf16>
        %get3A_428 = arith.index_cast %scan3A_23 : i32 to index
        %get3A_429 = arith.constant 14 : index
        %get3A_430 = arith.constant 0 : index
        %get3A_431 = arith.constant 0 : index
        %get3A_432 = vector.load %arg3[%get3A_428, %get3A_429, %get3A_430, %get3A_431] : memref<16x16x32x256xbf16, #tpu.memory_space<vmem>>, vector<1x1x32x256xbf16>
        %get3A_433 = vector.shape_cast %get3A_432 : vector<1x1x32x256xbf16> to vector<32x256xbf16>
        %dot_general3A_434 = arith.constant dense<0.000000e+00> : vector<32x256xf32>
        %dot_general3A_435 = tpu.matmul %get3A_433, %mul3A_427, %dot_general3A_434 {dimension_numbers = #tpu.dot_dimension_numbers<[1], [0], [0], [1], [0, 0, 1, 1], [], []>, transpose_lhs_hint = false} : vector<32x256xbf16>, vector<256x256xbf16>, vector<32x256xf32> -> vector<32x256xf32>
        %add3A_436 = arith.addf %add3A_426, %dot_general3A_435 : vector<32x256xf32>
        %mul3A_437 = arith.mulf %convert_element_type3A_406, %convert_element_type3A_227 : vector<256x256xbf16>
        %get3A_438 = arith.index_cast %scan3A_23 : i32 to index
        %get3A_439 = arith.constant 15 : index
        %get3A_440 = arith.constant 0 : index
        %get3A_441 = arith.constant 0 : index
        %get3A_442 = vector.load %arg3[%get3A_438, %get3A_439, %get3A_440, %get3A_441] : memref<16x16x32x256xbf16, #tpu.memory_space<vmem>>, vector<1x1x32x256xbf16>
        %get3A_443 = vector.shape_cast %get3A_442 : vector<1x1x32x256xbf16> to vector<32x256xbf16>
        %dot_general3A_444 = arith.constant dense<0.000000e+00> : vector<32x256xf32>
        %dot_general3A_445 = tpu.matmul %get3A_443, %mul3A_437, %dot_general3A_444 {dimension_numbers = #tpu.dot_dimension_numbers<[1], [0], [0], [1], [0, 0, 1, 1], [], []>, transpose_lhs_hint = false} : vector<32x256xbf16>, vector<256x256xbf16>, vector<32x256xf32> -> vector<32x256xf32>
        %add3A_446 = arith.addf %add3A_436, %dot_general3A_445 : vector<32x256xf32>
        scf.yield %add3A_446 : vector<32x256xf32>
      } else {
        scf.yield %scan3A_24 : vector<32x256xf32>
      }
      scf.yield %cond3A_50 : vector<32x256xf32>
    }
    %scan3A_15 = arith.constant 16 : i32
    %get3A_16 = arith.constant 0 : index
    %get3A_17 = arith.constant 0 : index
    %get3A_18 = vector.load %arg4[%get3A_16, %get3A_17] : memref<32x256xf32, #tpu.memory_space<vmem>>, vector<32x256xf32>
    %add3A = arith.addf %scan3A_14, %get3A_18 : vector<32x256xf32>
    %max3A = arith.constant 0.000000e+00 : f32
    %max3A_19 = vector.broadcast %max3A : f32 to vector<32x256xf32>
    %max3A_20 = arith.maximumf %add3A, %max3A_19 : vector<32x256xf32>
    %swap3A = arith.constant 0 : index
    %swap3A_21 = arith.constant 0 : index
    %swap3A_22 = vector.load %arg5[%swap3A, %swap3A_21] : memref<32x256xf32, #tpu.memory_space<vmem>>, vector<32x256xf32>
    tpu.vector_store %arg5[%swap3A, %swap3A_21], %max3A_20 {strides = array<i32>} : memref<32x256xf32, #tpu.memory_space<vmem>>, vector<32x256xf32>,
    return
  }
  func.func @transform_0(%arg0: i32) -> (i32, i32) {
    %c0_i32 = arith.constant 0 : i32
    %c0_i32_0 = arith.constant 0 : i32
    return %c0_i32, %arg0 : i32, i32
  }
  func.func @transform_1(%arg0: i32) -> (i32, i32, i32) {
    %c0_i32 = arith.constant 0 : i32
    %c0_i32_0 = arith.constant 0 : i32
    %c0_i32_1 = arith.constant 0 : i32
    %c0_i32_2 = arith.constant 0 : i32
    return %c0_i32, %c0_i32_0, %c0_i32_1 : i32, i32, i32
  }
  func.func @transform_2(%arg0: i32) -> (i32, i32, i32, i32) {
    %c0_i32 = arith.constant 0 : i32
    %c0_i32_0 = arith.constant 0 : i32
    %c0_i32_1 = arith.constant 0 : i32
    %c0_i32_2 = arith.constant 0 : i32
    %c0_i32_3 = arith.constant 0 : i32
    return %c0_i32, %c0_i32_0, %c0_i32_1, %c0_i32_2 : i32, i32, i32, i32
  }
  func.func @transform_3(%arg0: i32) -> (i32, i32) {
    %c0_i32 = arith.constant 0 : i32
    %c0_i32_0 = arith.constant 0 : i32
    return %c0_i32, %arg0 : i32, i32
  }
  func.func @transform_4(%arg0: i32) -> (i32, i32) {
    %c0_i32 = arith.constant 0 : i32
    %c0_i32_0 = arith.constant 0 : i32
    return %c0_i32, %arg0 : i32, i32
  }
}

module attributes {stable_mosaic.version = 14 : i64} {
  func.func @_mm_body(%arg0: memref<8x32xf32, #tpu.memory_space<vmem>>, %arg1: memref<32x4096xf32, #tpu.memory_space<vmem>>, %arg2: memref<8x4096xf32, #tpu.memory_space<vmem>>) attributes {dimension_semantics = [], scalar_prefetch = 0 : i64, scratch_operands = 0 : i64, tpu.core_type = #tpu.core_type<tc>} {
    %get3A = arith.constant 0 : index
    %get3A_0 = arith.constant 0 : index
    %get3A_1 = vector.load %arg0[%get3A, %get3A_0] : memref<8x32xf32, #tpu.memory_space<vmem>>, vector<8x32xf32>
    %get3A_2 = arith.constant 0 : index
    %get3A_3 = arith.constant 0 : index
    %get3A_4 = vector.load %arg1[%get3A_2, %get3A_3] : memref<32x4096xf32, #tpu.memory_space<vmem>>, vector<32x4096xf32>
    %dot_general3A = arith.constant dense<0.000000e+00> : vector<8x4096xf32>
    %dot_general3A_5 = tpu.matmul %get3A_1, %get3A_4, %dot_general3A {dimension_numbers = #tpu.dot_dimension_numbers<[1], [0], [0], [1], [0, 0, 1, 1], [], []>, transpose_lhs_hint = false} : vector<8x32xf32>, vector<32x4096xf32>, vector<8x4096xf32> -> vector<8x4096xf32>
    %swap3A = arith.constant 0 : index
    %swap3A_6 = arith.constant 0 : index
    %swap3A_7 = vector.load %arg2[%swap3A, %swap3A_6] : memref<8x4096xf32, #tpu.memory_space<vmem>>, vector<8x4096xf32>
    tpu.vector_store %arg2[%swap3A, %swap3A_6], %dot_general3A_5 {strides = array<i32>} : memref<8x4096xf32, #tpu.memory_space<vmem>>, vector<8x4096xf32>,
    return
  }
}

module attributes {stable_mosaic.version = 14 : i64} {
  func.func @_mm_body(%arg0: memref<128x32xf32, #tpu.memory_space<vmem>>, %arg1: memref<32x4096xf32, #tpu.memory_space<vmem>>, %arg2: memref<128x4096xf32, #tpu.memory_space<vmem>>) attributes {dimension_semantics = [], scalar_prefetch = 0 : i64, scratch_operands = 0 : i64, tpu.core_type = #tpu.core_type<tc>} {
    %get3A = arith.constant 0 : index
    %get3A_0 = arith.constant 0 : index
    %get3A_1 = vector.load %arg0[%get3A, %get3A_0] : memref<128x32xf32, #tpu.memory_space<vmem>>, vector<128x32xf32>
    %get3A_2 = arith.constant 0 : index
    %get3A_3 = arith.constant 0 : index
    %get3A_4 = vector.load %arg1[%get3A_2, %get3A_3] : memref<32x4096xf32, #tpu.memory_space<vmem>>, vector<32x4096xf32>
    %dot_general3A = arith.constant dense<0.000000e+00> : vector<128x4096xf32>
    %dot_general3A_5 = tpu.matmul %get3A_1, %get3A_4, %dot_general3A {dimension_numbers = #tpu.dot_dimension_numbers<[1], [0], [0], [1], [0, 0, 1, 1], [], []>, transpose_lhs_hint = false} : vector<128x32xf32>, vector<32x4096xf32>, vector<128x4096xf32> -> vector<128x4096xf32>
    %swap3A = arith.constant 0 : index
    %swap3A_6 = arith.constant 0 : index
    %swap3A_7 = vector.load %arg2[%swap3A, %swap3A_6] : memref<128x4096xf32, #tpu.memory_space<vmem>>, vector<128x4096xf32>
    tpu.vector_store %arg2[%swap3A, %swap3A_6], %dot_general3A_5 {strides = array<i32>} : memref<128x4096xf32, #tpu.memory_space<vmem>>, vector<128x4096xf32>,
    return
  }
}

module attributes {stable_mosaic.version = 14 : i64} {
  func.func @_conv_body(%arg0: i32, %arg1: memref<2x256xf32, #tpu.memory_space<vmem>>, %arg2: memref<16x256x2xf32, #tpu.memory_space<vmem>>, %arg3: memref<16x16x8x256xbf16, #tpu.memory_space<vmem>>, %arg4: memref<8x256xf32, #tpu.memory_space<vmem>>, %arg5: memref<8x256xf32, #tpu.memory_space<vmem>>) attributes {dimension_semantics = [#tpu.dimension_semantics<parallel>], iteration_bounds = array<i64: 16>, scalar_prefetch = 0 : i64, scratch_operands = 0 : i64, tpu.core_type = #tpu.core_type<tc>, window_params = [{transform_indices = @transform_0, window_bounds = array<i64: 2, 256>}, {pipeline_mode = #tpu.pipeline_mode<synchronous>, transform_indices = @transform_1, window_bounds = array<i64: 16, 256, 2>}, {pipeline_mode = #tpu.pipeline_mode<synchronous>, transform_indices = @transform_2, window_bounds = array<i64: 16, 16, 8, 256>}, {transform_indices = @transform_3, window_bounds = array<i64: 8, 256>}, {transform_indices = @transform_4, window_bounds = array<i64: 8, 256>}]} {
    %get3A = arith.constant 0 : index
    %get3A_0 = arith.constant 0 : index
    %get3A_1 = vector.load %arg1[%get3A, %get3A_0] : memref<2x256xf32, #tpu.memory_space<vmem>>, vector<2x256xf32>
    %slice3A = vector.extract_strided_slice %get3A_1 {offsets = [1, 0], sizes = [1, 256], strides = [1, 1]} : vector<2x256xf32> to vector<1x256xf32>
    %reduce_min3A = vector.shape_cast %slice3A : vector<1x256xf32> to vector<1x1x256xf32>
    %reduce_min3A_2 = arith.constant dense<0x7F800000> : vector<1xf32>
    %reduce_min3A_3 = vector.multi_reduction <minimumf>, %reduce_min3A, %reduce_min3A_2 [1, 2] : vector<1x1x256xf32> to vector<1xf32>
    %reduce_min3A_4 = vector.shape_cast %reduce_min3A_3 : vector<1xf32> to vector<1x1x1xf32>
    %reduce_min3A_5 = vector.extract %reduce_min3A_4[0, 0, 0] : f32 from vector<1x1x1xf32>
    %reduce_max3A = vector.shape_cast %slice3A : vector<1x256xf32> to vector<1x1x256xf32>
    %reduce_max3A_6 = arith.constant dense<0xFF800000> : vector<1xf32>
    %reduce_max3A_7 = vector.multi_reduction <maximumf>, %reduce_max3A, %reduce_max3A_6 [1, 2] : vector<1x1x256xf32> to vector<1xf32>
    %reduce_max3A_8 = vector.shape_cast %reduce_max3A_7 : vector<1xf32> to vector<1x1x1xf32>
    %reduce_max3A_9 = vector.extract %reduce_max3A_8[0, 0, 0] : f32 from vector<1x1x1xf32>
    %broadcast_in_dim3A = arith.constant 0.000000e+00 : f32
    %broadcast_in_dim3A_10 = vector.broadcast %broadcast_in_dim3A : f32 to vector<8x256xf32>
    %scan3A = arith.constant 0 : i32
    %scan3A_11 = arith.constant 16 : i32
    %scan3A_12 = arith.addi %scan3A, %scan3A_11 : i32
    %scan3A_13 = arith.constant 1 : i32
    %scan3A_14 = scf.for %scan3A_21 = %scan3A to %scan3A_12 step %scan3A_13 iter_args(%scan3A_22 = %broadcast_in_dim3A_10) -> (vector<8x256xf32>)  : i32 {
      %get3A_23 = arith.index_cast %scan3A_21 : i32 to index
      %get3A_24 = arith.constant 0 : index
      %get3A_25 = arith.constant 1 : index
      %get3A_26 = vector.load %arg2[%get3A_23, %get3A_24, %get3A_25] : memref<16x256x2xf32, #tpu.memory_space<vmem>>, vector<1x1x1xf32>
      %get3A_27 = vector.shape_cast %get3A_26 : vector<1x1x1xf32> to vector<1x1xf32>
      %reduce_min3A_28 = vector.shape_cast %get3A_27 : vector<1x1xf32> to vector<1x1x1xf32>
      %reduce_min3A_29 = arith.constant dense<0x7F800000> : vector<1xf32>
      %reduce_min3A_30 = vector.multi_reduction <minimumf>, %reduce_min3A_28, %reduce_min3A_29 [1, 2] : vector<1x1x1xf32> to vector<1xf32>
      %reduce_min3A_31 = vector.shape_cast %reduce_min3A_30 : vector<1xf32> to vector<1x1x1xf32>
      %reduce_min3A_32 = vector.extract %reduce_min3A_31[0, 0, 0] : f32 from vector<1x1x1xf32>
      %get3A_33 = arith.index_cast %scan3A_21 : i32 to index
      %get3A_34 = arith.constant 255 : index
      %get3A_35 = arith.constant 1 : index
      %get3A_36 = vector.load %arg2[%get3A_33, %get3A_34, %get3A_35] : memref<16x256x2xf32, #tpu.memory_space<vmem>>, vector<1x1x1xf32>
      %get3A_37 = vector.shape_cast %get3A_36 : vector<1x1x1xf32> to vector<1x1xf32>
      %reduce_min3A_38 = vector.shape_cast %get3A_37 : vector<1x1xf32> to vector<1x1x1xf32>
      %reduce_min3A_39 = arith.constant dense<0x7F800000> : vector<1xf32>
      %reduce_min3A_40 = vector.multi_reduction <minimumf>, %reduce_min3A_38, %reduce_min3A_39 [1, 2] : vector<1x1x1xf32> to vector<1xf32>
      %reduce_min3A_41 = vector.shape_cast %reduce_min3A_40 : vector<1xf32> to vector<1x1x1xf32>
      %reduce_min3A_42 = vector.extract %reduce_min3A_41[0, 0, 0] : f32 from vector<1x1x1xf32>
      %add3A_43 = arith.constant 5.000000e-02 : f32
      %add3A_44 = arith.addf %reduce_max3A_9, %add3A_43 : f32
      %le3A = arith.cmpf ole, %reduce_min3A_32, %add3A_44 : f32
      %sub3A = arith.constant 5.000000e-02 : f32
      %sub3A_45 = arith.subf %reduce_min3A_5, %sub3A : f32
      %le3A_46 = arith.cmpf ole, %sub3A_45, %reduce_min3A_42 : f32
      %and3A = arith.andi %le3A, %le3A_46 : i1
      %convert_element_type3A = arith.extui %and3A : i1 to i32
      %cond3A = arith.constant 0 : i32
      %cond3A_47 = arith.cmpi ne, %convert_element_type3A, %cond3A : i32
      %cond3A_48 = scf.if %cond3A_47 -> (vector<8x256xf32>) {
        %get3A_49 = arith.index_cast %scan3A_21 : i32 to index
        %get3A_50 = arith.constant 0 : index
        %get3A_51 = arith.constant 0 : index
        %get3A_52 = vector.load %arg2[%get3A_49, %get3A_50, %get3A_51] : memref<16x256x2xf32, #tpu.memory_space<vmem>>, vector<1x256x2xf32>
        %get3A_53 = vector.shape_cast %get3A_52 : vector<1x256x2xf32> to vector<256x2xf32>
        %slice3A_54 = vector.extract_strided_slice %get3A_53 {offsets = [0, 0], sizes = [256, 1], strides = [1, 1]} : vector<256x2xf32> to vector<256x1xf32>
        %slice3A_55 = vector.extract_strided_slice %get3A_1 {offsets = [0, 0], sizes = [1, 256], strides = [1, 1]} : vector<2x256xf32> to vector<1x256xf32>
        %sub3A_56 = vector.broadcast %slice3A_54 : vector<256x1xf32> to vector<256x256xf32>
        %sub3A_57 = vector.broadcast %slice3A_55 : vector<1x256xf32> to vector<256x256xf32>
        %sub3A_58 = arith.subf %sub3A_56, %sub3A_57 : vector<256x256xf32>
        %slice3A_59 = vector.extract_strided_slice %get3A_53 {offsets = [0, 1], sizes = [256, 1], strides = [1, 1]} : vector<256x2xf32> to vector<256x1xf32>
        %sub3A_60 = vector.broadcast %slice3A_59 : vector<256x1xf32> to vector<256x256xf32>
        %sub3A_61 = vector.broadcast %slice3A : vector<1x256xf32> to vector<256x256xf32>
        %sub3A_62 = arith.subf %sub3A_60, %sub3A_61 : vector<256x256xf32>
        %mul3A = arith.mulf %sub3A_58, %sub3A_58 : vector<256x256xf32>
        %mul3A_63 = arith.mulf %sub3A_62, %sub3A_62 : vector<256x256xf32>
        %add3A_64 = arith.addf %mul3A, %mul3A_63 : vector<256x256xf32>
        %le3A_65 = arith.constant 2.500000e-03 : f32
        %le3A_66 = vector.broadcast %le3A_65 : f32 to vector<256x256xf32>
        %le3A_67 = arith.cmpf ole, %add3A_64, %le3A_66 : vector<256x256xf32>
        %mul3A_68 = arith.constant 256 : i32
        %mul3A_69 = arith.muli %scan3A_21, %mul3A_68 : i32
        %iota3A = tpu.iota {dimensions = array<i32: 0>} : vector<256x256xi32>
        %add3A_70 = vector.broadcast %mul3A_69 : i32 to vector<256x256xi32>
        %add3A_71 = arith.addi %add3A_70, %iota3A : vector<256x256xi32>
        %mul3A_72 = arith.constant 256 : i32
        %mul3A_73 = arith.muli %arg0, %mul3A_72 : i32
        %iota3A_74 = tpu.iota {dimensions = array<i32: 1>} : vector<256x256xi32>
        %add3A_75 = vector.broadcast %mul3A_73 : i32 to vector<256x256xi32>
        %add3A_76 = arith.addi %add3A_75, %iota3A_74 : vector<256x256xi32>
        %ne3A = arith.cmpi ne, %add3A_76, %add3A_71 : vector<256x256xi32>
        %and3A_77 = arith.andi %le3A_67, %ne3A : vector<256x256xi1>
        %mul3A_78 = arith.constant -1.000000e+00 : f32
        %mul3A_79 = vector.broadcast %mul3A_78 : f32 to vector<256x256xf32>
        %mul3A_80 = arith.mulf %mul3A_79, %sub3A_58 : vector<256x256xf32>
        %mul3A_81 = arith.constant 2.000000e+01 : f32
        %mul3A_82 = vector.broadcast %mul3A_81 : f32 to vector<256x256xf32>
        %mul3A_83 = arith.mulf %mul3A_80, %mul3A_82 : vector<256x256xf32>
        %jit3A = arith.constant -1.000000e+00 : f32
        %jit3A_84 = arith.constant 1.000000e+00 : f32
        %max3A = vector.broadcast %jit3A : f32 to vector<256x256xf32>
        %max3A_85 = arith.maximumf %max3A, %mul3A_83 : vector<256x256xf32>
        %min3A = vector.broadcast %jit3A_84 : f32 to vector<256x256xf32>
        %min3A_86 = arith.minimumf %min3A, %max3A_85 : vector<256x256xf32>
        %mul3A_87 = arith.constant -1.000000e+00 : f32
        %mul3A_88 = vector.broadcast %mul3A_87 : f32 to vector<256x256xf32>
        %mul3A_89 = arith.mulf %mul3A_88, %sub3A_62 : vector<256x256xf32>
        %mul3A_90 = arith.constant 2.000000e+01 : f32
        %mul3A_91 = vector.broadcast %mul3A_90 : f32 to vector<256x256xf32>
        %mul3A_92 = arith.mulf %mul3A_89, %mul3A_91 : vector<256x256xf32>
        %jit3A_93 = arith.constant -1.000000e+00 : f32
        %jit3A_94 = arith.constant 1.000000e+00 : f32
        %max3A_95 = vector.broadcast %jit3A_93 : f32 to vector<256x256xf32>
        %max3A_96 = arith.maximumf %max3A_95, %mul3A_92 : vector<256x256xf32>
        %min3A_97 = vector.broadcast %jit3A_94 : f32 to vector<256x256xf32>
        %min3A_98 = arith.minimumf %min3A_97, %max3A_96 : vector<256x256xf32>
        %mul3A_99 = arith.mulf %min3A_86, %min3A_86 : vector<256x256xf32>
        %mul3A_100 = arith.mulf %min3A_98, %min3A_98 : vector<256x256xf32>
        %add3A_101 = arith.addf %mul3A_99, %mul3A_100 : vector<256x256xf32>
        %add3A_102 = arith.constant 9.99999996E-13 : f32
        %add3A_103 = vector.broadcast %add3A_102 : f32 to vector<256x256xf32>
        %add3A_104 = arith.addf %add3A_101, %add3A_103 : vector<256x256xf32>
        %sqrt3A = math.sqrt %add3A_104 : vector<256x256xf32>
        %jit3A_105 = arith.constant 0.000000e+00 : f32
        %jit3A_106 = arith.constant 1.000000e+00 : f32
        %max3A_107 = vector.broadcast %jit3A_105 : f32 to vector<256x256xf32>
        %max3A_108 = arith.maximumf %max3A_107, %sqrt3A : vector<256x256xf32>
        %min3A_109 = vector.broadcast %jit3A_106 : f32 to vector<256x256xf32>
        %min3A_110 = arith.minimumf %min3A_109, %max3A_108 : vector<256x256xf32>
        %mul3A_111 = arith.constant 2.000000e+00 : f32
        %mul3A_112 = vector.broadcast %mul3A_111 : f32 to vector<256x256xf32>
        %mul3A_113 = arith.mulf %mul3A_112, %min3A_110 : vector<256x256xf32>
        %sub3A_114 = arith.constant 1.000000e+00 : f32
        %sub3A_115 = vector.broadcast %sub3A_114 : f32 to vector<256x256xf32>
        %sub3A_116 = arith.subf %mul3A_113, %sub3A_115 : vector<256x256xf32>
        %abs3A = math.absf %min3A_86 : vector<256x256xf32>
        %abs3A_117 = math.absf %min3A_98 : vector<256x256xf32>
        %max3A_118 = arith.maximumf %abs3A, %abs3A_117 : vector<256x256xf32>
        %min3A_119 = arith.minimumf %abs3A, %abs3A_117 : vector<256x256xf32>
        %div3A = arith.divf %min3A_119, %max3A_118 : vector<256x256xf32>
        %mul3A_120 = arith.mulf %div3A, %div3A : vector<256x256xf32>
        %mul3A_121 = arith.constant -1.172120e-02 : f32
        %mul3A_122 = vector.broadcast %mul3A_121 : f32 to vector<256x256xf32>
        %mul3A_123 = arith.mulf %mul3A_120, %mul3A_122 : vector<256x256xf32>
        %add3A_124 = arith.constant 0.0526533201 : f32
        %add3A_125 = vector.broadcast %add3A_124 : f32 to vector<256x256xf32>
        %add3A_126 = arith.addf %add3A_125, %mul3A_123 : vector<256x256xf32>
        %mul3A_127 = arith.mulf %mul3A_120, %add3A_126 : vector<256x256xf32>
        %add3A_128 = arith.constant -0.116432868 : f32
        %add3A_129 = vector.broadcast %add3A_128 : f32 to vector<256x256xf32>
        %add3A_130 = arith.addf %add3A_129, %mul3A_127 : vector<256x256xf32>
        %mul3A_131 = arith.mulf %mul3A_120, %add3A_130 : vector<256x256xf32>
        %add3A_132 = arith.constant 0.193543464 : f32
        %add3A_133 = vector.broadcast %add3A_132 : f32 to vector<256x256xf32>
        %add3A_134 = arith.addf %add3A_133, %mul3A_131 : vector<256x256xf32>
        %mul3A_135 = arith.mulf %mul3A_120, %add3A_134 : vector<256x256xf32>
        %add3A_136 = arith.constant -0.332623482 : f32
        %add3A_137 = vector.broadcast %add3A_136 : f32 to vector<256x256xf32>
        %add3A_138 = arith.addf %add3A_137, %mul3A_135 : vector<256x256xf32>
        %mul3A_139 = arith.mulf %mul3A_120, %add3A_138 : vector<256x256xf32>
        %add3A_140 = arith.constant 0.999977231 : f32
        %add3A_141 = vector.broadcast %add3A_140 : f32 to vector<256x256xf32>
        %add3A_142 = arith.addf %add3A_141, %mul3A_139 : vector<256x256xf32>
        %mul3A_143 = arith.mulf %div3A, %add3A_142 : vector<256x256xf32>
        %gt3A = arith.cmpf ogt, %abs3A_117, %abs3A : vector<256x256xf32>
        %sub3A_144 = arith.constant 1.57079637 : f32
        %sub3A_145 = vector.broadcast %sub3A_144 : f32 to vector<256x256xf32>
        %sub3A_146 = arith.subf %sub3A_145, %mul3A_143 : vector<256x256xf32>
        %select_n3A = arith.select %gt3A, %sub3A_146, %mul3A_143 : vector<256x256xi1>, vector<256x256xf32>
        %lt3A = arith.constant 0.000000e+00 : f32
        %lt3A_147 = vector.broadcast %lt3A : f32 to vector<256x256xf32>
        %lt3A_148 = arith.cmpf olt, %min3A_86, %lt3A_147 : vector<256x256xf32>
        %sub3A_149 = arith.constant 3.14159274 : f32
        %sub3A_150 = vector.broadcast %sub3A_149 : f32 to vector<256x256xf32>
        %sub3A_151 = arith.subf %sub3A_150, %select_n3A : vector<256x256xf32>
        %select_n3A_152 = arith.select %lt3A_148, %sub3A_151, %select_n3A : vector<256x256xi1>, vector<256x256xf32>
        %eq3A = arith.constant 0.000000e+00 : f32
        %eq3A_153 = vector.broadcast %eq3A : f32 to vector<256x256xf32>
        %eq3A_154 = arith.cmpf oeq, %max3A_118, %eq3A_153 : vector<256x256xf32>
        %jit3A_155 = arith.constant 0.000000e+00 : f32
        %broadcast_in_dim3A_156 = vector.broadcast %jit3A_155 : f32 to vector<256x256xf32>
        %select_n3A_157 = arith.select %eq3A_154, %broadcast_in_dim3A_156, %select_n3A_152 : vector<256x256xi1>, vector<256x256xf32>
        %bitcast_convert_type3A = tpu.bitcast %min3A_98 : vector<256x256xf32> -> vector<256x256xi32>
        %lt3A_158 = arith.constant 0 : i32
        %lt3A_159 = vector.broadcast %lt3A_158 : i32 to vector<256x256xi32>
        %lt3A_160 = arith.cmpi slt, %bitcast_convert_type3A, %lt3A_159 : vector<256x256xi32>
        %neg3A = arith.constant 0.000000e+00 : f32
        %neg3A_161 = vector.broadcast %neg3A : f32 to vector<256x256xf32>
        %neg3A_162 = arith.subf %neg3A_161, %select_n3A_157 : vector<256x256xf32>
        %select_n3A_163 = arith.select %lt3A_160, %neg3A_162, %select_n3A_157 : vector<256x256xi1>, vector<256x256xf32>
        %mul3A_164 = arith.constant 0.318309873 : f32
        %mul3A_165 = vector.broadcast %mul3A_164 : f32 to vector<256x256xf32>
        %mul3A_166 = arith.mulf %select_n3A_163, %mul3A_165 : vector<256x256xf32>
        %convert_element_type3A_167 = arith.extui %and3A_77 : vector<256x256xi1> to vector<256x256xi32>
        %convert_element_type3A_168 = arith.sitofp %convert_element_type3A_167 : vector<256x256xi32> to vector<256x256xf32>
        %sub3A_169 = arith.constant -1.000000e+00 : f32
        %sub3A_170 = vector.broadcast %sub3A_169 : f32 to vector<256x256xf32>
        %sub3A_171 = arith.subf %mul3A_166, %sub3A_170 : vector<256x256xf32>
        %abs3A_172 = math.absf %sub3A_171 : vector<256x256xf32>
        %mul3A_173 = arith.constant 1.500000e+00 : f32
        %mul3A_174 = vector.broadcast %mul3A_173 : f32 to vector<256x256xf32>
        %mul3A_175 = arith.mulf %abs3A_172, %mul3A_174 : vector<256x256xf32>
        %sub3A_176 = arith.constant 1.000000e+00 : f32
        %sub3A_177 = vector.broadcast %sub3A_176 : f32 to vector<256x256xf32>
        %sub3A_178 = arith.subf %sub3A_177, %mul3A_175 : vector<256x256xf32>
        %max3A_179 = arith.constant 0.000000e+00 : f32
        %max3A_180 = vector.broadcast %max3A_179 : f32 to vector<256x256xf32>
        %max3A_181 = arith.maximumf %max3A_180, %sub3A_178 : vector<256x256xf32>
        %convert_element_type3A_182 = arith.truncf %max3A_181 : vector<256x256xf32> to vector<256x256xbf16>
        %sub3A_183 = arith.constant -0.333333343 : f32
        %sub3A_184 = vector.broadcast %sub3A_183 : f32 to vector<256x256xf32>
        %sub3A_185 = arith.subf %mul3A_166, %sub3A_184 : vector<256x256xf32>
        %abs3A_186 = math.absf %sub3A_185 : vector<256x256xf32>
        %mul3A_187 = arith.constant 1.500000e+00 : f32
        %mul3A_188 = vector.broadcast %mul3A_187 : f32 to vector<256x256xf32>
        %mul3A_189 = arith.mulf %abs3A_186, %mul3A_188 : vector<256x256xf32>
        %sub3A_190 = arith.constant 1.000000e+00 : f32
        %sub3A_191 = vector.broadcast %sub3A_190 : f32 to vector<256x256xf32>
        %sub3A_192 = arith.subf %sub3A_191, %mul3A_189 : vector<256x256xf32>
        %max3A_193 = arith.constant 0.000000e+00 : f32
        %max3A_194 = vector.broadcast %max3A_193 : f32 to vector<256x256xf32>
        %max3A_195 = arith.maximumf %max3A_194, %sub3A_192 : vector<256x256xf32>
        %convert_element_type3A_196 = arith.truncf %max3A_195 : vector<256x256xf32> to vector<256x256xbf16>
        %sub3A_197 = arith.constant 0.333333343 : f32
        %sub3A_198 = vector.broadcast %sub3A_197 : f32 to vector<256x256xf32>
        %sub3A_199 = arith.subf %mul3A_166, %sub3A_198 : vector<256x256xf32>
        %abs3A_200 = math.absf %sub3A_199 : vector<256x256xf32>
        %mul3A_201 = arith.constant 1.500000e+00 : f32
        %mul3A_202 = vector.broadcast %mul3A_201 : f32 to vector<256x256xf32>
        %mul3A_203 = arith.mulf %abs3A_200, %mul3A_202 : vector<256x256xf32>
        %sub3A_204 = arith.constant 1.000000e+00 : f32
        %sub3A_205 = vector.broadcast %sub3A_204 : f32 to vector<256x256xf32>
        %sub3A_206 = arith.subf %sub3A_205, %mul3A_203 : vector<256x256xf32>
        %max3A_207 = arith.constant 0.000000e+00 : f32
        %max3A_208 = vector.broadcast %max3A_207 : f32 to vector<256x256xf32>
        %max3A_209 = arith.maximumf %max3A_208, %sub3A_206 : vector<256x256xf32>
        %convert_element_type3A_210 = arith.truncf %max3A_209 : vector<256x256xf32> to vector<256x256xbf16>
        %sub3A_211 = arith.constant 1.000000e+00 : f32
        %sub3A_212 = vector.broadcast %sub3A_211 : f32 to vector<256x256xf32>
        %sub3A_213 = arith.subf %mul3A_166, %sub3A_212 : vector<256x256xf32>
        %abs3A_214 = math.absf %sub3A_213 : vector<256x256xf32>
        %mul3A_215 = arith.constant 1.500000e+00 : f32
        %mul3A_216 = vector.broadcast %mul3A_215 : f32 to vector<256x256xf32>
        %mul3A_217 = arith.mulf %abs3A_214, %mul3A_216 : vector<256x256xf32>
        %sub3A_218 = arith.constant 1.000000e+00 : f32
        %sub3A_219 = vector.broadcast %sub3A_218 : f32 to vector<256x256xf32>
        %sub3A_220 = arith.subf %sub3A_219, %mul3A_217 : vector<256x256xf32>
        %max3A_221 = arith.constant 0.000000e+00 : f32
        %max3A_222 = vector.broadcast %max3A_221 : f32 to vector<256x256xf32>
        %max3A_223 = arith.maximumf %max3A_222, %sub3A_220 : vector<256x256xf32>
        %convert_element_type3A_224 = arith.truncf %max3A_223 : vector<256x256xf32> to vector<256x256xbf16>
        %sub3A_225 = arith.constant -1.000000e+00 : f32
        %sub3A_226 = vector.broadcast %sub3A_225 : f32 to vector<256x256xf32>
        %sub3A_227 = arith.subf %sub3A_116, %sub3A_226 : vector<256x256xf32>
        %abs3A_228 = math.absf %sub3A_227 : vector<256x256xf32>
        %mul3A_229 = arith.constant 1.500000e+00 : f32
        %mul3A_230 = vector.broadcast %mul3A_229 : f32 to vector<256x256xf32>
        %mul3A_231 = arith.mulf %abs3A_228, %mul3A_230 : vector<256x256xf32>
        %sub3A_232 = arith.constant 1.000000e+00 : f32
        %sub3A_233 = vector.broadcast %sub3A_232 : f32 to vector<256x256xf32>
        %sub3A_234 = arith.subf %sub3A_233, %mul3A_231 : vector<256x256xf32>
        %max3A_235 = arith.constant 0.000000e+00 : f32
        %max3A_236 = vector.broadcast %max3A_235 : f32 to vector<256x256xf32>
        %max3A_237 = arith.maximumf %max3A_236, %sub3A_234 : vector<256x256xf32>
        %mul3A_238 = arith.mulf %max3A_237, %convert_element_type3A_168 : vector<256x256xf32>
        %convert_element_type3A_239 = arith.truncf %mul3A_238 : vector<256x256xf32> to vector<256x256xbf16>
        %mul3A_240 = arith.mulf %convert_element_type3A_239, %convert_element_type3A_182 : vector<256x256xbf16>
        %get3A_241 = arith.index_cast %scan3A_21 : i32 to index
        %get3A_242 = arith.constant 0 : index
        %get3A_243 = arith.constant 0 : index
        %get3A_244 = arith.constant 0 : index
        %get3A_245 = vector.load %arg3[%get3A_241, %get3A_242, %get3A_243, %get3A_244] : memref<16x16x8x256xbf16, #tpu.memory_space<vmem>>, vector<1x1x8x256xbf16>
        %get3A_246 = vector.shape_cast %get3A_245 : vector<1x1x8x256xbf16> to vector<8x256xbf16>
        %dot_general3A = arith.constant dense<0.000000e+00> : vector<8x256xf32>
        %dot_general3A_247 = tpu.matmul %get3A_246, %mul3A_240, %dot_general3A {dimension_numbers = #tpu.dot_dimension_numbers<[1], [0], [0], [1], [0, 0, 1, 1], [], []>, transpose_lhs_hint = false} : vector<8x256xbf16>, vector<256x256xbf16>, vector<8x256xf32> -> vector<8x256xf32>
        %add3A_248 = arith.addf %scan3A_22, %dot_general3A_247 : vector<8x256xf32>
        %mul3A_249 = arith.mulf %convert_element_type3A_239, %convert_element_type3A_196 : vector<256x256xbf16>
        %get3A_250 = arith.index_cast %scan3A_21 : i32 to index
        %get3A_251 = arith.constant 1 : index
        %get3A_252 = arith.constant 0 : index
        %get3A_253 = arith.constant 0 : index
        %get3A_254 = vector.load %arg3[%get3A_250, %get3A_251, %get3A_252, %get3A_253] : memref<16x16x8x256xbf16, #tpu.memory_space<vmem>>, vector<1x1x8x256xbf16>
        %get3A_255 = vector.shape_cast %get3A_254 : vector<1x1x8x256xbf16> to vector<8x256xbf16>
        %dot_general3A_256 = arith.constant dense<0.000000e+00> : vector<8x256xf32>
        %dot_general3A_257 = tpu.matmul %get3A_255, %mul3A_249, %dot_general3A_256 {dimension_numbers = #tpu.dot_dimension_numbers<[1], [0], [0], [1], [0, 0, 1, 1], [], []>, transpose_lhs_hint = false} : vector<8x256xbf16>, vector<256x256xbf16>, vector<8x256xf32> -> vector<8x256xf32>
        %add3A_258 = arith.addf %add3A_248, %dot_general3A_257 : vector<8x256xf32>
        %mul3A_259 = arith.mulf %convert_element_type3A_239, %convert_element_type3A_210 : vector<256x256xbf16>
        %get3A_260 = arith.index_cast %scan3A_21 : i32 to index
        %get3A_261 = arith.constant 2 : index
        %get3A_262 = arith.constant 0 : index
        %get3A_263 = arith.constant 0 : index
        %get3A_264 = vector.load %arg3[%get3A_260, %get3A_261, %get3A_262, %get3A_263] : memref<16x16x8x256xbf16, #tpu.memory_space<vmem>>, vector<1x1x8x256xbf16>
        %get3A_265 = vector.shape_cast %get3A_264 : vector<1x1x8x256xbf16> to vector<8x256xbf16>
        %dot_general3A_266 = arith.constant dense<0.000000e+00> : vector<8x256xf32>
        %dot_general3A_267 = tpu.matmul %get3A_265, %mul3A_259, %dot_general3A_266 {dimension_numbers = #tpu.dot_dimension_numbers<[1], [0], [0], [1], [0, 0, 1, 1], [], []>, transpose_lhs_hint = false} : vector<8x256xbf16>, vector<256x256xbf16>, vector<8x256xf32> -> vector<8x256xf32>
        %add3A_268 = arith.addf %add3A_258, %dot_general3A_267 : vector<8x256xf32>
        %mul3A_269 = arith.mulf %convert_element_type3A_239, %convert_element_type3A_224 : vector<256x256xbf16>
        %get3A_270 = arith.index_cast %scan3A_21 : i32 to index
        %get3A_271 = arith.constant 3 : index
        %get3A_272 = arith.constant 0 : index
        %get3A_273 = arith.constant 0 : index
        %get3A_274 = vector.load %arg3[%get3A_270, %get3A_271, %get3A_272, %get3A_273] : memref<16x16x8x256xbf16, #tpu.memory_space<vmem>>, vector<1x1x8x256xbf16>
        %get3A_275 = vector.shape_cast %get3A_274 : vector<1x1x8x256xbf16> to vector<8x256xbf16>
        %dot_general3A_276 = arith.constant dense<0.000000e+00> : vector<8x256xf32>
        %dot_general3A_277 = tpu.matmul %get3A_275, %mul3A_269, %dot_general3A_276 {dimension_numbers = #tpu.dot_dimension_numbers<[1], [0], [0], [1], [0, 0, 1, 1], [], []>, transpose_lhs_hint = false} : vector<8x256xbf16>, vector<256x256xbf16>, vector<8x256xf32> -> vector<8x256xf32>
        %add3A_278 = arith.addf %add3A_268, %dot_general3A_277 : vector<8x256xf32>
        %sub3A_279 = arith.constant -0.333333343 : f32
        %sub3A_280 = vector.broadcast %sub3A_279 : f32 to vector<256x256xf32>
        %sub3A_281 = arith.subf %sub3A_116, %sub3A_280 : vector<256x256xf32>
        %abs3A_282 = math.absf %sub3A_281 : vector<256x256xf32>
        %mul3A_283 = arith.constant 1.500000e+00 : f32
        %mul3A_284 = vector.broadcast %mul3A_283 : f32 to vector<256x256xf32>
        %mul3A_285 = arith.mulf %abs3A_282, %mul3A_284 : vector<256x256xf32>
        %sub3A_286 = arith.constant 1.000000e+00 : f32
        %sub3A_287 = vector.broadcast %sub3A_286 : f32 to vector<256x256xf32>
        %sub3A_288 = arith.subf %sub3A_287, %mul3A_285 : vector<256x256xf32>
        %max3A_289 = arith.constant 0.000000e+00 : f32
        %max3A_290 = vector.broadcast %max3A_289 : f32 to vector<256x256xf32>
        %max3A_291 = arith.maximumf %max3A_290, %sub3A_288 : vector<256x256xf32>
        %mul3A_292 = arith.mulf %max3A_291, %convert_element_type3A_168 : vector<256x256xf32>
        %convert_element_type3A_293 = arith.truncf %mul3A_292 : vector<256x256xf32> to vector<256x256xbf16>
        %mul3A_294 = arith.mulf %convert_element_type3A_293, %convert_element_type3A_182 : vector<256x256xbf16>
        %get3A_295 = arith.index_cast %scan3A_21 : i32 to index
        %get3A_296 = arith.constant 4 : index
        %get3A_297 = arith.constant 0 : index
        %get3A_298 = arith.constant 0 : index
        %get3A_299 = vector.load %arg3[%get3A_295, %get3A_296, %get3A_297, %get3A_298] : memref<16x16x8x256xbf16, #tpu.memory_space<vmem>>, vector<1x1x8x256xbf16>
        %get3A_300 = vector.shape_cast %get3A_299 : vector<1x1x8x256xbf16> to vector<8x256xbf16>
        %dot_general3A_301 = arith.constant dense<0.000000e+00> : vector<8x256xf32>
        %dot_general3A_302 = tpu.matmul %get3A_300, %mul3A_294, %dot_general3A_301 {dimension_numbers = #tpu.dot_dimension_numbers<[1], [0], [0], [1], [0, 0, 1, 1], [], []>, transpose_lhs_hint = false} : vector<8x256xbf16>, vector<256x256xbf16>, vector<8x256xf32> -> vector<8x256xf32>
        %add3A_303 = arith.addf %add3A_278, %dot_general3A_302 : vector<8x256xf32>
        %mul3A_304 = arith.mulf %convert_element_type3A_293, %convert_element_type3A_196 : vector<256x256xbf16>
        %get3A_305 = arith.index_cast %scan3A_21 : i32 to index
        %get3A_306 = arith.constant 5 : index
        %get3A_307 = arith.constant 0 : index
        %get3A_308 = arith.constant 0 : index
        %get3A_309 = vector.load %arg3[%get3A_305, %get3A_306, %get3A_307, %get3A_308] : memref<16x16x8x256xbf16, #tpu.memory_space<vmem>>, vector<1x1x8x256xbf16>
        %get3A_310 = vector.shape_cast %get3A_309 : vector<1x1x8x256xbf16> to vector<8x256xbf16>
        %dot_general3A_311 = arith.constant dense<0.000000e+00> : vector<8x256xf32>
        %dot_general3A_312 = tpu.matmul %get3A_310, %mul3A_304, %dot_general3A_311 {dimension_numbers = #tpu.dot_dimension_numbers<[1], [0], [0], [1], [0, 0, 1, 1], [], []>, transpose_lhs_hint = false} : vector<8x256xbf16>, vector<256x256xbf16>, vector<8x256xf32> -> vector<8x256xf32>
        %add3A_313 = arith.addf %add3A_303, %dot_general3A_312 : vector<8x256xf32>
        %mul3A_314 = arith.mulf %convert_element_type3A_293, %convert_element_type3A_210 : vector<256x256xbf16>
        %get3A_315 = arith.index_cast %scan3A_21 : i32 to index
        %get3A_316 = arith.constant 6 : index
        %get3A_317 = arith.constant 0 : index
        %get3A_318 = arith.constant 0 : index
        %get3A_319 = vector.load %arg3[%get3A_315, %get3A_316, %get3A_317, %get3A_318] : memref<16x16x8x256xbf16, #tpu.memory_space<vmem>>, vector<1x1x8x256xbf16>
        %get3A_320 = vector.shape_cast %get3A_319 : vector<1x1x8x256xbf16> to vector<8x256xbf16>
        %dot_general3A_321 = arith.constant dense<0.000000e+00> : vector<8x256xf32>
        %dot_general3A_322 = tpu.matmul %get3A_320, %mul3A_314, %dot_general3A_321 {dimension_numbers = #tpu.dot_dimension_numbers<[1], [0], [0], [1], [0, 0, 1, 1], [], []>, transpose_lhs_hint = false} : vector<8x256xbf16>, vector<256x256xbf16>, vector<8x256xf32> -> vector<8x256xf32>
        %add3A_323 = arith.addf %add3A_313, %dot_general3A_322 : vector<8x256xf32>
        %mul3A_324 = arith.mulf %convert_element_type3A_293, %convert_element_type3A_224 : vector<256x256xbf16>
        %get3A_325 = arith.index_cast %scan3A_21 : i32 to index
        %get3A_326 = arith.constant 7 : index
        %get3A_327 = arith.constant 0 : index
        %get3A_328 = arith.constant 0 : index
        %get3A_329 = vector.load %arg3[%get3A_325, %get3A_326, %get3A_327, %get3A_328] : memref<16x16x8x256xbf16, #tpu.memory_space<vmem>>, vector<1x1x8x256xbf16>
        %get3A_330 = vector.shape_cast %get3A_329 : vector<1x1x8x256xbf16> to vector<8x256xbf16>
        %dot_general3A_331 = arith.constant dense<0.000000e+00> : vector<8x256xf32>
        %dot_general3A_332 = tpu.matmul %get3A_330, %mul3A_324, %dot_general3A_331 {dimension_numbers = #tpu.dot_dimension_numbers<[1], [0], [0], [1], [0, 0, 1, 1], [], []>, transpose_lhs_hint = false} : vector<8x256xbf16>, vector<256x256xbf16>, vector<8x256xf32> -> vector<8x256xf32>
        %add3A_333 = arith.addf %add3A_323, %dot_general3A_332 : vector<8x256xf32>
        %sub3A_334 = arith.constant 0.333333343 : f32
        %sub3A_335 = vector.broadcast %sub3A_334 : f32 to vector<256x256xf32>
        %sub3A_336 = arith.subf %sub3A_116, %sub3A_335 : vector<256x256xf32>
        %abs3A_337 = math.absf %sub3A_336 : vector<256x256xf32>
        %mul3A_338 = arith.constant 1.500000e+00 : f32
        %mul3A_339 = vector.broadcast %mul3A_338 : f32 to vector<256x256xf32>
        %mul3A_340 = arith.mulf %abs3A_337, %mul3A_339 : vector<256x256xf32>
        %sub3A_341 = arith.constant 1.000000e+00 : f32
        %sub3A_342 = vector.broadcast %sub3A_341 : f32 to vector<256x256xf32>
        %sub3A_343 = arith.subf %sub3A_342, %mul3A_340 : vector<256x256xf32>
        %max3A_344 = arith.constant 0.000000e+00 : f32
        %max3A_345 = vector.broadcast %max3A_344 : f32 to vector<256x256xf32>
        %max3A_346 = arith.maximumf %max3A_345, %sub3A_343 : vector<256x256xf32>
        %mul3A_347 = arith.mulf %max3A_346, %convert_element_type3A_168 : vector<256x256xf32>
        %convert_element_type3A_348 = arith.truncf %mul3A_347 : vector<256x256xf32> to vector<256x256xbf16>
        %mul3A_349 = arith.mulf %convert_element_type3A_348, %convert_element_type3A_182 : vector<256x256xbf16>
        %get3A_350 = arith.index_cast %scan3A_21 : i32 to index
        %get3A_351 = arith.constant 8 : index
        %get3A_352 = arith.constant 0 : index
        %get3A_353 = arith.constant 0 : index
        %get3A_354 = vector.load %arg3[%get3A_350, %get3A_351, %get3A_352, %get3A_353] : memref<16x16x8x256xbf16, #tpu.memory_space<vmem>>, vector<1x1x8x256xbf16>
        %get3A_355 = vector.shape_cast %get3A_354 : vector<1x1x8x256xbf16> to vector<8x256xbf16>
        %dot_general3A_356 = arith.constant dense<0.000000e+00> : vector<8x256xf32>
        %dot_general3A_357 = tpu.matmul %get3A_355, %mul3A_349, %dot_general3A_356 {dimension_numbers = #tpu.dot_dimension_numbers<[1], [0], [0], [1], [0, 0, 1, 1], [], []>, transpose_lhs_hint = false} : vector<8x256xbf16>, vector<256x256xbf16>, vector<8x256xf32> -> vector<8x256xf32>
        %add3A_358 = arith.addf %add3A_333, %dot_general3A_357 : vector<8x256xf32>
        %mul3A_359 = arith.mulf %convert_element_type3A_348, %convert_element_type3A_196 : vector<256x256xbf16>
        %get3A_360 = arith.index_cast %scan3A_21 : i32 to index
        %get3A_361 = arith.constant 9 : index
        %get3A_362 = arith.constant 0 : index
        %get3A_363 = arith.constant 0 : index
        %get3A_364 = vector.load %arg3[%get3A_360, %get3A_361, %get3A_362, %get3A_363] : memref<16x16x8x256xbf16, #tpu.memory_space<vmem>>, vector<1x1x8x256xbf16>
        %get3A_365 = vector.shape_cast %get3A_364 : vector<1x1x8x256xbf16> to vector<8x256xbf16>
        %dot_general3A_366 = arith.constant dense<0.000000e+00> : vector<8x256xf32>
        %dot_general3A_367 = tpu.matmul %get3A_365, %mul3A_359, %dot_general3A_366 {dimension_numbers = #tpu.dot_dimension_numbers<[1], [0], [0], [1], [0, 0, 1, 1], [], []>, transpose_lhs_hint = false} : vector<8x256xbf16>, vector<256x256xbf16>, vector<8x256xf32> -> vector<8x256xf32>
        %add3A_368 = arith.addf %add3A_358, %dot_general3A_367 : vector<8x256xf32>
        %mul3A_369 = arith.mulf %convert_element_type3A_348, %convert_element_type3A_210 : vector<256x256xbf16>
        %get3A_370 = arith.index_cast %scan3A_21 : i32 to index
        %get3A_371 = arith.constant 10 : index
        %get3A_372 = arith.constant 0 : index
        %get3A_373 = arith.constant 0 : index
        %get3A_374 = vector.load %arg3[%get3A_370, %get3A_371, %get3A_372, %get3A_373] : memref<16x16x8x256xbf16, #tpu.memory_space<vmem>>, vector<1x1x8x256xbf16>
        %get3A_375 = vector.shape_cast %get3A_374 : vector<1x1x8x256xbf16> to vector<8x256xbf16>
        %dot_general3A_376 = arith.constant dense<0.000000e+00> : vector<8x256xf32>
        %dot_general3A_377 = tpu.matmul %get3A_375, %mul3A_369, %dot_general3A_376 {dimension_numbers = #tpu.dot_dimension_numbers<[1], [0], [0], [1], [0, 0, 1, 1], [], []>, transpose_lhs_hint = false} : vector<8x256xbf16>, vector<256x256xbf16>, vector<8x256xf32> -> vector<8x256xf32>
        %add3A_378 = arith.addf %add3A_368, %dot_general3A_377 : vector<8x256xf32>
        %mul3A_379 = arith.mulf %convert_element_type3A_348, %convert_element_type3A_224 : vector<256x256xbf16>
        %get3A_380 = arith.index_cast %scan3A_21 : i32 to index
        %get3A_381 = arith.constant 11 : index
        %get3A_382 = arith.constant 0 : index
        %get3A_383 = arith.constant 0 : index
        %get3A_384 = vector.load %arg3[%get3A_380, %get3A_381, %get3A_382, %get3A_383] : memref<16x16x8x256xbf16, #tpu.memory_space<vmem>>, vector<1x1x8x256xbf16>
        %get3A_385 = vector.shape_cast %get3A_384 : vector<1x1x8x256xbf16> to vector<8x256xbf16>
        %dot_general3A_386 = arith.constant dense<0.000000e+00> : vector<8x256xf32>
        %dot_general3A_387 = tpu.matmul %get3A_385, %mul3A_379, %dot_general3A_386 {dimension_numbers = #tpu.dot_dimension_numbers<[1], [0], [0], [1], [0, 0, 1, 1], [], []>, transpose_lhs_hint = false} : vector<8x256xbf16>, vector<256x256xbf16>, vector<8x256xf32> -> vector<8x256xf32>
        %add3A_388 = arith.addf %add3A_378, %dot_general3A_387 : vector<8x256xf32>
        %sub3A_389 = arith.constant 1.000000e+00 : f32
        %sub3A_390 = vector.broadcast %sub3A_389 : f32 to vector<256x256xf32>
        %sub3A_391 = arith.subf %sub3A_116, %sub3A_390 : vector<256x256xf32>
        %abs3A_392 = math.absf %sub3A_391 : vector<256x256xf32>
        %mul3A_393 = arith.constant 1.500000e+00 : f32
        %mul3A_394 = vector.broadcast %mul3A_393 : f32 to vector<256x256xf32>
        %mul3A_395 = arith.mulf %abs3A_392, %mul3A_394 : vector<256x256xf32>
        %sub3A_396 = arith.constant 1.000000e+00 : f32
        %sub3A_397 = vector.broadcast %sub3A_396 : f32 to vector<256x256xf32>
        %sub3A_398 = arith.subf %sub3A_397, %mul3A_395 : vector<256x256xf32>
        %max3A_399 = arith.constant 0.000000e+00 : f32
        %max3A_400 = vector.broadcast %max3A_399 : f32 to vector<256x256xf32>
        %max3A_401 = arith.maximumf %max3A_400, %sub3A_398 : vector<256x256xf32>
        %mul3A_402 = arith.mulf %max3A_401, %convert_element_type3A_168 : vector<256x256xf32>
        %convert_element_type3A_403 = arith.truncf %mul3A_402 : vector<256x256xf32> to vector<256x256xbf16>
        %mul3A_404 = arith.mulf %convert_element_type3A_403, %convert_element_type3A_182 : vector<256x256xbf16>
        %get3A_405 = arith.index_cast %scan3A_21 : i32 to index
        %get3A_406 = arith.constant 12 : index
        %get3A_407 = arith.constant 0 : index
        %get3A_408 = arith.constant 0 : index
        %get3A_409 = vector.load %arg3[%get3A_405, %get3A_406, %get3A_407, %get3A_408] : memref<16x16x8x256xbf16, #tpu.memory_space<vmem>>, vector<1x1x8x256xbf16>
        %get3A_410 = vector.shape_cast %get3A_409 : vector<1x1x8x256xbf16> to vector<8x256xbf16>
        %dot_general3A_411 = arith.constant dense<0.000000e+00> : vector<8x256xf32>
        %dot_general3A_412 = tpu.matmul %get3A_410, %mul3A_404, %dot_general3A_411 {dimension_numbers = #tpu.dot_dimension_numbers<[1], [0], [0], [1], [0, 0, 1, 1], [], []>, transpose_lhs_hint = false} : vector<8x256xbf16>, vector<256x256xbf16>, vector<8x256xf32> -> vector<8x256xf32>
        %add3A_413 = arith.addf %add3A_388, %dot_general3A_412 : vector<8x256xf32>
        %mul3A_414 = arith.mulf %convert_element_type3A_403, %convert_element_type3A_196 : vector<256x256xbf16>
        %get3A_415 = arith.index_cast %scan3A_21 : i32 to index
        %get3A_416 = arith.constant 13 : index
        %get3A_417 = arith.constant 0 : index
        %get3A_418 = arith.constant 0 : index
        %get3A_419 = vector.load %arg3[%get3A_415, %get3A_416, %get3A_417, %get3A_418] : memref<16x16x8x256xbf16, #tpu.memory_space<vmem>>, vector<1x1x8x256xbf16>
        %get3A_420 = vector.shape_cast %get3A_419 : vector<1x1x8x256xbf16> to vector<8x256xbf16>
        %dot_general3A_421 = arith.constant dense<0.000000e+00> : vector<8x256xf32>
        %dot_general3A_422 = tpu.matmul %get3A_420, %mul3A_414, %dot_general3A_421 {dimension_numbers = #tpu.dot_dimension_numbers<[1], [0], [0], [1], [0, 0, 1, 1], [], []>, transpose_lhs_hint = false} : vector<8x256xbf16>, vector<256x256xbf16>, vector<8x256xf32> -> vector<8x256xf32>
        %add3A_423 = arith.addf %add3A_413, %dot_general3A_422 : vector<8x256xf32>
        %mul3A_424 = arith.mulf %convert_element_type3A_403, %convert_element_type3A_210 : vector<256x256xbf16>
        %get3A_425 = arith.index_cast %scan3A_21 : i32 to index
        %get3A_426 = arith.constant 14 : index
        %get3A_427 = arith.constant 0 : index
        %get3A_428 = arith.constant 0 : index
        %get3A_429 = vector.load %arg3[%get3A_425, %get3A_426, %get3A_427, %get3A_428] : memref<16x16x8x256xbf16, #tpu.memory_space<vmem>>, vector<1x1x8x256xbf16>
        %get3A_430 = vector.shape_cast %get3A_429 : vector<1x1x8x256xbf16> to vector<8x256xbf16>
        %dot_general3A_431 = arith.constant dense<0.000000e+00> : vector<8x256xf32>
        %dot_general3A_432 = tpu.matmul %get3A_430, %mul3A_424, %dot_general3A_431 {dimension_numbers = #tpu.dot_dimension_numbers<[1], [0], [0], [1], [0, 0, 1, 1], [], []>, transpose_lhs_hint = false} : vector<8x256xbf16>, vector<256x256xbf16>, vector<8x256xf32> -> vector<8x256xf32>
        %add3A_433 = arith.addf %add3A_423, %dot_general3A_432 : vector<8x256xf32>
        %mul3A_434 = arith.mulf %convert_element_type3A_403, %convert_element_type3A_224 : vector<256x256xbf16>
        %get3A_435 = arith.index_cast %scan3A_21 : i32 to index
        %get3A_436 = arith.constant 15 : index
        %get3A_437 = arith.constant 0 : index
        %get3A_438 = arith.constant 0 : index
        %get3A_439 = vector.load %arg3[%get3A_435, %get3A_436, %get3A_437, %get3A_438] : memref<16x16x8x256xbf16, #tpu.memory_space<vmem>>, vector<1x1x8x256xbf16>
        %get3A_440 = vector.shape_cast %get3A_439 : vector<1x1x8x256xbf16> to vector<8x256xbf16>
        %dot_general3A_441 = arith.constant dense<0.000000e+00> : vector<8x256xf32>
        %dot_general3A_442 = tpu.matmul %get3A_440, %mul3A_434, %dot_general3A_441 {dimension_numbers = #tpu.dot_dimension_numbers<[1], [0], [0], [1], [0, 0, 1, 1], [], []>, transpose_lhs_hint = false} : vector<8x256xbf16>, vector<256x256xbf16>, vector<8x256xf32> -> vector<8x256xf32>
        %add3A_443 = arith.addf %add3A_433, %dot_general3A_442 : vector<8x256xf32>
        scf.yield %add3A_443 : vector<8x256xf32>
      } else {
        scf.yield %scan3A_22 : vector<8x256xf32>
      }
      scf.yield %cond3A_48 : vector<8x256xf32>
    }
    %scan3A_15 = arith.constant 16 : i32
    %get3A_16 = arith.constant 0 : index
    %get3A_17 = arith.constant 0 : index
    %get3A_18 = vector.load %arg4[%get3A_16, %get3A_17] : memref<8x256xf32, #tpu.memory_space<vmem>>, vector<8x256xf32>
    %add3A = arith.addf %scan3A_14, %get3A_18 : vector<8x256xf32>
    %swap3A = arith.constant 0 : index
    %swap3A_19 = arith.constant 0 : index
    %swap3A_20 = vector.load %arg5[%swap3A, %swap3A_19] : memref<8x256xf32, #tpu.memory_space<vmem>>, vector<8x256xf32>
    tpu.vector_store %arg5[%swap3A, %swap3A_19], %add3A {strides = array<i32>} : memref<8x256xf32, #tpu.memory_space<vmem>>, vector<8x256xf32>,
    return
  }
  func.func @transform_0(%arg0: i32) -> (i32, i32) {
    %c0_i32 = arith.constant 0 : i32
    %c0_i32_0 = arith.constant 0 : i32
    return %c0_i32, %arg0 : i32, i32
  }
  func.func @transform_1(%arg0: i32) -> (i32, i32, i32) {
    %c0_i32 = arith.constant 0 : i32
    %c0_i32_0 = arith.constant 0 : i32
    %c0_i32_1 = arith.constant 0 : i32
    %c0_i32_2 = arith.constant 0 : i32
    return %c0_i32, %c0_i32_0, %c0_i32_1 : i32, i32, i32
  }
  func.func @transform_2(%arg0: i32) -> (i32, i32, i32, i32) {
    %c0_i32 = arith.constant 0 : i32
    %c0_i32_0 = arith.constant 0 : i32
    %c0_i32_1 = arith.constant 0 : i32
    %c0_i32_2 = arith.constant 0 : i32
    %c0_i32_3 = arith.constant 0 : i32
    return %c0_i32, %c0_i32_0, %c0_i32_1, %c0_i32_2 : i32, i32, i32, i32
  }
  func.func @transform_3(%arg0: i32) -> (i32, i32) {
    %c0_i32 = arith.constant 0 : i32
    %c0_i32_0 = arith.constant 0 : i32
    return %c0_i32, %arg0 : i32, i32
  }
  func.func @transform_4(%arg0: i32) -> (i32, i32) {
    %c0_i32 = arith.constant 0 : i32
    %c0_i32_0 = arith.constant 0 : i32
    return %c0_i32, %arg0 : i32, i32
  }
}

</mosaic_0001>

<sc_bundles>
// kernel: gather_offload_async_start.1
scs
__scs_entry_jumppad:
0x0: {  	(pc) =	sbr.rel $0x88, $3  }
0x1: {  	(tag) =	ssettag $0x0;
	lr =	simm.s32 $0x1  }
0x2: {  	[smem:$0x3F96] =	sst lr;
	_ =	strace $0xD0000000  }
0x3: {  	_ = 	snop  }
0x4: {  	_ = 	snop  }
0x5: {  	_ = 	snop  }
0x6: {  	_ = 	snop  }
0x7: {  	_ = 	snop  }
__scs_overlays_trampoline_lowered:
0x8: {  	[smem:$0x3FA5] =	sst s0  }
0x9: {  	[smem:$0x3FA6] =	sst s1  }
0xa: {  	[smem:$0x3FA7] =	sst s2  }
0xb: {  	[smem:$0x3FA8] =	sst s3  }
0xc: {  	[smem:$0x3FA9] =	sst s4  }
0xd: {  	[smem:$0x3FAA] =	sst s5  }
0xe: {  	[smem:$0x3FAB] =	sst s6  }
0xf: {  	[smem:$0x3FAC] =	sst s7  }
0x10: {  	[smem:$0x3FAD] =	sst s8  }
0x11: {  	[smem:$0x3FAE] =	sst s9;
	s0 =	simm.s32 @!p0 $0x0  }
0x12: {  	s1 =	sld [smem:$0x3F94];
	s0 =	simm.s32 @p0 $0x1  }
0x13: {  	[smem:$0x3FAF] =	sst s0;
	s0 =	simm.s32 @!p1 $0x0  }
0x14: {  	s2 =	sld [smem:$0x3F93];
	s0 =	simm.s32 @p1 $0x1  }
0x15: {  	[smem:$0x3FB0] =	sst s0;
	s0 =	simm.s32 @!p2 $0x0  }
0x16: {  	s3 =	sld [smem:$0x3FDB];
	s0 =	simm.s32 @p2 $0x1  }
0x17: {  	s4 =	simm.s32 $0x1BF5;
	[smem:$0x3FB2] =	sst s0  }
0x18: {  	s0 =	sld [smem:$0x3F95];
	_ =	swait.ge [sflag:s4], $0x0  }
0x19: {  	s7 =	sld [smem:$0x3F96]  }
0x1a: {  	s8 =	sadd.s32 $0xFFFFE003, lr  }
0x1b: {  	s9 =	sadd.s32 $0xFFFFFEF7, lr;
	s5 =	simm.s32 $0xFFFFFFFF;
	p2 =	slt.u32 s8, $0xFFFFF086  }
0x1c: {  	p1 =	slt.u32 s9, $0xF7A;
	s5 =	simm.s32 @!p2 $0x0  }
0x1d: {  	s5 =	simm.s32 @p1 $0x1;
	p0 =	seq.s32 s7, s2  }
0x1e: {  	s7 =	smul.u32 @!p0 $0xF7A, s2;
	p2 =	seq.s32 @!p0 s5, $0x0  }
0x1f: {  	s9 =	smul.u32 $0xF7A, s1;
	s8 =	simm.s32 @!p0 $0x1BF5;
	p2 =	por !p2, p0  }
0x20: {  	[sflag:s8] =	ssyncset.s32 @!p0 $0xFFFFF086;
	s6 =	sadd.s32 @!p0 s3, s7;
	s7 =	simm.s32 @!p0 $0x108  }
0x21: {  	s3 =	sadd.s32 s3, s9;
	s6 =	sadd.s32 @!p0 $0x88, s6;
	s7 =	simm.s32 @p2 $0x1082  }
0x22: {  	[simem:s7], [sflag:s8] =	dma.local @!p0 [hbm:s6], $0xF7A  }
0x23: {  	s9 =	sor.u32 $0xD0000000, s2;
	s6 =	simm.s32 $0x108;
	_ =	swait.ge @!p0 [sflag:s8], $0x0  }
0x24: {  	s3 =	sadd.s32 $0x88, s3;
	s6 =	simm.s32 @!p1 $0x1082;
	[sflag:s4] =	ssyncset.s32 $0xFFFFF086  }
0x25: {  	[simem:s6], [sflag:s4] =	dma.local [hbm:s3], $0xF7A  }
0x26: {  	[smem:$0x3F96] =	sst s1;
	(tag) =	ssettag s2;
	_ =	strace s9  }
0x27: {  	s1 =	sld [smem:$0x3FA6]  }
0x28: {  	s2 =	sld [smem:$0x3FA7]  }
0x29: {  	s4 =	sld [smem:$0x3FA9]  }
0x2a: {  	p0 =	seq.s32 s5, $0x0;
	s5 =	sld [smem:$0x3FAA]  }
0x2b: {  	s6 =	sld [smem:$0x3FAB]  }
0x2c: {  	s7 =	sld [smem:$0x3FAC]  }
0x2d: {  	s3 =	simm.s32 $0x108;
	s8 =	sld [smem:$0x3FAD]  }
0x2e: {  	s3 =	simm.s32 @!p0 $0x1082;
	s9 =	sld [smem:$0x3FAE]  }
0x2f: {  	lr =	sadd.s32 s0, s3;
	s0 =	sld [smem:$0x3FA5]  }
0x30: {  	s3 =	sld [smem:$0x3FA8]  }
0x31: {  	[smem:$0x3FB1] =	sst s10  }
0x32: {  	s10 =	sld [smem:$0x3FAF];
	_ =	sdelay $0x3  }
0x33: {  	p0 =	seq.s32 s10, $0x1;
	s10 =	sld [smem:$0x3FB1];
	_ =	sdelay $0x3  }
0x34: {  	[smem:$0x3FB1] =	sst s10  }
0x35: {  	s10 =	sld [smem:$0x3FB0];
	_ =	sdelay $0x3  }
0x36: {  	p1 =	seq.s32 s10, $0x1;
	s10 =	sld [smem:$0x3FB1];
	_ =	sdelay $0x3  }
0x37: {  	[smem:$0x3FB1] =	sst s10  }
0x38: {  	s10 =	sld [smem:$0x3FB2]  }
0x39: {  	_ = 	snop;
	(pc) =	sbr.ind lr, $3  }
0x3a: {  	_ = 	snop  }
0x3b: {  	_ = 	snop  }
0x3c: {  	p2 =	seq.s32 s10, $0x1;
	s10 =	sld [smem:$0x3FB1]  }
0x3d: {  	_ =	shalt  }
0x3e: {  	_ =	shalt  }
0x3f: {  	_ =	shalt  }
0x40: {  	_ =	shalt  }
0x41: {  	_ =	shalt  }
0x42: {  	_ =	shalt  }
0x43: {  	_ =	shalt  }
0x44: {  	_ =	shalt  }
0x45: {  	_ =	shalt  }
0x46: {  	_ =	shalt  }
0x47: {  	_ =	shalt  }
0x48: {  	_ =	shalt  }
0x49: {  	_ =	shalt  }
0x4a: {  	_ =	shalt  }
0x4b: {  	_ =	shalt  }
0x4c: {  	_ =	shalt  }
0x4d: {  	_ =	shalt  }
0x4e: {  	_ =	shalt  }
0x4f: {  	_ =	shalt  }
0x50: {  	_ =	shalt  }
0x51: {  	_ =	shalt  }
0x52: {  	_ =	shalt  }
0x53: {  	_ =	shalt  }
0x54: {  	_ =	shalt  }
0x55: {  	_ =	shalt  }
0x56: {  	_ =	shalt  }
0x57: {  	_ =	shalt  }
0x58: {  	_ =	shalt  }
0x59: {  	_ =	shalt  }
0x5a: {  	_ =	shalt  }
0x5b: {  	_ =	shalt  }
0x5c: {  	_ =	shalt  }
0x5d: {  	_ =	shalt  }
0x5e: {  	_ =	shalt  }
0x5f: {  	_ =	shalt  }
0x60: {  	_ =	shalt  }
0x61: {  	_ =	shalt  }
0x62: {  	_ =	shalt  }
0x63: {  	_ =	shalt  }
0x64: {  	_ =	shalt  }
0x65: {  	_ =	shalt  }
0x66: {  	_ =	shalt  }
0x67: {  	_ =	shalt  }
0x68: {  	_ =	shalt  }
0x69: {  	_ =	shalt  }
0x6a: {  	_ =	shalt  }
0x6b: {  	_ =	shalt  }
0x6c: {  	_ =	shalt  }
0x6d: {  	_ =	shalt  }
0x6e: {  	_ =	shalt  }
0x6f: {  	_ =	shalt  }
0x70: {  	_ =	shalt  }
0x71: {  	_ =	shalt  }
0x72: {  	_ =	shalt  }
0x73: {  	_ =	shalt  }
0x74: {  	_ =	shalt  }
0x75: {  	_ =	shalt  }
0x76: {  	_ =	shalt  }
0x77: {  	_ =	shalt  }
0x78: {  	_ =	shalt  }
0x79: {  	_ =	shalt  }
0x7a: {  	_ =	shalt  }
0x7b: {  	_ =	shalt  }
0x7c: {  	_ =	shalt  }
0x7d: {  	_ =	shalt  }
0x7e: {  	_ =	shalt  }
0x7f: {  	_ =	shalt  }
0x80: {  	_ =	shalt  }
0x81: {  	_ =	shalt  }
0x82: {  	_ =	shalt  }
0x83: {  	_ =	shalt  }
0x84: {  	_ =	shalt  }
0x85: {  	_ =	shalt  }
0x86: {  	_ =	shalt  }
0x87: {  	_ =	shalt  }
.Lfunc_end0:
.L_simem_size_0:
called_computation.1_lowered:
.L_overlay_start_0:
0x88: {  	s2 =	sld [smem:$0x3FD9]  }
0x89: {  	s3 =	sld [smem:$0x3FFE];
	_ =	sdelay $0x1  }
0x8a: {  	s1 =	srdreg.scid  }
0x8b: {  	s0 =	sand.u32 $0x1, s1  }
0x8c: {  	s17 =	sshll.u32 s0, $0xA;
	s2 =	sadd.s32 s3, s2  }
0x8d: {  	s2 =	sadd.s32 s2, s17  }
0x8e: {  	[smem:$0x3FBD] =	sst s2  }
0x8f: {  	_ = 	snop  }
0x90: {  	s18 =	sld [smem:$0x3FD0];
	(tm) =	ssettm $0x1  }
0x91: {  	s19 =	sld [smem:$0x3FFB];
	_ =	sdelay $0x3  }
0x92: {  	_ =	strace s19  }
0x93: {  	s2 =	sld [smem:$0x3FFC];
	_ =	sdelay $0x3  }
0x94: {  	_ =	strace s2  }
0x95: {  	s2 =	sld [smem:$0x3FFD];
	_ =	sdelay $0x3  }
0x96: {  	_ =	strace s2  }
0x97: {  	_ =	strace $0x8FFFFFFF  }
0x98: {  	s20 =	sld [smem:$0x3FDB];
	_ =	sdelay $0x1  }
0x99: {  	s4 =	simm.s32 $_scs_section_size  }
0x9a: {  	s5 =	simm.s32 $_size__tile_overlayer_lowered;
	s6 =	simm.s32 $_tile_overlayer_lowered  }
0x9b: {  	s7 =	simm.s32 $0x1BFF;
	s21 =	sshll.u32 s6, $0x1;
	s4 =	sadd.s32 s4, s20  }
0x9c: {  	s22 =	simm.s32 $0x0;
	s5 =	sshll.u32 s5, $0x1;
	s6 =	sadd.s32 s21, s4  }
0x9d: {  	[timem:s22], [sflag:s7] =	dma.local [hbm:s6], s5  }
0x9e: {  	_ =	swait.ge [sflag:s7], s5  }
0x9f: {  	s5 =	ssub.s32 $0x0, s5;
	[sflag:s7] =	ssyncset.done $0x0  }
0xa0: {  	[sflag:s7] =	ssyncadd.s32 s5;
	_ =	sdelay $0x1  }
0xa1: {  	s23 =	simm.s32 $0x1B8B  }
0xa2: {  	_ =	swait.ge [sflag:s23], $0x1  }
0xa3: {  	[sflag:s23] =	ssyncset.done $0x0  }
0xa4: {  	[sflag:s23] =	ssyncadd.s32 $0xFFFFFFFF  }
0xa5: {  	s5 =	sld [smem:$0x0]  }
0xa6: {  	s6 =	sand.u32 $0xFFFFFFFE, s1  }
0xa7: {  	p0 =	sne.s32 s1, s6  }
0xa8: {  	s6 =	sshll.u32 @p0 s6, $0xE  }
0xa9: {  	s6 =	sadd.s32 @p0 $0x11B8D, s6;
	s7 =	sshll.u32 @p0 s5, $0x11  }
0xaa: {  	s6 =	sor.u32 @p0 s7, s6  }
0xab: {  	[sflag:s6] =	ssyncadd.remote.s32 @p0 $0x1;
	_ =	sdelay $0x1  }
0xac: {  	s6 =	simm.s32 @p0 $0x1B8D  }
0xad: {  	_ =	swait.eq @p0 [sflag:s6], $0x1  }
0xae: {  	[sflag:s6] =	ssyncadd.s32 @p0 $0xFFFFFFFF  }
0xaf: {  	s7 =	sshll.u32 @!p0 s1, $0xE  }
0xb0: {  	s7 =	sor.u32 @!p0 $0x4000, s7;
	s6 =	simm.s32 @!p0 $0x1B8D  }
0xb1: {  	s5 =	sshll.u32 @!p0 s5, $0x11;
	s7 =	sadd.s32 @!p0 $0x11B8D, s7;
	_ =	swait.eq @!p0 [sflag:s6], $0x1  }
0xb2: {  	s5 =	sor.u32 @!p0 s5, s7;
	[sflag:s6] =	ssyncadd.s32 @!p0 $0xFFFFFFFF  }
0xb3: {  	s25 =	simm.s32 $0x1B8E;
	s24 =	sld [smem:$0x3FFE];
	[sflag:s5] =	ssyncadd.remote.s32 @!p0 $0x1  }
0xb4: {  	s26 =	simm.s32 $execute0_lowered;
	[smem:$0x3FD2] =	sst s25  }
0xb5: {  	s6 =	sshll.u32 s26, $0x1;
	_ =	strace $0x80000049;
	[dreg:$0x1] =	wrdreg $0xFFFFFFFF  }
0xb6: {  	s28 =	simm.s32 $_size_execute0_lowered;
	s4 =	sadd.s32 s4, s6;
	[dreg:$0x0] =	wrdreg $0x0  }
0xb7: {  	s6 =	sshll.u32 s28, $0x1;
	[dreg:$0x2] =	wrdreg s4  }
0xb8: {  	[dreg:$0x3] =	wrdreg s6  }
0xb9: {  	[dreg:$0x4] =	wrdreg $0xC0  }
0xba: {  	_ =	task [dreg:s22], $0x5FFFF  }
0xbb: {  	[dreg:$0x1] =	wrdreg $0xFFFFFFFF  }
0xbc: {  	[dreg:$0x0] =	wrdreg $0x60  }
0xbd: {  	[dreg:$0x2] =	wrdreg s24  }
0xbe: {  	[dreg:$0x3] =	wrdreg s18  }
0xbf: {  	[dreg:$0x4] =	wrdreg $0xA  }
0xc0: {  	_ =	task.clear_ibuf [dreg:s22], $0x5FFFF;
	_ =	strace $0x90000049  }
0xc1: {  	s29 =	simm.s32 $0xA;
	_ =	strace $0x8000004B  }
0xc2: {  	_ =	swait.ge [sflag:s29], $0x1  }
0xc3: {  	[sflag:s29] =	ssyncadd.s32 $0xFFFFFFFF  }
0xc4: {  	_ =	strace $0x9000004B  }
0xc5: {  	_ =	sfence  }
0xc6: {  	s30 =	sld [smem:$0x0];
	_ =	sdelay $0x2  }
0xc7: {  	s31 =	sshll.u32 s1, $0xD;
	s1 =	sshrl.u32 s1, $0x2  }
0xc8: {  	s4 =	sand.u32 $0x4000, s31;
	s1 =	sadd.s32 s1, s30  }
0xc9: {  	s0 =	sor.u32 s4, s0;
	s1 =	sshll.u32 s1, $0x11  }
0xca: {  	s0 =	sor.u32 s1, s0  }
0xcb: {  	s0 =	sadd.s32 $0x8F2B, s0  }
0xcc: {  	[sflag:s0] =	ssyncadd.remote.s32 $0x1  }
0xcd: {  	_ =	sfence.sel $0xFFFF  }
0xce: {  	[dreg:$0x0] =	wrdreg $0xFFFFFFFF;
	(pc) =	sbr.abs _section_cstart, $3  }
0xcf: {  	[dreg:$0x1] =	wrdreg $0xFFFFFFFF  }
0xd0: {  	_ =	task.clear_ibuf [dreg:s22], $0x2FFFF;
	_ =	strace $0x9FFFFFFF  }
0xd1: {  	(tm) =	ssettm $0x7FFFFFFF  }
tec
execute0_lowered:
.L_overlay_start_1:
0x0: {  	(tag) =	ssettag $0x1  }
0x1: {  	s7 =	rddreg [dreg:$0x0]  }
0x2: {  	s2 =	rddreg [dreg:$0x1]  }
0x3: {  	s0 =	rddreg [dreg:$0x2]  }
0x4: {  	s1 =	srdreg.scid;
	_ =	strace $0x8000004A;
	s4 =	simm.s32 $0x1  }
0x5: {  	s9 =	simm.s32 $0x3;
	s12 =	simm.s32 $0x0;
	s5 =	sshll.u32 s1, $0x4  }
.Ltmp0:
0x6: {  	s1 =	stileid.u32;
	s5 =	sand.u32 $0x10, s5;
	(pc) =	sbr.rel .LBB2_1-.Ltmp0, $4  }
0x7: {  	s10 =	simm.s32 $0x0;
	s3 =	sadd.s32 $0x20200, s7;
	s6 =	sor.u32 s1, s5  }
0x8: {  	[sflag:s4] =	ssyncpa.u1 $0x0;
	s5 =	simm.s32 $0x2;
	s6 =	sshll.u32 s6, $0x7  }
0x9: {  	s7 =	sadd.s32 $0x30200, s7;
	[sflag:s5] =	ssyncpa.u1 $0x0;
	s8 =	sadd.s32 $0x80, s6  }
0xa: {  	vm0 =	vmmov $0xff;
	vm1 =	vcmask $0x3F20;
	[sflag:s9] =	ssyncpa.u1 $0x0;
	s9 =	simm.s32 $0x80;
	s11 =	smov.u32 s6  }
.LBB2_9:
0xb: {  	p0 =	seq.s32 s10, $0x2  }
.Ltmp1:
0xc: {  	_ = 	snop;
	(pc) =	sbr.rel @p0 .LBB2_11-.Ltmp1, $1  }
0xd: {  	_ =	sdelay $0x3  }
.LBB2_10:
0xe: {  	s12 =	sadd.s32 $0x80, s11  }
0xf: {  	s13 =	smov.u32 s6;
	p0 =	slt.s32 s12, s8  }
0x10: {  	s13 =	smov.u32 @p0 s12  }
0x11: {  	s10 =	sadd.s32 $0x1, s10;
	s12 =	smov.u32 s11;
	s11 =	smov.u32 s13  }
.LBB2_1:
0x12: {  	p0 =	sne.s32 s10, $0x0  }
.Ltmp2:
0x13: {  	_ = 	snop;
	(pc) =	sbr.rel @!p0 .LBB2_2-.Ltmp2, $1  }
0x14: {  	_ =	sdelay $0x3  }
0x15: {  	s13 =	sand.u32 $0x1, s10  }
0x16: {  	p0 =	seq.s32 s13, $0x0  }
.Ltmp3:
0x17: {  	_ = 	snop;
	(pc) =	sbr.rel @p0 .LBB2_9-.Ltmp3, $1  }
0x18: {  	_ =	sdelay $0x3  }
0x19: {  	_ =	swait.ge [sflag:s5], $0x80  }
0x1a: {  	[sflag:s5] =	ssyncset.done $0x0  }
0x1b: {  	s13 =	simm.s32 $0x0;
	[sflag:s5] =	ssyncadd.s32 $0xFFFFFF80  }
0x1c: {  	v0 =	vld.msk [tilespmem:s13+$0x80 ss:$0x1], $0xffff;
	_ =	sdelay $0x4  }
0x1d: {  	vm2 =	vgt.s32 v0, $0x0  }
0x1e: {  	v0 =	vnsel vm2, $0x0, v0  }
0x1f: {  	v0 =	vmin.u32 v0, $0xFFF  }
0x20: {  	v0 =	vshll.u32 v0, $0x4;
	_ =	sdelay $0x3  }
0x21: {  	s13 =	simm.s32 $0x4100  }
0x22: {  	[tilespmem:s13], [sflag:$0x1] =	stream.indirect_vreg.gather [hbm:s3], $0x80, v0, vm0, $0x38;
	[tilespmem:$0x8100] =	vst v63  }
0x23: {  	s14 =	simm.s32 $0x4500;
	s31 =	simm.s32 $0x10  }
0x24: {  	[tilespmem:s14], [sflag:$0x1] =	stream.indirect_vreg.gather [hbm:s3], $0x80, v0, vm1, $0x38;
	[tilespmem:$0x8100] =	vst v63  }
0x25: {  	s14 =	simm.s32 $0x80;
	v0 =	vld.msk [tilespmem:s31+$0x80 ss:$0x1], $0xffff  }
.LBB2_5:
0x26: {  	p0 =	sne.s32 s14, $0x1C0;
	_ =	sdelay $0x4  }
0x27: {  	vm2 =	vgt.s32 v0, $0x0  }
0x28: {  	v0 =	vnsel vm2, $0x0, v0  }
0x29: {  	v0 =	vmin.u32 v0, $0xFFF  }
0x2a: {  	v0 =	vshll.u32 v0, $0x4;
	_ =	sdelay $0x3  }
.Ltmp4:
0x2b: {  	s13 =	sadd.s32 $0x800, s13;
	(pc) =	sbr.rel @p0 .LBB2_5-.Ltmp4, $4  }
0x2c: {  	[tilespmem:s13], [sflag:$0x1] =	stream.indirect_vreg.gather [hbm:s3], $0x80, v0, vm0, $0x38;
	[tilespmem:$0x8100] =	vst v63  }
0x2d: {  	s15 =	sshra.s32 s14, $0x2;
	s16 =	sadd.s32 $0x400, s13  }
0x2e: {  	[tilespmem:s16], [sflag:$0x1] =	stream.indirect_vreg.gather [hbm:s3], $0x80, v0, vm1, $0x38;
	[tilespmem:$0x8100] =	vst v63  }
0x2f: {  	s14 =	sadd.s32 $0x40, s14;
	v0 =	vld.msk [tilespmem:s15+$0x80 ss:$0x1], $0xffff  }
0x30: {  	_ =	sdelay $0x3  }
0x31: {  	vm2 =	vgt.s32 v0, $0x0  }
0x32: {  	v0 =	vnsel vm2, $0x0, v0  }
0x33: {  	v0 =	vmin.u32 v0, $0xFFF  }
0x34: {  	v0 =	vshll.u32 v0, $0x4;
	_ =	sdelay $0x3  }
0x35: {  	s13 =	sadd.s32 $0x800, s13  }
0x36: {  	[tilespmem:s13], [sflag:$0x1] =	stream.indirect_vreg.gather [hbm:s3], $0x80, v0, vm0, $0x38;
	[tilespmem:$0x8100] =	vst v63  }
0x37: {  	s13 =	sadd.s32 $0x400, s13  }
0x38: {  	[tilespmem:s13], [sflag:$0x1] =	stream.indirect_vreg.gather [hbm:s3], $0x80, v0, vm1, $0x38;
	[tilespmem:$0x8100] =	vst v63  }
0x39: {  	s12 =	sshll.u32 s12, $0x4;
	s14 =	simm.s32 $0x80;
	_ =	swait.ge [sflag:s4], $0x4000  }
0x3a: {  	s15 =	simm.s32 $0x4500;
	s12 =	sadd.s32 s12, s7;
	[sflag:s4] =	ssyncset.done $0x0  }
0x3b: {  	s16 =	sadd.s32 $0x0, s12;
	s13 =	simm.s32 $0x4100;
	[sflag:s4] =	ssyncadd.s32 $0xFFFFC000  }
.LBB2_7:
0x3c: {  	[hbm:s16] =	stream.linear.scatter [tilespmem:s13], [sflag:$0x3], $0x400, $0x38;
	[tilespmem:$0x8100] =	vst v63  }
0x3d: {  	s16 =	smov.u32 s14;
	s13 =	smov.u32 s15;
	p0 =	sne.s32 s14, $0x780  }
.Ltmp5:
0x3e: {  	s14 =	sadd.s32 $0x80, s14;
	(pc) =	sbr.rel @p0 .LBB2_7-.Ltmp5, $2  }
0x3f: {  	_ =	sdelay $0x2  }
0x40: {  	s15 =	sadd.s32 $0x400, s15;
	s16 =	sadd.s32 s16, s12  }
.Ltmp6:
0x41: {  	(pc) =	sbr.rel .LBB2_9-.Ltmp6, $2  }
0x42: {  	_ =	sdelay $0x2  }
0x43: {  	[hbm:s16] =	stream.linear.scatter [tilespmem:s13], [sflag:$0x3], $0x400, $0x38;
	[tilespmem:$0x8100] =	vst v63  }
.LBB2_2:
.Ltmp7:
0x44: {  	(pc) =	sbr.rel .LBB2_10-.Ltmp7, $4  }
0x45: {  	_ = 	snop  }
0x46: {  	s12 =	sshrl.u32 s11, $0x3  }
0x47: {  	s13 =	sand.u32 $0x7, s11;
	s12 =	sadd.s32 s2, s12  }
0x48: {  	[tilespmem:s9], [sflag:$0x2] =	stream.linear.gather [hbm4b:s12+s13], $0x80, $0x38;
	[tilespmem:$0x8100] =	vst v63  }
.LBB2_11:
0x49: {  	s2 =	simm.s32 $0x3  }
0x4a: {  	_ =	swait.ge [sflag:s2], $0x4000  }
0x4b: {  	[sflag:s2] =	ssyncset.done $0x0  }
0x4c: {  	[sflag:s2] =	ssyncadd.s32 $0xFFFFC000  }
0x4d: {  	_ =	sfence.sel $0x180000  }
0x4e: {  	s3 =	simm.s32 $0x2;
	[bflag:$0x0] =	sbarrier.arrive $0xFFFF  }
0x4f: {  	[sflag:s3] =	ssyncpa.u1 $0x1  }
0x50: {  	s31 =	simm.s32 $0x1;
	[sflag:s2] =	ssyncpa.u1 $0x1  }
0x51: {  	[sflag:s31] =	ssyncpa.u1 $0x1  }
0x52: {  	p0 =	sne.s32 s1, $0x0;
	_ =	strace $0x9000004A  }
0x53: {  	s0 =	sadd.s32 @!p0 $0x100000, s0;
	[bflag:$0x2] =	sbarrier.arrive $0xFFFF  }
0x54: {  	[sflag:s0] =	ssyncadd.tile.s32 @!p0 $0x1;
	_ =	shalt  }
.Lfunc_end2:
_tile_overlayer_lowered:
.L_overlay_start_2:
0x55: {  	(tag) =	ssettag $0x2  }
0x56: {  	s0 =	rddreg [dreg:$0x0];
	s2 =	stileid.u32  }
0x57: {  	s1 =	rddreg [dreg:$0x1];
	p0 =	sne.s32 s2, $0x0  }
0x58: {  	s3 =	rddreg [dreg:$0x2];
	[bflag:$0x3] =	sbarrier.arrive $0xFFFF;
	s2 =	simm.s32 @!p0 $0x1C01  }
0x59: {  	[timem:s3], [sflag:s2] =	dma.local @!p0 [hbm:s0], s1  }
0x5a: {  	s0 =	simm.s32 @!p0 $0x1  }
0x5b: {  	_ =	swait.ge @!p0 [sflag:s0], s1  }
0x5c: {  	s1 =	ssub.s32 @!p0 $0x0, s1;
	[sflag:s0] =	ssyncset.done @!p0 $0x0  }
0x5d: {  	[sflag:s0] =	ssyncadd.s32 @!p0 s1  }
0x5e: {  	[bflag:$0x3] =	sbarrier.arrive $0xFFFF  }
0x5f: {  	_ =	shalt  }

// kernel: gather_offload_async_start.2
scs
__scs_entry_jumppad:
0x0: {  	(pc) =	sbr.rel $0x88, $3  }
0x1: {  	(tag) =	ssettag $0x0;
	lr =	simm.s32 $0x1  }
0x2: {  	[smem:$0x3F96] =	sst lr;
	_ =	strace $0xD0000000  }
0x3: {  	_ = 	snop  }
0x4: {  	_ = 	snop  }
0x5: {  	_ = 	snop  }
0x6: {  	_ = 	snop  }
0x7: {  	_ = 	snop  }
__scs_overlays_trampoline_lowered:
0x8: {  	[smem:$0x3FA5] =	sst s0  }
0x9: {  	[smem:$0x3FA6] =	sst s1  }
0xa: {  	[smem:$0x3FA7] =	sst s2  }
0xb: {  	[smem:$0x3FA8] =	sst s3  }
0xc: {  	[smem:$0x3FA9] =	sst s4  }
0xd: {  	[smem:$0x3FAA] =	sst s5  }
0xe: {  	[smem:$0x3FAB] =	sst s6  }
0xf: {  	[smem:$0x3FAC] =	sst s7  }
0x10: {  	[smem:$0x3FAD] =	sst s8  }
0x11: {  	[smem:$0x3FAE] =	sst s9;
	s0 =	simm.s32 @!p0 $0x0  }
0x12: {  	s1 =	sld [smem:$0x3F94];
	s0 =	simm.s32 @p0 $0x1  }
0x13: {  	[smem:$0x3FAF] =	sst s0;
	s0 =	simm.s32 @!p1 $0x0  }
0x14: {  	s2 =	sld [smem:$0x3F93];
	s0 =	simm.s32 @p1 $0x1  }
0x15: {  	[smem:$0x3FB0] =	sst s0;
	s0 =	simm.s32 @!p2 $0x0  }
0x16: {  	s3 =	sld [smem:$0x3FDB];
	s0 =	simm.s32 @p2 $0x1  }
0x17: {  	s4 =	simm.s32 $0x1BF5;
	[smem:$0x3FB2] =	sst s0  }
0x18: {  	s0 =	sld [smem:$0x3F95];
	_ =	swait.ge [sflag:s4], $0x0  }
0x19: {  	s7 =	sld [smem:$0x3F96]  }
0x1a: {  	s8 =	sadd.s32 $0xFFFFE003, lr  }
0x1b: {  	s9 =	sadd.s32 $0xFFFFFEF7, lr;
	s5 =	simm.s32 $0xFFFFFFFF;
	p2 =	slt.u32 s8, $0xFFFFF086  }
0x1c: {  	p1 =	slt.u32 s9, $0xF7A;
	s5 =	simm.s32 @!p2 $0x0  }
0x1d: {  	s5 =	simm.s32 @p1 $0x1;
	p0 =	seq.s32 s7, s2  }
0x1e: {  	s7 =	smul.u32 @!p0 $0xF7A, s2;
	p2 =	seq.s32 @!p0 s5, $0x0  }
0x1f: {  	s9 =	smul.u32 $0xF7A, s1;
	s8 =	simm.s32 @!p0 $0x1BF5;
	p2 =	por !p2, p0  }
0x20: {  	[sflag:s8] =	ssyncset.s32 @!p0 $0xFFFFF086;
	s6 =	sadd.s32 @!p0 s3, s7;
	s7 =	simm.s32 @!p0 $0x108  }
0x21: {  	s3 =	sadd.s32 s3, s9;
	s6 =	sadd.s32 @!p0 $0x88, s6;
	s7 =	simm.s32 @p2 $0x1082  }
0x22: {  	[simem:s7], [sflag:s8] =	dma.local @!p0 [hbm:s6], $0xF7A  }
0x23: {  	s9 =	sor.u32 $0xD0000000, s2;
	s6 =	simm.s32 $0x108;
	_ =	swait.ge @!p0 [sflag:s8], $0x0  }
0x24: {  	s3 =	sadd.s32 $0x88, s3;
	s6 =	simm.s32 @!p1 $0x1082;
	[sflag:s4] =	ssyncset.s32 $0xFFFFF086  }
0x25: {  	[simem:s6], [sflag:s4] =	dma.local [hbm:s3], $0xF7A  }
0x26: {  	[smem:$0x3F96] =	sst s1;
	(tag) =	ssettag s2;
	_ =	strace s9  }
0x27: {  	s1 =	sld [smem:$0x3FA6]  }
0x28: {  	s2 =	sld [smem:$0x3FA7]  }
0x29: {  	s4 =	sld [smem:$0x3FA9]  }
0x2a: {  	p0 =	seq.s32 s5, $0x0;
	s5 =	sld [smem:$0x3FAA]  }
0x2b: {  	s6 =	sld [smem:$0x3FAB]  }
0x2c: {  	s7 =	sld [smem:$0x3FAC]  }
0x2d: {  	s3 =	simm.s32 $0x108;
	s8 =	sld [smem:$0x3FAD]  }
0x2e: {  	s3 =	simm.s32 @!p0 $0x1082;
	s9 =	sld [smem:$0x3FAE]  }
0x2f: {  	lr =	sadd.s32 s0, s3;
	s0 =	sld [smem:$0x3FA5]  }
0x30: {  	s3 =	sld [smem:$0x3FA8]  }
0x31: {  	[smem:$0x3FB1] =	sst s10  }
0x32: {  	s10 =	sld [smem:$0x3FAF];
	_ =	sdelay $0x3  }
0x33: {  	p0 =	seq.s32 s10, $0x1;
	s10 =	sld [smem:$0x3FB1];
	_ =	sdelay $0x3  }
0x34: {  	[smem:$0x3FB1] =	sst s10  }
0x35: {  	s10 =	sld [smem:$0x3FB0];
	_ =	sdelay $0x3  }
0x36: {  	p1 =	seq.s32 s10, $0x1;
	s10 =	sld [smem:$0x3FB1];
	_ =	sdelay $0x3  }
0x37: {  	[smem:$0x3FB1] =	sst s10  }
0x38: {  	s10 =	sld [smem:$0x3FB2]  }
0x39: {  	_ = 	snop;
	(pc) =	sbr.ind lr, $3  }
0x3a: {  	_ = 	snop  }
0x3b: {  	_ = 	snop  }
0x3c: {  	p2 =	seq.s32 s10, $0x1;
	s10 =	sld [smem:$0x3FB1]  }
0x3d: {  	_ =	shalt  }
0x3e: {  	_ =	shalt  }
0x3f: {  	_ =	shalt  }
0x40: {  	_ =	shalt  }
0x41: {  	_ =	shalt  }
0x42: {  	_ =	shalt  }
0x43: {  	_ =	shalt  }
0x44: {  	_ =	shalt  }
0x45: {  	_ =	shalt  }
0x46: {  	_ =	shalt  }
0x47: {  	_ =	shalt  }
0x48: {  	_ =	shalt  }
0x49: {  	_ =	shalt  }
0x4a: {  	_ =	shalt  }
0x4b: {  	_ =	shalt  }
0x4c: {  	_ =	shalt  }
0x4d: {  	_ =	shalt  }
0x4e: {  	_ =	shalt  }
0x4f: {  	_ =	shalt  }
0x50: {  	_ =	shalt  }
0x51: {  	_ =	shalt  }
0x52: {  	_ =	shalt  }
0x53: {  	_ =	shalt  }
0x54: {  	_ =	shalt  }
0x55: {  	_ =	shalt  }
0x56: {  	_ =	shalt  }
0x57: {  	_ =	shalt  }
0x58: {  	_ =	shalt  }
0x59: {  	_ =	shalt  }
0x5a: {  	_ =	shalt  }
0x5b: {  	_ =	shalt  }
0x5c: {  	_ =	shalt  }
0x5d: {  	_ =	shalt  }
0x5e: {  	_ =	shalt  }
0x5f: {  	_ =	shalt  }
0x60: {  	_ =	shalt  }
0x61: {  	_ =	shalt  }
0x62: {  	_ =	shalt  }
0x63: {  	_ =	shalt  }
0x64: {  	_ =	shalt  }
0x65: {  	_ =	shalt  }
0x66: {  	_ =	shalt  }
0x67: {  	_ =	shalt  }
0x68: {  	_ =	shalt  }
0x69: {  	_ =	shalt  }
0x6a: {  	_ =	shalt  }
0x6b: {  	_ =	shalt  }
0x6c: {  	_ =	shalt  }
0x6d: {  	_ =	shalt  }
0x6e: {  	_ =	shalt  }
0x6f: {  	_ =	shalt  }
0x70: {  	_ =	shalt  }
0x71: {  	_ =	shalt  }
0x72: {  	_ =	shalt  }
0x73: {  	_ =	shalt  }
0x74: {  	_ =	shalt  }
0x75: {  	_ =	shalt  }
0x76: {  	_ =	shalt  }
0x77: {  	_ =	shalt  }
0x78: {  	_ =	shalt  }
0x79: {  	_ =	shalt  }
0x7a: {  	_ =	shalt  }
0x7b: {  	_ =	shalt  }
0x7c: {  	_ =	shalt  }
0x7d: {  	_ =	shalt  }
0x7e: {  	_ =	shalt  }
0x7f: {  	_ =	shalt  }
0x80: {  	_ =	shalt  }
0x81: {  	_ =	shalt  }
0x82: {  	_ =	shalt  }
0x83: {  	_ =	shalt  }
0x84: {  	_ =	shalt  }
0x85: {  	_ =	shalt  }
0x86: {  	_ =	shalt  }
0x87: {  	_ =	shalt  }
.Lfunc_end0:
.L_simem_size_0:
called_computation.2_lowered:
.L_overlay_start_0:
0x88: {  	s2 =	sld [smem:$0x3FD9]  }
0x89: {  	s3 =	sld [smem:$0x3FFE];
	_ =	sdelay $0x1  }
0x8a: {  	s1 =	srdreg.scid  }
0x8b: {  	s0 =	sand.u32 $0x1, s1  }
0x8c: {  	s16 =	sshll.u32 s0, $0xA;
	s2 =	sadd.s32 s3, s2  }
0x8d: {  	s2 =	sadd.s32 s2, s16  }
0x8e: {  	[smem:$0x3FBD] =	sst s2  }
0x8f: {  	_ = 	snop  }
0x90: {  	(tm) =	ssettm $0x1  }
0x91: {  	s17 =	sld [smem:$0x3FFB];
	_ =	sdelay $0x3  }
0x92: {  	_ =	strace s17  }
0x93: {  	s2 =	sld [smem:$0x3FFC];
	_ =	sdelay $0x3  }
0x94: {  	_ =	strace s2  }
0x95: {  	s2 =	sld [smem:$0x3FFD];
	_ =	sdelay $0x3  }
0x96: {  	_ =	strace s2  }
0x97: {  	_ =	strace $0x8FFFFFFF  }
0x98: {  	s18 =	sld [smem:$0x3FDB];
	_ =	sdelay $0x1  }
0x99: {  	s19 =	simm.s32 $_scs_section_size  }
0x9a: {  	s4 =	simm.s32 $_size__tile_overlayer_lowered;
	s5 =	simm.s32 $_tile_overlayer_lowered  }
0x9b: {  	s22 =	simm.s32 $0x1BFF;
	s21 =	sshll.u32 s5, $0x1;
	s2 =	sadd.s32 s19, s18  }
0x9c: {  	s6 =	simm.s32 $0x0;
	s20 =	sshll.u32 s4, $0x1;
	s4 =	sadd.s32 s21, s2  }
0x9d: {  	[timem:s6], [sflag:s22] =	dma.local [hbm:s4], s20  }
0x9e: {  	_ =	swait.ge [sflag:s22], s20  }
0x9f: {  	s3 =	ssub.s32 $0x0, s20;
	[sflag:s22] =	ssyncset.done $0x0  }
0xa0: {  	[sflag:s22] =	ssyncadd.s32 s3;
	_ =	sdelay $0x1  }
0xa1: {  	s23 =	simm.s32 $0x1B8B  }
0xa2: {  	_ =	swait.ge [sflag:s23], $0x1  }
0xa3: {  	[sflag:s23] =	ssyncset.done $0x0  }
0xa4: {  	s25 =	simm.s32 $0x1B8E;
	s24 =	sld [smem:$0x3FFE];
	[sflag:s23] =	ssyncadd.s32 $0xFFFFFFFF  }
0xa5: {  	s26 =	simm.s32 $execute0_lowered;
	[smem:$0x3FD2] =	sst s25  }
0xa6: {  	s4 =	sshll.u32 s26, $0x1;
	_ =	strace $0x8000004C;
	[dreg:$0x1] =	wrdreg $0xFFFFFFFF  }
0xa7: {  	s28 =	simm.s32 $_size_execute0_lowered;
	s2 =	sadd.s32 s2, s4;
	[dreg:$0x0] =	wrdreg $0x0  }
0xa8: {  	s4 =	sshll.u32 s28, $0x1;
	[dreg:$0x2] =	wrdreg s2  }
0xa9: {  	[dreg:$0x3] =	wrdreg s4  }
0xaa: {  	[dreg:$0x4] =	wrdreg $0xC0  }
0xab: {  	_ =	task [dreg:s6], $0x5FFFF  }
0xac: {  	[dreg:$0x1] =	wrdreg $0xFFFFFFFF  }
0xad: {  	[dreg:$0x0] =	wrdreg $0x60  }
0xae: {  	[dreg:$0x2] =	wrdreg s24  }
0xaf: {  	[dreg:$0x3] =	wrdreg $0x9  }
0xb0: {  	_ =	task.clear_ibuf [dreg:s6], $0x4FFFF;
	_ =	strace $0x9000004C  }
0xb1: {  	s29 =	simm.s32 $0x9;
	_ =	strace $0x8000004E  }
0xb2: {  	_ =	swait.ge [sflag:s29], $0x1  }
0xb3: {  	[sflag:s29] =	ssyncadd.s32 $0xFFFFFFFF  }
0xb4: {  	_ =	strace $0x9000004E  }
0xb5: {  	_ =	sfence  }
0xb6: {  	s30 =	sld [smem:$0x0];
	_ =	sdelay $0x2  }
0xb7: {  	s31 =	sshll.u32 s1, $0xD;
	s1 =	sshrl.u32 s1, $0x2  }
0xb8: {  	s3 =	sand.u32 $0x4000, s31;
	s1 =	sadd.s32 s1, s30  }
0xb9: {  	s0 =	sor.u32 s3, s0;
	s1 =	sshll.u32 s1, $0x11  }
0xba: {  	s0 =	sor.u32 s1, s0  }
0xbb: {  	s0 =	sadd.s32 $0x8F2B, s0  }
0xbc: {  	[sflag:s0] =	ssyncadd.remote.s32 $0x1  }
0xbd: {  	_ =	sfence.sel $0xFFFF  }
0xbe: {  	[dreg:$0x0] =	wrdreg $0xFFFFFFFF;
	(pc) =	sbr.abs _section_cstart, $3  }
0xbf: {  	[dreg:$0x1] =	wrdreg $0xFFFFFFFF  }
0xc0: {  	_ =	task.clear_ibuf [dreg:s6], $0x2FFFF;
	_ =	strace $0x9FFFFFFF  }
0xc1: {  	(tm) =	ssettm $0x7FFFFFFF  }
tec
execute0_lowered:
.L_overlay_start_1:
0x0: {  	(tag) =	ssettag $0x1  }
0x1: {  	s2 =	rddreg [dreg:$0x0]  }
0x2: {  	s0 =	rddreg [dreg:$0x1]  }
0x3: {  	s1 =	srdreg.scid;
	_ =	strace $0x8000004D;
	s4 =	simm.s32 $0x1  }
0x4: {  	s9 =	simm.s32 $0x3;
	s12 =	simm.s32 $0x0;
	s5 =	sshll.u32 s1, $0x4  }
.Ltmp0:
0x5: {  	s1 =	stileid.u32;
	s5 =	sand.u32 $0x10, s5;
	(pc) =	sbr.rel .LBB2_1-.Ltmp0, $4  }
0x6: {  	s10 =	simm.s32 $0x0;
	s3 =	sadd.s32 $0x10000, s2;
	s6 =	sor.u32 s1, s5  }
0x7: {  	[sflag:s4] =	ssyncpa.u1 $0x0;
	s5 =	simm.s32 $0x2;
	s6 =	sshll.u32 s6, $0x7  }
0x8: {  	s7 =	sadd.s32 $0x10200, s2;
	[sflag:s5] =	ssyncpa.u1 $0x0;
	s8 =	sadd.s32 $0x80, s6  }
0x9: {  	vm0 =	vmmov $0xff;
	vm1 =	vcmask $0x3F20;
	[sflag:s9] =	ssyncpa.u1 $0x0;
	s9 =	simm.s32 $0x80;
	s11 =	smov.u32 s6  }
.LBB2_9:
0xa: {  	p0 =	seq.s32 s10, $0x2  }
.Ltmp1:
0xb: {  	_ = 	snop;
	(pc) =	sbr.rel @p0 .LBB2_11-.Ltmp1, $1  }
0xc: {  	_ =	sdelay $0x3  }
.LBB2_10:
0xd: {  	s12 =	sadd.s32 $0x80, s11  }
0xe: {  	s13 =	smov.u32 s6;
	p0 =	slt.s32 s12, s8  }
0xf: {  	s13 =	smov.u32 @p0 s12  }
0x10: {  	s10 =	sadd.s32 $0x1, s10;
	s12 =	smov.u32 s11;
	s11 =	smov.u32 s13  }
.LBB2_1:
0x11: {  	p0 =	sne.s32 s10, $0x0  }
.Ltmp2:
0x12: {  	_ = 	snop;
	(pc) =	sbr.rel @!p0 .LBB2_2-.Ltmp2, $1  }
0x13: {  	_ =	sdelay $0x3  }
0x14: {  	s13 =	sand.u32 $0x1, s10  }
0x15: {  	p0 =	seq.s32 s13, $0x0  }
.Ltmp3:
0x16: {  	_ = 	snop;
	(pc) =	sbr.rel @p0 .LBB2_9-.Ltmp3, $1  }
0x17: {  	_ =	sdelay $0x3  }
0x18: {  	_ =	swait.ge [sflag:s5], $0x80  }
0x19: {  	[sflag:s5] =	ssyncset.done $0x0  }
0x1a: {  	s13 =	simm.s32 $0x0;
	[sflag:s5] =	ssyncadd.s32 $0xFFFFFF80  }
0x1b: {  	v0 =	vld.msk [tilespmem:s13+$0x80 ss:$0x1], $0xffff;
	_ =	sdelay $0x4  }
0x1c: {  	vm2 =	vgt.s32 v0, $0x0  }
0x1d: {  	v0 =	vnsel vm2, $0x0, v0  }
0x1e: {  	v0 =	vmin.u32 v0, $0xFFF  }
0x1f: {  	v0 =	vshll.u32 v0, $0x4;
	_ =	sdelay $0x3  }
0x20: {  	s13 =	simm.s32 $0x4100  }
0x21: {  	[tilespmem:s13], [sflag:$0x1] =	stream.indirect_vreg.gather [hbm:s2], $0x80, v0, vm0, $0x38;
	[tilespmem:$0x8100] =	vst v63  }
0x22: {  	s14 =	simm.s32 $0x4500;
	s31 =	simm.s32 $0x10  }
0x23: {  	[tilespmem:s14], [sflag:$0x1] =	stream.indirect_vreg.gather [hbm:s2], $0x80, v0, vm1, $0x38;
	[tilespmem:$0x8100] =	vst v63  }
0x24: {  	s14 =	simm.s32 $0x80;
	v0 =	vld.msk [tilespmem:s31+$0x80 ss:$0x1], $0xffff  }
.LBB2_5:
0x25: {  	p0 =	sne.s32 s14, $0x1C0;
	_ =	sdelay $0x4  }
0x26: {  	vm2 =	vgt.s32 v0, $0x0  }
0x27: {  	v0 =	vnsel vm2, $0x0, v0  }
0x28: {  	v0 =	vmin.u32 v0, $0xFFF  }
0x29: {  	v0 =	vshll.u32 v0, $0x4;
	_ =	sdelay $0x3  }
.Ltmp4:
0x2a: {  	s13 =	sadd.s32 $0x800, s13;
	(pc) =	sbr.rel @p0 .LBB2_5-.Ltmp4, $4  }
0x2b: {  	[tilespmem:s13], [sflag:$0x1] =	stream.indirect_vreg.gather [hbm:s2], $0x80, v0, vm0, $0x38;
	[tilespmem:$0x8100] =	vst v63  }
0x2c: {  	s15 =	sshra.s32 s14, $0x2;
	s16 =	sadd.s32 $0x400, s13  }
0x2d: {  	[tilespmem:s16], [sflag:$0x1] =	stream.indirect_vreg.gather [hbm:s2], $0x80, v0, vm1, $0x38;
	[tilespmem:$0x8100] =	vst v63  }
0x2e: {  	s14 =	sadd.s32 $0x40, s14;
	v0 =	vld.msk [tilespmem:s15+$0x80 ss:$0x1], $0xffff  }
0x2f: {  	_ =	sdelay $0x3  }
0x30: {  	vm2 =	vgt.s32 v0, $0x0  }
0x31: {  	v0 =	vnsel vm2, $0x0, v0  }
0x32: {  	v0 =	vmin.u32 v0, $0xFFF  }
0x33: {  	v0 =	vshll.u32 v0, $0x4;
	_ =	sdelay $0x3  }
0x34: {  	s13 =	sadd.s32 $0x800, s13  }
0x35: {  	[tilespmem:s13], [sflag:$0x1] =	stream.indirect_vreg.gather [hbm:s2], $0x80, v0, vm0, $0x38;
	[tilespmem:$0x8100] =	vst v63  }
0x36: {  	s13 =	sadd.s32 $0x400, s13  }
0x37: {  	[tilespmem:s13], [sflag:$0x1] =	stream.indirect_vreg.gather [hbm:s2], $0x80, v0, vm1, $0x38;
	[tilespmem:$0x8100] =	vst v63  }
0x38: {  	s12 =	sshll.u32 s12, $0x4;
	s14 =	simm.s32 $0x80;
	_ =	swait.ge [sflag:s4], $0x4000  }
0x39: {  	s15 =	simm.s32 $0x4500;
	s12 =	sadd.s32 s12, s7;
	[sflag:s4] =	ssyncset.done $0x0  }
0x3a: {  	s16 =	sadd.s32 $0x0, s12;
	s13 =	simm.s32 $0x4100;
	[sflag:s4] =	ssyncadd.s32 $0xFFFFC000  }
.LBB2_7:
0x3b: {  	[hbm:s16] =	stream.linear.scatter [tilespmem:s13], [sflag:$0x3], $0x400, $0x38;
	[tilespmem:$0x8100] =	vst v63  }
0x3c: {  	s16 =	smov.u32 s14;
	s13 =	smov.u32 s15;
	p0 =	sne.s32 s14, $0x780  }
.Ltmp5:
0x3d: {  	s14 =	sadd.s32 $0x80, s14;
	(pc) =	sbr.rel @p0 .LBB2_7-.Ltmp5, $2  }
0x3e: {  	_ =	sdelay $0x2  }
0x3f: {  	s15 =	sadd.s32 $0x400, s15;
	s16 =	sadd.s32 s16, s12  }
.Ltmp6:
0x40: {  	(pc) =	sbr.rel .LBB2_9-.Ltmp6, $2  }
0x41: {  	_ =	sdelay $0x2  }
0x42: {  	[hbm:s16] =	stream.linear.scatter [tilespmem:s13], [sflag:$0x3], $0x400, $0x38;
	[tilespmem:$0x8100] =	vst v63  }
.LBB2_2:
.Ltmp7:
0x43: {  	(pc) =	sbr.rel .LBB2_10-.Ltmp7, $4  }
0x44: {  	_ = 	snop  }
0x45: {  	s12 =	sshrl.u32 s11, $0x3  }
0x46: {  	s13 =	sand.u32 $0x7, s11;
	s12 =	sadd.s32 s3, s12  }
0x47: {  	[tilespmem:s9], [sflag:$0x2] =	stream.linear.gather [hbm4b:s12+s13], $0x80, $0x38;
	[tilespmem:$0x8100] =	vst v63  }
.LBB2_11:
0x48: {  	s2 =	simm.s32 $0x3  }
0x49: {  	_ =	swait.ge [sflag:s2], $0x4000  }
0x4a: {  	[sflag:s2] =	ssyncset.done $0x0  }
0x4b: {  	[sflag:s2] =	ssyncadd.s32 $0xFFFFC000  }
0x4c: {  	_ =	sfence.sel $0x180000  }
0x4d: {  	s3 =	simm.s32 $0x2;
	[bflag:$0x0] =	sbarrier.arrive $0xFFFF  }
0x4e: {  	[sflag:s3] =	ssyncpa.u1 $0x1  }
0x4f: {  	s31 =	simm.s32 $0x1;
	[sflag:s2] =	ssyncpa.u1 $0x1  }
0x50: {  	[sflag:s31] =	ssyncpa.u1 $0x1  }
0x51: {  	p0 =	sne.s32 s1, $0x0;
	_ =	strace $0x9000004D  }
0x52: {  	s0 =	sadd.s32 @!p0 $0x100000, s0;
	[bflag:$0x2] =	sbarrier.arrive $0xFFFF  }
0x53: {  	[sflag:s0] =	ssyncadd.tile.s32 @!p0 $0x1;
	_ =	shalt  }
.Lfunc_end2:
_tile_overlayer_lowered:
.L_overlay_start_2:
0x54: {  	(tag) =	ssettag $0x2  }
0x55: {  	s0 =	rddreg [dreg:$0x0];
	s2 =	stileid.u32  }
0x56: {  	s1 =	rddreg [dreg:$0x1];
	p0 =	sne.s32 s2, $0x0  }
0x57: {  	s3 =	rddreg [dreg:$0x2];
	[bflag:$0x3] =	sbarrier.arrive $0xFFFF;
	s2 =	simm.s32 @!p0 $0x1C01  }
0x58: {  	[timem:s3], [sflag:s2] =	dma.local @!p0 [hbm:s0], s1  }
0x59: {  	s0 =	simm.s32 @!p0 $0x1  }
0x5a: {  	_ =	swait.ge @!p0 [sflag:s0], s1  }
0x5b: {  	s1 =	ssub.s32 @!p0 $0x0, s1;
	[sflag:s0] =	ssyncset.done @!p0 $0x0  }
0x5c: {  	[sflag:s0] =	ssyncadd.s32 @!p0 s1  }
0x5d: {  	[bflag:$0x3] =	sbarrier.arrive $0xFFFF  }
0x5e: {  	_ =	shalt  }

// kernel: gather_offload_async_start
scs
__scs_entry_jumppad:
0x0: {  	(pc) =	sbr.rel $0x88, $3  }
0x1: {  	(tag) =	ssettag $0x0;
	lr =	simm.s32 $0x1  }
0x2: {  	[smem:$0x3F96] =	sst lr;
	_ =	strace $0xD0000000  }
0x3: {  	_ = 	snop  }
0x4: {  	_ = 	snop  }
0x5: {  	_ = 	snop  }
0x6: {  	_ = 	snop  }
0x7: {  	_ = 	snop  }
__scs_overlays_trampoline_lowered:
0x8: {  	[smem:$0x3FA5] =	sst s0  }
0x9: {  	[smem:$0x3FA6] =	sst s1  }
0xa: {  	[smem:$0x3FA7] =	sst s2  }
0xb: {  	[smem:$0x3FA8] =	sst s3  }
0xc: {  	[smem:$0x3FA9] =	sst s4  }
0xd: {  	[smem:$0x3FAA] =	sst s5  }
0xe: {  	[smem:$0x3FAB] =	sst s6  }
0xf: {  	[smem:$0x3FAC] =	sst s7  }
0x10: {  	[smem:$0x3FAD] =	sst s8  }
0x11: {  	[smem:$0x3FAE] =	sst s9;
	s0 =	simm.s32 @!p0 $0x0  }
0x12: {  	s1 =	sld [smem:$0x3F94];
	s0 =	simm.s32 @p0 $0x1  }
0x13: {  	[smem:$0x3FAF] =	sst s0;
	s0 =	simm.s32 @!p1 $0x0  }
0x14: {  	s2 =	sld [smem:$0x3F93];
	s0 =	simm.s32 @p1 $0x1  }
0x15: {  	[smem:$0x3FB0] =	sst s0;
	s0 =	simm.s32 @!p2 $0x0  }
0x16: {  	s3 =	sld [smem:$0x3FDB];
	s0 =	simm.s32 @p2 $0x1  }
0x17: {  	s4 =	simm.s32 $0x1BF5;
	[smem:$0x3FB2] =	sst s0  }
0x18: {  	s0 =	sld [smem:$0x3F95];
	_ =	swait.ge [sflag:s4], $0x0  }
0x19: {  	s7 =	sld [smem:$0x3F96]  }
0x1a: {  	s8 =	sadd.s32 $0xFFFFE003, lr  }
0x1b: {  	s9 =	sadd.s32 $0xFFFFFEF7, lr;
	s5 =	simm.s32 $0xFFFFFFFF;
	p2 =	slt.u32 s8, $0xFFFFF086  }
0x1c: {  	p1 =	slt.u32 s9, $0xF7A;
	s5 =	simm.s32 @!p2 $0x0  }
0x1d: {  	s5 =	simm.s32 @p1 $0x1;
	p0 =	seq.s32 s7, s2  }
0x1e: {  	s7 =	smul.u32 @!p0 $0xF7A, s2;
	p2 =	seq.s32 @!p0 s5, $0x0  }
0x1f: {  	s9 =	smul.u32 $0xF7A, s1;
	s8 =	simm.s32 @!p0 $0x1BF5;
	p2 =	por !p2, p0  }
0x20: {  	[sflag:s8] =	ssyncset.s32 @!p0 $0xFFFFF086;
	s6 =	sadd.s32 @!p0 s3, s7;
	s7 =	simm.s32 @!p0 $0x108  }
0x21: {  	s3 =	sadd.s32 s3, s9;
	s6 =	sadd.s32 @!p0 $0x88, s6;
	s7 =	simm.s32 @p2 $0x1082  }
0x22: {  	[simem:s7], [sflag:s8] =	dma.local @!p0 [hbm:s6], $0xF7A  }
0x23: {  	s9 =	sor.u32 $0xD0000000, s2;
	s6 =	simm.s32 $0x108;
	_ =	swait.ge @!p0 [sflag:s8], $0x0  }
0x24: {  	s3 =	sadd.s32 $0x88, s3;
	s6 =	simm.s32 @!p1 $0x1082;
	[sflag:s4] =	ssyncset.s32 $0xFFFFF086  }
0x25: {  	[simem:s6], [sflag:s4] =	dma.local [hbm:s3], $0xF7A  }
0x26: {  	[smem:$0x3F96] =	sst s1;
	(tag) =	ssettag s2;
	_ =	strace s9  }
0x27: {  	s1 =	sld [smem:$0x3FA6]  }
0x28: {  	s2 =	sld [smem:$0x3FA7]  }
0x29: {  	s4 =	sld [smem:$0x3FA9]  }
0x2a: {  	p0 =	seq.s32 s5, $0x0;
	s5 =	sld [smem:$0x3FAA]  }
0x2b: {  	s6 =	sld [smem:$0x3FAB]  }
0x2c: {  	s7 =	sld [smem:$0x3FAC]  }
0x2d: {  	s3 =	simm.s32 $0x108;
	s8 =	sld [smem:$0x3FAD]  }
0x2e: {  	s3 =	simm.s32 @!p0 $0x1082;
	s9 =	sld [smem:$0x3FAE]  }
0x2f: {  	lr =	sadd.s32 s0, s3;
	s0 =	sld [smem:$0x3FA5]  }
0x30: {  	s3 =	sld [smem:$0x3FA8]  }
0x31: {  	[smem:$0x3FB1] =	sst s10  }
0x32: {  	s10 =	sld [smem:$0x3FAF];
	_ =	sdelay $0x3  }
0x33: {  	p0 =	seq.s32 s10, $0x1;
	s10 =	sld [smem:$0x3FB1];
	_ =	sdelay $0x3  }
0x34: {  	[smem:$0x3FB1] =	sst s10  }
0x35: {  	s10 =	sld [smem:$0x3FB0];
	_ =	sdelay $0x3  }
0x36: {  	p1 =	seq.s32 s10, $0x1;
	s10 =	sld [smem:$0x3FB1];
	_ =	sdelay $0x3  }
0x37: {  	[smem:$0x3FB1] =	sst s10  }
0x38: {  	s10 =	sld [smem:$0x3FB2]  }
0x39: {  	_ = 	snop;
	(pc) =	sbr.ind lr, $3  }
0x3a: {  	_ = 	snop  }
0x3b: {  	_ = 	snop  }
0x3c: {  	p2 =	seq.s32 s10, $0x1;
	s10 =	sld [smem:$0x3FB1]  }
0x3d: {  	_ =	shalt  }
0x3e: {  	_ =	shalt  }
0x3f: {  	_ =	shalt  }
0x40: {  	_ =	shalt  }
0x41: {  	_ =	shalt  }
0x42: {  	_ =	shalt  }
0x43: {  	_ =	shalt  }
0x44: {  	_ =	shalt  }
0x45: {  	_ =	shalt  }
0x46: {  	_ =	shalt  }
0x47: {  	_ =	shalt  }
0x48: {  	_ =	shalt  }
0x49: {  	_ =	shalt  }
0x4a: {  	_ =	shalt  }
0x4b: {  	_ =	shalt  }
0x4c: {  	_ =	shalt  }
0x4d: {  	_ =	shalt  }
0x4e: {  	_ =	shalt  }
0x4f: {  	_ =	shalt  }
0x50: {  	_ =	shalt  }
0x51: {  	_ =	shalt  }
0x52: {  	_ =	shalt  }
0x53: {  	_ =	shalt  }
0x54: {  	_ =	shalt  }
0x55: {  	_ =	shalt  }
0x56: {  	_ =	shalt  }
0x57: {  	_ =	shalt  }
0x58: {  	_ =	shalt  }
0x59: {  	_ =	shalt  }
0x5a: {  	_ =	shalt  }
0x5b: {  	_ =	shalt  }
0x5c: {  	_ =	shalt  }
0x5d: {  	_ =	shalt  }
0x5e: {  	_ =	shalt  }
0x5f: {  	_ =	shalt  }
0x60: {  	_ =	shalt  }
0x61: {  	_ =	shalt  }
0x62: {  	_ =	shalt  }
0x63: {  	_ =	shalt  }
0x64: {  	_ =	shalt  }
0x65: {  	_ =	shalt  }
0x66: {  	_ =	shalt  }
0x67: {  	_ =	shalt  }
0x68: {  	_ =	shalt  }
0x69: {  	_ =	shalt  }
0x6a: {  	_ =	shalt  }
0x6b: {  	_ =	shalt  }
0x6c: {  	_ =	shalt  }
0x6d: {  	_ =	shalt  }
0x6e: {  	_ =	shalt  }
0x6f: {  	_ =	shalt  }
0x70: {  	_ =	shalt  }
0x71: {  	_ =	shalt  }
0x72: {  	_ =	shalt  }
0x73: {  	_ =	shalt  }
0x74: {  	_ =	shalt  }
0x75: {  	_ =	shalt  }
0x76: {  	_ =	shalt  }
0x77: {  	_ =	shalt  }
0x78: {  	_ =	shalt  }
0x79: {  	_ =	shalt  }
0x7a: {  	_ =	shalt  }
0x7b: {  	_ =	shalt  }
0x7c: {  	_ =	shalt  }
0x7d: {  	_ =	shalt  }
0x7e: {  	_ =	shalt  }
0x7f: {  	_ =	shalt  }
0x80: {  	_ =	shalt  }
0x81: {  	_ =	shalt  }
0x82: {  	_ =	shalt  }
0x83: {  	_ =	shalt  }
0x84: {  	_ =	shalt  }
0x85: {  	_ =	shalt  }
0x86: {  	_ =	shalt  }
0x87: {  	_ =	shalt  }
.Lfunc_end0:
.L_simem_size_0:
called_computation_lowered:
.L_overlay_start_0:
0x88: {  	s2 =	sld [smem:$0x3FD9]  }
0x89: {  	s3 =	sld [smem:$0x3FFE];
	_ =	sdelay $0x1  }
0x8a: {  	s1 =	srdreg.scid  }
0x8b: {  	s0 =	sand.u32 $0x1, s1  }
0x8c: {  	s17 =	sshll.u32 s0, $0xA;
	s2 =	sadd.s32 s3, s2  }
0x8d: {  	s2 =	sadd.s32 s2, s17  }
0x8e: {  	[smem:$0x3FBD] =	sst s2  }
0x8f: {  	_ = 	snop  }
0x90: {  	s2 =	sld [smem:$0x3FD0];
	(tm) =	ssettm $0x1  }
0x91: {  	s18 =	sld [smem:$0x3FFB];
	_ =	sdelay $0x3  }
0x92: {  	_ =	strace s18  }
0x93: {  	s3 =	sld [smem:$0x3FFC];
	_ =	sdelay $0x3  }
0x94: {  	_ =	strace s3  }
0x95: {  	s3 =	sld [smem:$0x3FFD];
	_ =	sdelay $0x3  }
0x96: {  	_ =	strace s3  }
0x97: {  	_ =	strace $0x8FFFFFFF  }
0x98: {  	s19 =	sld [smem:$0x3FDB];
	_ =	sdelay $0x1  }
0x99: {  	s4 =	simm.s32 $_scs_section_size  }
0x9a: {  	s5 =	simm.s32 $_size__tile_overlayer_lowered;
	s6 =	simm.s32 $_tile_overlayer_lowered  }
0x9b: {  	s22 =	simm.s32 $0x1BFF;
	s21 =	sshll.u32 s6, $0x1;
	s3 =	sadd.s32 s4, s19  }
0x9c: {  	s7 =	simm.s32 $0x0;
	s20 =	sshll.u32 s5, $0x1;
	s5 =	sadd.s32 s21, s3  }
0x9d: {  	[timem:s7], [sflag:s22] =	dma.local [hbm:s5], s20  }
0x9e: {  	_ =	swait.ge [sflag:s22], s20  }
0x9f: {  	s4 =	ssub.s32 $0x0, s20;
	[sflag:s22] =	ssyncset.done $0x0  }
0xa0: {  	[sflag:s22] =	ssyncadd.s32 s4;
	_ =	sdelay $0x1  }
0xa1: {  	s23 =	simm.s32 $0x1B8B  }
0xa2: {  	_ =	swait.ge [sflag:s23], $0x1  }
0xa3: {  	[sflag:s23] =	ssyncset.done $0x0  }
0xa4: {  	s25 =	simm.s32 $0x1B8E;
	s24 =	sld [smem:$0x3FFE];
	[sflag:s23] =	ssyncadd.s32 $0xFFFFFFFF  }
0xa5: {  	s26 =	simm.s32 $execute0_lowered;
	[smem:$0x3FD2] =	sst s25  }
0xa6: {  	s5 =	sshll.u32 s26, $0x1;
	_ =	strace $0x80000046;
	[dreg:$0x1] =	wrdreg $0xFFFFFFFF  }
0xa7: {  	s28 =	simm.s32 $_size_execute0_lowered;
	s3 =	sadd.s32 s3, s5;
	[dreg:$0x0] =	wrdreg $0x0  }
0xa8: {  	s5 =	sshll.u32 s28, $0x1;
	[dreg:$0x2] =	wrdreg s3  }
0xa9: {  	[dreg:$0x3] =	wrdreg s5  }
0xaa: {  	[dreg:$0x4] =	wrdreg $0xC0  }
0xab: {  	_ =	task [dreg:s7], $0x5FFFF  }
0xac: {  	[dreg:$0x1] =	wrdreg $0xFFFFFFFF  }
0xad: {  	[dreg:$0x0] =	wrdreg $0x60  }
0xae: {  	[dreg:$0x2] =	wrdreg s24  }
0xaf: {  	[dreg:$0x3] =	wrdreg s2  }
0xb0: {  	[dreg:$0x4] =	wrdreg $0x9  }
0xb1: {  	_ =	task.clear_ibuf [dreg:s7], $0x5FFFF;
	_ =	strace $0x90000046  }
0xb2: {  	s29 =	simm.s32 $0x9;
	_ =	strace $0x80000048  }
0xb3: {  	_ =	swait.ge [sflag:s29], $0x1  }
0xb4: {  	[sflag:s29] =	ssyncadd.s32 $0xFFFFFFFF  }
0xb5: {  	_ =	strace $0x90000048  }
0xb6: {  	_ =	sfence  }
0xb7: {  	s30 =	sld [smem:$0x0];
	_ =	sdelay $0x2  }
0xb8: {  	s31 =	sshll.u32 s1, $0xD;
	s1 =	sshrl.u32 s1, $0x2  }
0xb9: {  	s3 =	sand.u32 $0x4000, s31;
	s1 =	sadd.s32 s1, s30  }
0xba: {  	s0 =	sor.u32 s3, s0;
	s1 =	sshll.u32 s1, $0x11  }
0xbb: {  	s0 =	sor.u32 s1, s0  }
0xbc: {  	s0 =	sadd.s32 $0x8F2B, s0  }
0xbd: {  	[sflag:s0] =	ssyncadd.remote.s32 $0x1  }
0xbe: {  	_ =	sfence.sel $0xFFFF  }
0xbf: {  	[dreg:$0x0] =	wrdreg $0xFFFFFFFF;
	(pc) =	sbr.abs _section_cstart, $3  }
0xc0: {  	[dreg:$0x1] =	wrdreg $0xFFFFFFFF  }
0xc1: {  	_ =	task.clear_ibuf [dreg:s7], $0x2FFFF;
	_ =	strace $0x9FFFFFFF  }
0xc2: {  	(tm) =	ssettm $0x7FFFFFFF  }
0xc3: {  	_ =	shalt  }
tec
execute0_lowered:
.L_overlay_start_1:
0x0: {  	(tag) =	ssettag $0x1  }
0x1: {  	s2 =	rddreg [dreg:$0x0]  }
0x2: {  	s3 =	rddreg [dreg:$0x1]  }
0x3: {  	s0 =	rddreg [dreg:$0x2];
	s1 =	srdreg.scid;
	_ =	strace $0x80000047  }
0x4: {  	s4 =	simm.s32 $0x1;
	s9 =	simm.s32 $0x3;
	s5 =	sshll.u32 s1, $0x4  }
.Ltmp0:
0x5: {  	s1 =	stileid.u32;
	s5 =	sand.u32 $0x10, s5;
	(pc) =	sbr.rel .LBB2_1-.Ltmp0, $4  }
0x6: {  	s12 =	simm.s32 $0x0;
	s10 =	simm.s32 $0x0;
	s6 =	sor.u32 s1, s5  }
0x7: {  	[sflag:s4] =	ssyncpa.u1 $0x0;
	s5 =	simm.s32 $0x2;
	s6 =	sshll.u32 s6, $0x7  }
0x8: {  	s7 =	sadd.s32 $0x10200, s2;
	[sflag:s5] =	ssyncpa.u1 $0x0;
	s8 =	sadd.s32 $0x80, s6  }
0x9: {  	vm0 =	vmmov $0xff;
	vm1 =	vcmask $0x3F20;
	[sflag:s9] =	ssyncpa.u1 $0x0;
	s9 =	simm.s32 $0x80;
	s11 =	smov.u32 s6  }
.LBB2_9:
0xa: {  	p0 =	seq.s32 s10, $0x2  }
.Ltmp1:
0xb: {  	_ = 	snop;
	(pc) =	sbr.rel @p0 .LBB2_11-.Ltmp1, $1  }
0xc: {  	_ =	sdelay $0x3  }
.LBB2_10:
0xd: {  	s12 =	sadd.s32 $0x80, s11  }
0xe: {  	s13 =	smov.u32 s6;
	p0 =	slt.s32 s12, s8  }
0xf: {  	s13 =	smov.u32 @p0 s12  }
0x10: {  	s10 =	sadd.s32 $0x1, s10;
	s12 =	smov.u32 s11;
	s11 =	smov.u32 s13  }
.LBB2_1:
0x11: {  	p0 =	sne.s32 s10, $0x0  }
.Ltmp2:
0x12: {  	_ = 	snop;
	(pc) =	sbr.rel @!p0 .LBB2_2-.Ltmp2, $1  }
0x13: {  	_ =	sdelay $0x3  }
0x14: {  	s13 =	sand.u32 $0x1, s10  }
0x15: {  	p0 =	seq.s32 s13, $0x0  }
.Ltmp3:
0x16: {  	_ = 	snop;
	(pc) =	sbr.rel @p0 .LBB2_9-.Ltmp3, $1  }
0x17: {  	_ =	sdelay $0x3  }
0x18: {  	_ =	swait.ge [sflag:s5], $0x80  }
0x19: {  	[sflag:s5] =	ssyncset.done $0x0  }
0x1a: {  	s13 =	simm.s32 $0x0;
	[sflag:s5] =	ssyncadd.s32 $0xFFFFFF80  }
0x1b: {  	v0 =	vld.msk [tilespmem:s13+$0x80 ss:$0x1], $0xffff;
	_ =	sdelay $0x4  }
0x1c: {  	vm2 =	vgt.s32 v0, $0x0  }
0x1d: {  	v0 =	vnsel vm2, $0x0, v0  }
0x1e: {  	v0 =	vmin.u32 v0, $0xFFF  }
0x1f: {  	v0 =	vshll.u32 v0, $0x4;
	_ =	sdelay $0x3  }
0x20: {  	s13 =	simm.s32 $0x4100  }
0x21: {  	[tilespmem:s13], [sflag:$0x1] =	stream.indirect_vreg.gather [hbm:s2], $0x80, v0, vm0, $0x38;
	[tilespmem:$0x8100] =	vst v63  }
0x22: {  	s14 =	simm.s32 $0x4500;
	s31 =	simm.s32 $0x10  }
0x23: {  	[tilespmem:s14], [sflag:$0x1] =	stream.indirect_vreg.gather [hbm:s2], $0x80, v0, vm1, $0x38;
	[tilespmem:$0x8100] =	vst v63  }
0x24: {  	s14 =	simm.s32 $0x80;
	v0 =	vld.msk [tilespmem:s31+$0x80 ss:$0x1], $0xffff  }
.LBB2_5:
0x25: {  	p0 =	sne.s32 s14, $0x1C0;
	_ =	sdelay $0x4  }
0x26: {  	vm2 =	vgt.s32 v0, $0x0  }
0x27: {  	v0 =	vnsel vm2, $0x0, v0  }
0x28: {  	v0 =	vmin.u32 v0, $0xFFF  }
0x29: {  	v0 =	vshll.u32 v0, $0x4;
	_ =	sdelay $0x3  }
.Ltmp4:
0x2a: {  	s13 =	sadd.s32 $0x800, s13;
	(pc) =	sbr.rel @p0 .LBB2_5-.Ltmp4, $4  }
0x2b: {  	[tilespmem:s13], [sflag:$0x1] =	stream.indirect_vreg.gather [hbm:s2], $0x80, v0, vm0, $0x38;
	[tilespmem:$0x8100] =	vst v63  }
0x2c: {  	s15 =	sshra.s32 s14, $0x2;
	s16 =	sadd.s32 $0x400, s13  }
0x2d: {  	[tilespmem:s16], [sflag:$0x1] =	stream.indirect_vreg.gather [hbm:s2], $0x80, v0, vm1, $0x38;
	[tilespmem:$0x8100] =	vst v63  }
0x2e: {  	s14 =	sadd.s32 $0x40, s14;
	v0 =	vld.msk [tilespmem:s15+$0x80 ss:$0x1], $0xffff  }
0x2f: {  	_ =	sdelay $0x3  }
0x30: {  	vm2 =	vgt.s32 v0, $0x0  }
0x31: {  	v0 =	vnsel vm2, $0x0, v0  }
0x32: {  	v0 =	vmin.u32 v0, $0xFFF  }
0x33: {  	v0 =	vshll.u32 v0, $0x4;
	_ =	sdelay $0x3  }
0x34: {  	s13 =	sadd.s32 $0x800, s13  }
0x35: {  	[tilespmem:s13], [sflag:$0x1] =	stream.indirect_vreg.gather [hbm:s2], $0x80, v0, vm0, $0x38;
	[tilespmem:$0x8100] =	vst v63  }
0x36: {  	s13 =	sadd.s32 $0x400, s13  }
0x37: {  	[tilespmem:s13], [sflag:$0x1] =	stream.indirect_vreg.gather [hbm:s2], $0x80, v0, vm1, $0x38;
	[tilespmem:$0x8100] =	vst v63  }
0x38: {  	s12 =	sshll.u32 s12, $0x4;
	s14 =	simm.s32 $0x80;
	_ =	swait.ge [sflag:s4], $0x4000  }
0x39: {  	s15 =	simm.s32 $0x4500;
	s12 =	sadd.s32 s12, s7;
	[sflag:s4] =	ssyncset.done $0x0  }
0x3a: {  	s16 =	sadd.s32 $0x0, s12;
	s13 =	simm.s32 $0x4100;
	[sflag:s4] =	ssyncadd.s32 $0xFFFFC000  }
.LBB2_7:
0x3b: {  	[hbm:s16] =	stream.linear.scatter [tilespmem:s13], [sflag:$0x3], $0x400, $0x38;
	[tilespmem:$0x8100] =	vst v63  }
0x3c: {  	s16 =	smov.u32 s14;
	s13 =	smov.u32 s15;
	p0 =	sne.s32 s14, $0x780  }
.Ltmp5:
0x3d: {  	s14 =	sadd.s32 $0x80, s14;
	(pc) =	sbr.rel @p0 .LBB2_7-.Ltmp5, $2  }
0x3e: {  	_ =	sdelay $0x2  }
0x3f: {  	s15 =	sadd.s32 $0x400, s15;
	s16 =	sadd.s32 s16, s12  }
.Ltmp6:
0x40: {  	(pc) =	sbr.rel .LBB2_9-.Ltmp6, $2  }
0x41: {  	_ =	sdelay $0x2  }
0x42: {  	[hbm:s16] =	stream.linear.scatter [tilespmem:s13], [sflag:$0x3], $0x400, $0x38;
	[tilespmem:$0x8100] =	vst v63  }
.LBB2_2:
.Ltmp7:
0x43: {  	(pc) =	sbr.rel .LBB2_10-.Ltmp7, $4  }
0x44: {  	_ = 	snop  }
0x45: {  	s12 =	sshrl.u32 s11, $0x3  }
0x46: {  	s13 =	sand.u32 $0x7, s11;
	s12 =	sadd.s32 s3, s12  }
0x47: {  	[tilespmem:s9], [sflag:$0x2] =	stream.linear.gather [hbm4b:s12+s13], $0x80, $0x38;
	[tilespmem:$0x8100] =	vst v63  }
.LBB2_11:
0x48: {  	s2 =	simm.s32 $0x3  }
0x49: {  	_ =	swait.ge [sflag:s2], $0x4000  }
0x4a: {  	[sflag:s2] =	ssyncset.done $0x0  }
0x4b: {  	[sflag:s2] =	ssyncadd.s32 $0xFFFFC000  }
0x4c: {  	_ =	sfence.sel $0x180000  }
0x4d: {  	s3 =	simm.s32 $0x2;
	[bflag:$0x0] =	sbarrier.arrive $0xFFFF  }
0x4e: {  	[sflag:s3] =	ssyncpa.u1 $0x1  }
0x4f: {  	s31 =	simm.s32 $0x1;
	[sflag:s2] =	ssyncpa.u1 $0x1  }
0x50: {  	[sflag:s31] =	ssyncpa.u1 $0x1  }
0x51: {  	p0 =	sne.s32 s1, $0x0;
	_ =	strace $0x90000047  }
0x52: {  	s0 =	sadd.s32 @!p0 $0x100000, s0;
	[bflag:$0x2] =	sbarrier.arrive $0xFFFF  }
0x53: {  	[sflag:s0] =	ssyncadd.tile.s32 @!p0 $0x1;
	_ =	shalt  }
.Lfunc_end2:
_tile_overlayer_lowered:
.L_overlay_start_2:
0x54: {  	(tag) =	ssettag $0x2  }
0x55: {  	s0 =	rddreg [dreg:$0x0];
	s2 =	stileid.u32  }
0x56: {  	s1 =	rddreg [dreg:$0x1];
	p0 =	sne.s32 s2, $0x0  }
0x57: {  	s3 =	rddreg [dreg:$0x2];
	[bflag:$0x3] =	sbarrier.arrive $0xFFFF;
	s2 =	simm.s32 @!p0 $0x1C01  }
0x58: {  	[timem:s3], [sflag:s2] =	dma.local @!p0 [hbm:s0], s1  }
0x59: {  	s0 =	simm.s32 @!p0 $0x1  }
0x5a: {  	_ =	swait.ge @!p0 [sflag:s0], s1  }
0x5b: {  	s1 =	ssub.s32 @!p0 $0x0, s1;
	[sflag:s0] =	ssyncset.done @!p0 $0x0  }
0x5c: {  	[sflag:s0] =	ssyncadd.s32 @!p0 s1  }
0x5d: {  	[bflag:$0x3] =	sbarrier.arrive $0xFFFF  }
0x5e: {  	_ =	shalt  }

</sc_bundles>
